<compile_context>
chip_gen: v7x
topology: tpu7x:2x2x1
jax: 0.10.2.dev20260603
libtpu: 0.0.44.dev20260713+nightly
codegen_flags: <defaults>
</compile_context>

<pallas_src>
import functools

import jax
import jax.numpy as jnp
from jax import lax
from jax.experimental import pallas as pl
from jax.experimental.pallas import tpu as pltpu
from jax.experimental.pallas import tpu_sc as plsc

K_SIZE = 15
KP = 16
IN_DIM = 128
OUT_DIM = 128
SIGMA = 2.0
DIM = 3
N_POINTS = 10000
N_NEIGHBORS = 32
AUX = 5
AUXO = 8

BQ = 200

_SC_INFO = plsc.get_sparse_core_info()
NW = _SC_INFO.num_cores * _SC_INFO.num_subcores
TOTAL_ROWS = N_POINTS * N_NEIGHBORS
PER_W = TOTAL_ROWS // NW
CH = 80
NB = 5
N_IT = PER_W // (CH * NB)
CHUNKS_W = PER_W // CH
LANES = 16


def _sc_gather_body(feats_hbm, aux_hbm, idx_hbm, f_out, a_out,
                    aux_tab, idx_all, rows_v, aux_v, g_sem, wb_sem):
    wid = lax.axis_index("s") * _SC_INFO.num_cores + lax.axis_index("c")
    base = wid * PER_W

    pltpu.sync_copy(aux_hbm, aux_tab)
    pltpu.sync_copy(idx_hbm.at[pl.ds(base, PER_W)], idx_all)
    zero = jnp.zeros((LANES,), jnp.float32)
    for z in range(CH * NB * AUXO // LANES):
        aux_v[pl.ds(z * LANES, LANES)] = zero

    def it(i, carry):
        off = base + i * (CH * NB)

        @pl.when(i > 0)
        def _():
            pltpu.make_async_copy(rows_v, f_out.at[pl.ds(0, CH * NB)],
                                  wb_sem).wait()
            pltpu.make_async_copy(aux_v, a_out.at[pl.ds(0, CH * NB * AUXO)],
                                  wb_sem).wait()

        cps = []
        for j in range(NB):
            cps.append(pltpu.async_copy(
                feats_hbm.at[idx_all.at[pl.ds((i * NB + j) * CH, CH)]],
                rows_v.at[pl.ds(j * CH, CH)], g_sem))

        for j in range(NB):
            for v in range(CH // LANES):
                idx16 = idx_all[pl.ds((i * NB + j) * CH + v * LANES,
                                      LANES)] * AUX
                dst = (lax.iota(jnp.int32, LANES)
                       + (j * CH + v * LANES)) * AUXO
                for c in range(AUX):
                    vals = plsc.load_gather(aux_tab, [idx16 + c])
                    plsc.store_scatter(aux_v, [dst + c], vals)

        for cp in cps:
            cp.wait()

        pltpu.async_copy(rows_v, f_out.at[pl.ds(off, CH * NB)], wb_sem)
        pltpu.async_copy(aux_v, a_out.at[pl.ds(off * AUXO, CH * NB * AUXO)],
                         wb_sem)
        return carry

    lax.fori_loop(0, N_IT, it, 0)
    pltpu.make_async_copy(rows_v, f_out.at[pl.ds(0, CH * NB)], wb_sem).wait()
    pltpu.make_async_copy(aux_v, a_out.at[pl.ds(0, CH * NB * AUXO)],
                          wb_sem).wait()


def _sc_gather(feats, aux_flat, idx_flat):
    mesh = plsc.VectorSubcoreMesh(core_axis_name="c", subcore_axis_name="s")
    return pl.kernel(
        _sc_gather_body,
        out_type=(
            jax.ShapeDtypeStruct((TOTAL_ROWS, IN_DIM), jnp.float32),
            jax.ShapeDtypeStruct((TOTAL_ROWS * AUXO,), jnp.float32),
        ),
        mesh=mesh,
        compiler_params=pltpu.CompilerParams(needs_layout_passes=False),
        scratch_types=[
            pltpu.VMEM((N_POINTS * AUX,), jnp.float32),
            pltpu.VMEM((PER_W,), jnp.int32),
            pltpu.VMEM((CH * NB, IN_DIM), jnp.float32),
            pltpu.VMEM((CH * NB * AUXO,), jnp.float32),
            pltpu.SemaphoreType.DMA,
            pltpu.SemaphoreType.DMA,
        ],
    )(feats, aux_flat, idx_flat)


def _tc_body(f_ref, aux_ref, qp_ref, kph_ref, w_ref, out_ref):
    nf = f_ref[...].reshape(BQ, N_NEIGHBORS, IN_DIM)
    qp = qp_ref[...]

    aux3 = aux_ref[...].reshape(BQ, N_NEIGHBORS, AUXO)
    rel = aux3 - qp[:, None, :]
    rc = rel[:, :, :4]
    r2 = jnp.sum(rc * rc, axis=2, keepdims=True)

    dn = (((2,), (0,)), ((), ()))
    relh = rel.astype(jnp.bfloat16)
    rell = (rel - relh.astype(jnp.float32)).astype(jnp.bfloat16)
    kph = kph_ref[...].astype(jnp.bfloat16)
    kpl = (kph_ref[...] - kph.astype(jnp.float32)).astype(jnp.bfloat16)
    cross = (
        jax.lax.dot_general(relh, kph, dimension_numbers=dn,
                            preferred_element_type=jnp.float32)
        + jax.lax.dot_general(relh, kpl, dimension_numbers=dn,
                              preferred_element_type=jnp.float32)
        + jax.lax.dot_general(rell, kph, dimension_numbers=dn,
                              preferred_element_type=jnp.float32)
        + jax.lax.dot_general(rell, kpl, dimension_numbers=dn,
                              preferred_element_type=jnp.float32)
    )
    sq = jnp.maximum(r2 + cross, 0.0)
    wk = jnp.maximum(1.0 - jnp.sqrt(sq) * (1.0 / SIGMA), 0.0)

    wf = jax.lax.dot_general(
        wk, nf,
        dimension_numbers=(((1,), (1,)), ((0,), (0,))),
        preferred_element_type=jnp.float32,
    )

    ind = aux3[:, :, 4]
    cnt = jnp.maximum(jnp.sum(ind, axis=1, keepdims=True), 1.0)

    acc = jnp.dot(wf.reshape(BQ, KP * IN_DIM), w_ref[...],
                  preferred_element_type=jnp.float32)
    out_ref[...] = acc / cnt


@jax.jit
def _run(s_feats, aux_flat, q_points, idx_flat, weights_pad, kph):
    f_g, a_g = _sc_gather(s_feats, aux_flat, idx_flat)
    a_g = a_g.reshape(TOTAL_ROWS, AUXO)

    grid = N_POINTS // BQ
    return pl.pallas_call(
        _tc_body,
        grid=(grid,),
        in_specs=[
            pl.BlockSpec((BQ * N_NEIGHBORS, IN_DIM), lambda i: (i, 0)),
            pl.BlockSpec((BQ * N_NEIGHBORS, AUXO), lambda i: (i, 0)),
            pl.BlockSpec((BQ, AUXO), lambda i: (i, 0)),
            pl.BlockSpec((AUXO, KP), lambda i: (0, 0)),
            pl.BlockSpec((KP * IN_DIM, OUT_DIM), lambda i: (0, 0)),
        ],
        out_specs=pl.BlockSpec((BQ, OUT_DIM), lambda i: (i, 0)),
        out_shape=jax.ShapeDtypeStruct((N_POINTS, OUT_DIM), jnp.float32),
    )(f_g, a_g, q_points, kph, weights_pad)


def kernel(s_feats, q_points, s_points, neighbor_indices, weights, kernel_points):
    ones = jnp.ones((N_POINTS, 1), jnp.float32)
    ind = (jnp.sum(s_feats, axis=1, keepdims=True) > 0.0).astype(jnp.float32)
    aux = jnp.concatenate([s_points, ones, ind], axis=1)
    qp_pad = jnp.pad(q_points, ((0, 0), (0, AUXO - DIM)))
    kp_packed = jnp.zeros((AUXO, KP), jnp.float32)
    kp_packed = kp_packed.at[:3, :K_SIZE].set(-2.0 * kernel_points.T)
    kp_packed = kp_packed.at[3, :K_SIZE].set(
        jnp.sum(kernel_points ** 2, axis=1) - 1.0)
    kp_packed = kp_packed.at[3, K_SIZE].set(-1e9)
    weights_pad = jnp.concatenate(
        [weights, jnp.zeros((KP - K_SIZE, IN_DIM, OUT_DIM), jnp.float32)],
        axis=0).reshape(KP * IN_DIM, OUT_DIM)
    return _run(s_feats, aux.reshape(-1), qp_pad,
                neighbor_indices.reshape(-1), weights_pad, kp_packed)

# --- scband reference (transcript-rebuilt; emitter-appended) ---
"""Pipeline reference for scband-kpconv-74998718923126 (READ-ONLY COPY).

The authoritative reference and input builder live on the scoring server;
editing this copy changes nothing except your own understanding.
"""

import jax, jax.numpy as jnp
import numpy as np

K_SIZE = 15
IN_DIM = 128
OUT_DIM = 128
RADIUS = 2.5
SIGMA = 2.0
DIM = 3
INF = 1000000.0
N_POINTS = 10000
N_NEIGHBORS = 32


def _kernel_points():
    # Deterministic stand-in for load_kernels(radius, kernel_size, dimension=3, fixed='center'):
    # kernel points distributed in a sphere of given radius, first point fixed at center.
    rng = np.random.RandomState(42)
    pts = rng.randn(K_SIZE, DIM)
    pts = pts / (np.linalg.norm(pts, axis=1, keepdims=True) + 1e-12)
    r = rng.rand(K_SIZE, 1) ** (1.0 / DIM)
    pts = pts * r * RADIUS
    pts[0, :] = 0.0
    return pts.astype(np.float32)


def setup_inputs(seed: int = 0) -> dict:
    key = jax.random.key(seed)
    k1, k2, k3, k4, k5 = jax.random.split(key, 5)
    s_feats = jax.random.normal(k1, (N_POINTS, IN_DIM), dtype=jnp.float32)
    q_points = jax.random.normal(k2, (N_POINTS, DIM), dtype=jnp.float32)
    s_points = jax.random.normal(k3, (N_POINTS, DIM), dtype=jnp.float32)
    neighbor_indices = jax.random.randint(k4, (N_POINTS, N_NEIGHBORS), 0, N_POINTS, dtype=jnp.int32)
    # kaiming_uniform_(a=sqrt(5)) on [K, in, out]: fan_in = in*out, gain = sqrt(2/(1+5)), bound = gain*sqrt(3/fan_in)
    fan_in = IN_DIM * OUT_DIM
    gain = np.sqrt(2.0 / (1.0 + 5.0))
    bound = gain * np.sqrt(3.0 / fan_in)
    weights = jax.random.uniform(k5, (K_SIZE, IN_DIM, OUT_DIM), minval=-bound, maxval=bound, dtype=jnp.float32)
    kernel_points = jnp.asarray(_kernel_points())
    return {
        "s_feats": s_feats,
        "q_points": q_points,
        "s_points": s_points,
        "neighbor_indices": neighbor_indices,
        "weights": weights,
        "kernel_points": kernel_points,
    }


def reference(s_feats, q_points, s_points, neighbor_indices, weights, kernel_points):
    # pad support points with a far-away point so out-of-range/shadow neighbors get zero weight
    s_points_pad = jnp.concatenate([s_points, jnp.zeros_like(s_points[:1, :]) + INF], axis=0)
    neighbors = jnp.take(s_points_pad, neighbor_indices, axis=0)          # [Nq, Knb, 3]
    neighbors = neighbors - q_points[:, None, :]                          # center on query
    differences = neighbors[:, :, None, :] - kernel_points[None, None, :, :]  # [Nq, Knb, Kk, 3]
    sq_distances = jnp.sum(differences ** 2, axis=3)                      # [Nq, Knb, Kk]
    neighbor_weights = jnp.maximum(1.0 - jnp.sqrt(sq_distances) / SIGMA, 0.0)
    neighbor_weights = jnp.transpose(neighbor_weights, (0, 2, 1))         # [Nq, Kk, Knb]
    s_feats_pad = jnp.concatenate([s_feats, jnp.zeros_like(s_feats[:1, :])], axis=0)
    neighbor_feats = jnp.take(s_feats_pad, neighbor_indices, axis=0)      # [Nq, Knb, d_in]
    weighted_feats = jnp.matmul(neighbor_weights, neighbor_feats)         # [Nq, Kk, d_in]
    weighted_feats = jnp.transpose(weighted_feats, (1, 0, 2))             # [Kk, Nq, d_in]
    kernel_outputs = jnp.matmul(weighted_feats, weights)                  # [Kk, Nq, d_out]
    output_feats = jnp.sum(kernel_outputs, axis=0)                        # [Nq, d_out]
    # normalization by number of valid neighbors
    neighbor_feats_sum = jnp.sum(neighbor_feats, axis=-1)                 # [Nq, Knb]
    neighbor_num = jnp.sum(neighbor_feats_sum > 0.0, axis=-1)             # [Nq]
    neighbor_num = jnp.maximum(neighbor_num, jnp.ones_like(neighbor_num))
    output_feats = output_feats / neighbor_num.astype(output_feats.dtype)[:, None]
    return output_feats

if __name__ == "__main__":
    import jax
    _d = setup_inputs()
    print(jax.jit(kernel)(*tuple(_d.values())))

</pallas_src>

<mosaic_0001>
#map = affine_map<(d0, d1) -> (0, 0)>
#map1 = affine_map<(d0, d1) -> (0)>
module attributes {stable_mosaic.version = 14 : i64} {
  func.func @_sc_gather_body(%arg0: i32, %arg1: i32, %arg2: memref<10000x128xf32, #tpu.memory_space<hbm>>, %arg3: memref<50000xf32, #tpu.memory_space<hbm>>, %arg4: memref<320000xi32, #tpu.memory_space<hbm>>, %arg5: memref<320000x128xf32, #tpu.memory_space<hbm>>, %arg6: memref<2560000xf32, #tpu.memory_space<hbm>>, %arg7: memref<50000xf32, #tpu.memory_space<vmem>>, %arg8: memref<10000xi32, #tpu.memory_space<vmem>>, %arg9: memref<400x128xf32, #tpu.memory_space<vmem>>, %arg10: memref<3200xf32, #tpu.memory_space<vmem>>, %arg11: memref<!tpu.dma_semaphore, #tpu.memory_space<semaphore_mem>>, %arg12: memref<!tpu.dma_semaphore, #tpu.memory_space<semaphore_mem>>) attributes {dimension_semantics = [#tpu.dimension_semantics<core_parallel>, #tpu.dimension_semantics<subcore_parallel>], iteration_bounds = array<i64: 2, 16>, scalar_prefetch = 0 : i64, scratch_operands = 6 : i64, tpu.core_type = #tpu.core_type<sc_vector_subcore>, window_params = [{transform_indices = #map}, {transform_indices = #map1}, {transform_indices = #map1}, {transform_indices = #map}, {transform_indices = #map1}]} {
    %mul3A = arith.constant 2 : i32
    %mul3A_0 = arith.muli %arg1, %mul3A : i32
    %add3A = arith.addi %mul3A_0, %arg0 : i32
    %mul3A_1 = arith.constant 10000 : i32
    %mul3A_2 = arith.muli %add3A, %mul3A_1 : i32
    "tpu.region"() ({
      %run_scoped3A = tpu.sem_alloc : memref<!tpu.dma_semaphore, #tpu.memory_space<semaphore_mem>>
      tpu.enqueue_dma source(%arg3 : memref<50000xf32, #tpu.memory_space<hbm>>) target(%arg7 : memref<50000xf32, #tpu.memory_space<vmem>>) target_semaphore(%run_scoped3A : memref<!tpu.dma_semaphore, #tpu.memory_space<semaphore_mem>>)
      tpu.wait_dma2 semaphore(%run_scoped3A : memref<!tpu.dma_semaphore, #tpu.memory_space<semaphore_mem>>) src(%arg3 : memref<50000xf32, #tpu.memory_space<hbm>>) dst(%arg7 : memref<50000xf32, #tpu.memory_space<vmem>>)
      tpu.yield
    }) : () -> ()
    "tpu.region"() ({
      %run_scoped3A = tpu.sem_alloc : memref<!tpu.dma_semaphore, #tpu.memory_space<semaphore_mem>>
      %dma_start3A = tpu.memref_slice %arg4[%mul3A_2] : memref<320000xi32, #tpu.memory_space<hbm>> -> memref<10000xi32, #tpu.memory_space<hbm>>
      %dma_start3A_417 = tpu.memref_slice %arg4[%mul3A_2] : memref<320000xi32, #tpu.memory_space<hbm>> -> memref<10000xi32, #tpu.memory_space<hbm>>
      tpu.enqueue_dma source(%dma_start3A_417 : memref<10000xi32, #tpu.memory_space<hbm>>) target(%arg8 : memref<10000xi32, #tpu.memory_space<vmem>>) target_semaphore(%run_scoped3A : memref<!tpu.dma_semaphore, #tpu.memory_space<semaphore_mem>>)
      %dma_wait3A_418 = tpu.memref_slice %arg4[%mul3A_2] : memref<320000xi32, #tpu.memory_space<hbm>> -> memref<10000xi32, #tpu.memory_space<hbm>>
      %dma_wait3A_419 = tpu.memref_slice %arg4[%mul3A_2] : memref<320000xi32, #tpu.memory_space<hbm>> -> memref<10000xi32, #tpu.memory_space<hbm>>
      tpu.wait_dma2 semaphore(%run_scoped3A : memref<!tpu.dma_semaphore, #tpu.memory_space<semaphore_mem>>) src(%dma_wait3A_419 : memref<10000xi32, #tpu.memory_space<hbm>>) dst(%arg8 : memref<10000xi32, #tpu.memory_space<vmem>>)
      tpu.yield
    }) : () -> ()
    %broadcast_in_dim3A = arith.constant 0.000000e+00 : f32
    %broadcast_in_dim3A_3 = vector.broadcast %broadcast_in_dim3A : f32 to vector<16xf32>
    %swap3A = arith.constant 0 : index
    %swap3A_4 = tpu.vector_load %arg10[%swap3A] {strides = array<i32>} : memref<3200xf32, #tpu.memory_space<vmem>>, vector<16xf32>,
    tpu.vector_store %arg10[%swap3A], %broadcast_in_dim3A_3 {strides = array<i32>} : memref<3200xf32, #tpu.memory_space<vmem>>, vector<16xf32>,
    %swap3A_5 = arith.constant 16 : index
    %swap3A_6 = tpu.vector_load %arg10[%swap3A_5] {strides = array<i32>} : memref<3200xf32, #tpu.memory_space<vmem>>, vector<16xf32>,
    tpu.vector_store %arg10[%swap3A_5], %broadcast_in_dim3A_3 {strides = array<i32>} : memref<3200xf32, #tpu.memory_space<vmem>>, vector<16xf32>,
    %swap3A_7 = arith.constant 32 : index
    %swap3A_8 = tpu.vector_load %arg10[%swap3A_7] {strides = array<i32>} : memref<3200xf32, #tpu.memory_space<vmem>>, vector<16xf32>,
    tpu.vector_store %arg10[%swap3A_7], %broadcast_in_dim3A_3 {strides = array<i32>} : memref<3200xf32, #tpu.memory_space<vmem>>, vector<16xf32>,
    %swap3A_9 = arith.constant 48 : index
    %swap3A_10 = tpu.vector_load %arg10[%swap3A_9] {strides = array<i32>} : memref<3200xf32, #tpu.memory_space<vmem>>, vector<16xf32>,
    tpu.vector_store %arg10[%swap3A_9], %broadcast_in_dim3A_3 {strides = array<i32>} : memref<3200xf32, #tpu.memory_space<vmem>>, vector<16xf32>,
    %swap3A_11 = arith.constant 64 : index
    %swap3A_12 = tpu.vector_load %arg10[%swap3A_11] {strides = array<i32>} : memref<3200xf32, #tpu.memory_space<vmem>>, vector<16xf32>,
    tpu.vector_store %arg10[%swap3A_11], %broadcast_in_dim3A_3 {strides = array<i32>} : memref<3200xf32, #tpu.memory_space<vmem>>, vector<16xf32>,
    %swap3A_13 = arith.constant 80 : index
    %swap3A_14 = tpu.vector_load %arg10[%swap3A_13] {strides = array<i32>} : memref<3200xf32, #tpu.memory_space<vmem>>, vector<16xf32>,
    tpu.vector_store %arg10[%swap3A_13], %broadcast_in_dim3A_3 {strides = array<i32>} : memref<3200xf32, #tpu.memory_space<vmem>>, vector<16xf32>,
    %swap3A_15 = arith.constant 96 : index
    %swap3A_16 = tpu.vector_load %arg10[%swap3A_15] {strides = array<i32>} : memref<3200xf32, #tpu.memory_space<vmem>>, vector<16xf32>,
    tpu.vector_store %arg10[%swap3A_15], %broadcast_in_dim3A_3 {strides = array<i32>} : memref<3200xf32, #tpu.memory_space<vmem>>, vector<16xf32>,
    %swap3A_17 = arith.constant 112 : index
    %swap3A_18 = tpu.vector_load %arg10[%swap3A_17] {strides = array<i32>} : memref<3200xf32, #tpu.memory_space<vmem>>, vector<16xf32>,
    tpu.vector_store %arg10[%swap3A_17], %broadcast_in_dim3A_3 {strides = array<i32>} : memref<3200xf32, #tpu.memory_space<vmem>>, vector<16xf32>,
    %swap3A_19 = arith.constant 128 : index
    %swap3A_20 = tpu.vector_load %arg10[%swap3A_19] {strides = array<i32>} : memref<3200xf32, #tpu.memory_space<vmem>>, vector<16xf32>,
    tpu.vector_store %arg10[%swap3A_19], %broadcast_in_dim3A_3 {strides = array<i32>} : memref<3200xf32, #tpu.memory_space<vmem>>, vector<16xf32>,
    %swap3A_21 = arith.constant 144 : index
    %swap3A_22 = tpu.vector_load %arg10[%swap3A_21] {strides = array<i32>} : memref<3200xf32, #tpu.memory_space<vmem>>, vector<16xf32>,
    tpu.vector_store %arg10[%swap3A_21], %broadcast_in_dim3A_3 {strides = array<i32>} : memref<3200xf32, #tpu.memory_space<vmem>>, vector<16xf32>,
    %swap3A_23 = arith.constant 160 : index
    %swap3A_24 = tpu.vector_load %arg10[%swap3A_23] {strides = array<i32>} : memref<3200xf32, #tpu.memory_space<vmem>>, vector<16xf32>,
    tpu.vector_store %arg10[%swap3A_23], %broadcast_in_dim3A_3 {strides = array<i32>} : memref<3200xf32, #tpu.memory_space<vmem>>, vector<16xf32>,
    %swap3A_25 = arith.constant 176 : index
    %swap3A_26 = tpu.vector_load %arg10[%swap3A_25] {strides = array<i32>} : memref<3200xf32, #tpu.memory_space<vmem>>, vector<16xf32>,
    tpu.vector_store %arg10[%swap3A_25], %broadcast_in_dim3A_3 {strides = array<i32>} : memref<3200xf32, #tpu.memory_space<vmem>>, vector<16xf32>,
    %swap3A_27 = arith.constant 192 : index
    %swap3A_28 = tpu.vector_load %arg10[%swap3A_27] {strides = array<i32>} : memref<3200xf32, #tpu.memory_space<vmem>>, vector<16xf32>,
    tpu.vector_store %arg10[%swap3A_27], %broadcast_in_dim3A_3 {strides = array<i32>} : memref<3200xf32, #tpu.memory_space<vmem>>, vector<16xf32>,
    %swap3A_29 = arith.constant 208 : index
    %swap3A_30 = tpu.vector_load %arg10[%swap3A_29] {strides = array<i32>} : memref<3200xf32, #tpu.memory_space<vmem>>, vector<16xf32>,
    tpu.vector_store %arg10[%swap3A_29], %broadcast_in_dim3A_3 {strides = array<i32>} : memref<3200xf32, #tpu.memory_space<vmem>>, vector<16xf32>,
    %swap3A_31 = arith.constant 224 : index
    %swap3A_32 = tpu.vector_load %arg10[%swap3A_31] {strides = array<i32>} : memref<3200xf32, #tpu.memory_space<vmem>>, vector<16xf32>,
    tpu.vector_store %arg10[%swap3A_31], %broadcast_in_dim3A_3 {strides = array<i32>} : memref<3200xf32, #tpu.memory_space<vmem>>, vector<16xf32>,
    %swap3A_33 = arith.constant 240 : index
    %swap3A_34 = tpu.vector_load %arg10[%swap3A_33] {strides = array<i32>} : memref<3200xf32, #tpu.memory_space<vmem>>, vector<16xf32>,
    tpu.vector_store %arg10[%swap3A_33], %broadcast_in_dim3A_3 {strides = array<i32>} : memref<3200xf32, #tpu.memory_space<vmem>>, vector<16xf32>,
    %swap3A_35 = arith.constant 256 : index
    %swap3A_36 = tpu.vector_load %arg10[%swap3A_35] {strides = array<i32>} : memref<3200xf32, #tpu.memory_space<vmem>>, vector<16xf32>,
    tpu.vector_store %arg10[%swap3A_35], %broadcast_in_dim3A_3 {strides = array<i32>} : memref<3200xf32, #tpu.memory_space<vmem>>, vector<16xf32>,
    %swap3A_37 = arith.constant 272 : index
    %swap3A_38 = tpu.vector_load %arg10[%swap3A_37] {strides = array<i32>} : memref<3200xf32, #tpu.memory_space<vmem>>, vector<16xf32>,
    tpu.vector_store %arg10[%swap3A_37], %broadcast_in_dim3A_3 {strides = array<i32>} : memref<3200xf32, #tpu.memory_space<vmem>>, vector<16xf32>,
    %swap3A_39 = arith.constant 288 : index
    %swap3A_40 = tpu.vector_load %arg10[%swap3A_39] {strides = array<i32>} : memref<3200xf32, #tpu.memory_space<vmem>>, vector<16xf32>,
    tpu.vector_store %arg10[%swap3A_39], %broadcast_in_dim3A_3 {strides = array<i32>} : memref<3200xf32, #tpu.memory_space<vmem>>, vector<16xf32>,
    %swap3A_41 = arith.constant 304 : index
    %swap3A_42 = tpu.vector_load %arg10[%swap3A_41] {strides = array<i32>} : memref<3200xf32, #tpu.memory_space<vmem>>, vector<16xf32>,
    tpu.vector_store %arg10[%swap3A_41], %broadcast_in_dim3A_3 {strides = array<i32>} : memref<3200xf32, #tpu.memory_space<vmem>>, vector<16xf32>,
    %swap3A_43 = arith.constant 320 : index
    %swap3A_44 = tpu.vector_load %arg10[%swap3A_43] {strides = array<i32>} : memref<3200xf32, #tpu.memory_space<vmem>>, vector<16xf32>,
    tpu.vector_store %arg10[%swap3A_43], %broadcast_in_dim3A_3 {strides = array<i32>} : memref<3200xf32, #tpu.memory_space<vmem>>, vector<16xf32>,
    %swap3A_45 = arith.constant 336 : index
    %swap3A_46 = tpu.vector_load %arg10[%swap3A_45] {strides = array<i32>} : memref<3200xf32, #tpu.memory_space<vmem>>, vector<16xf32>,
    tpu.vector_store %arg10[%swap3A_45], %broadcast_in_dim3A_3 {strides = array<i32>} : memref<3200xf32, #tpu.memory_space<vmem>>, vector<16xf32>,
    %swap3A_47 = arith.constant 352 : index
    %swap3A_48 = tpu.vector_load %arg10[%swap3A_47] {strides = array<i32>} : memref<3200xf32, #tpu.memory_space<vmem>>, vector<16xf32>,
    tpu.vector_store %arg10[%swap3A_47], %broadcast_in_dim3A_3 {strides = array<i32>} : memref<3200xf32, #tpu.memory_space<vmem>>, vector<16xf32>,
    %swap3A_49 = arith.constant 368 : index
    %swap3A_50 = tpu.vector_load %arg10[%swap3A_49] {strides = array<i32>} : memref<3200xf32, #tpu.memory_space<vmem>>, vector<16xf32>,
    tpu.vector_store %arg10[%swap3A_49], %broadcast_in_dim3A_3 {strides = array<i32>} : memref<3200xf32, #tpu.memory_space<vmem>>, vector<16xf32>,
    %swap3A_51 = arith.constant 384 : index
    %swap3A_52 = tpu.vector_load %arg10[%swap3A_51] {strides = array<i32>} : memref<3200xf32, #tpu.memory_space<vmem>>, vector<16xf32>,
    tpu.vector_store %arg10[%swap3A_51], %broadcast_in_dim3A_3 {strides = array<i32>} : memref<3200xf32, #tpu.memory_space<vmem>>, vector<16xf32>,
    %swap3A_53 = arith.constant 400 : index
    %swap3A_54 = tpu.vector_load %arg10[%swap3A_53] {strides = array<i32>} : memref<3200xf32, #tpu.memory_space<vmem>>, vector<16xf32>,
    tpu.vector_store %arg10[%swap3A_53], %broadcast_in_dim3A_3 {strides = array<i32>} : memref<3200xf32, #tpu.memory_space<vmem>>, vector<16xf32>,
    %swap3A_55 = arith.constant 416 : index
    %swap3A_56 = tpu.vector_load %arg10[%swap3A_55] {strides = array<i32>} : memref<3200xf32, #tpu.memory_space<vmem>>, vector<16xf32>,
    tpu.vector_store %arg10[%swap3A_55], %broadcast_in_dim3A_3 {strides = array<i32>} : memref<3200xf32, #tpu.memory_space<vmem>>, vector<16xf32>,
    %swap3A_57 = arith.constant 432 : index
    %swap3A_58 = tpu.vector_load %arg10[%swap3A_57] {strides = array<i32>} : memref<3200xf32, #tpu.memory_space<vmem>>, vector<16xf32>,
    tpu.vector_store %arg10[%swap3A_57], %broadcast_in_dim3A_3 {strides = array<i32>} : memref<3200xf32, #tpu.memory_space<vmem>>, vector<16xf32>,
    %swap3A_59 = arith.constant 448 : index
    %swap3A_60 = tpu.vector_load %arg10[%swap3A_59] {strides = array<i32>} : memref<3200xf32, #tpu.memory_space<vmem>>, vector<16xf32>,
    tpu.vector_store %arg10[%swap3A_59], %broadcast_in_dim3A_3 {strides = array<i32>} : memref<3200xf32, #tpu.memory_space<vmem>>, vector<16xf32>,
    %swap3A_61 = arith.constant 464 : index
    %swap3A_62 = tpu.vector_load %arg10[%swap3A_61] {strides = array<i32>} : memref<3200xf32, #tpu.memory_space<vmem>>, vector<16xf32>,
    tpu.vector_store %arg10[%swap3A_61], %broadcast_in_dim3A_3 {strides = array<i32>} : memref<3200xf32, #tpu.memory_space<vmem>>, vector<16xf32>,
    %swap3A_63 = arith.constant 480 : index
    %swap3A_64 = tpu.vector_load %arg10[%swap3A_63] {strides = array<i32>} : memref<3200xf32, #tpu.memory_space<vmem>>, vector<16xf32>,
    tpu.vector_store %arg10[%swap3A_63], %broadcast_in_dim3A_3 {strides = array<i32>} : memref<3200xf32, #tpu.memory_space<vmem>>, vector<16xf32>,
    %swap3A_65 = arith.constant 496 : index
    %swap3A_66 = tpu.vector_load %arg10[%swap3A_65] {strides = array<i32>} : memref<3200xf32, #tpu.memory_space<vmem>>, vector<16xf32>,
    tpu.vector_store %arg10[%swap3A_65], %broadcast_in_dim3A_3 {strides = array<i32>} : memref<3200xf32, #tpu.memory_space<vmem>>, vector<16xf32>,
    %swap3A_67 = arith.constant 512 : index
    %swap3A_68 = tpu.vector_load %arg10[%swap3A_67] {strides = array<i32>} : memref<3200xf32, #tpu.memory_space<vmem>>, vector<16xf32>,
    tpu.vector_store %arg10[%swap3A_67], %broadcast_in_dim3A_3 {strides = array<i32>} : memref<3200xf32, #tpu.memory_space<vmem>>, vector<16xf32>,
    %swap3A_69 = arith.constant 528 : index
    %swap3A_70 = tpu.vector_load %arg10[%swap3A_69] {strides = array<i32>} : memref<3200xf32, #tpu.memory_space<vmem>>, vector<16xf32>,
    tpu.vector_store %arg10[%swap3A_69], %broadcast_in_dim3A_3 {strides = array<i32>} : memref<3200xf32, #tpu.memory_space<vmem>>, vector<16xf32>,
    %swap3A_71 = arith.constant 544 : index
    %swap3A_72 = tpu.vector_load %arg10[%swap3A_71] {strides = array<i32>} : memref<3200xf32, #tpu.memory_space<vmem>>, vector<16xf32>,
    tpu.vector_store %arg10[%swap3A_71], %broadcast_in_dim3A_3 {strides = array<i32>} : memref<3200xf32, #tpu.memory_space<vmem>>, vector<16xf32>,
    %swap3A_73 = arith.constant 560 : index
    %swap3A_74 = tpu.vector_load %arg10[%swap3A_73] {strides = array<i32>} : memref<3200xf32, #tpu.memory_space<vmem>>, vector<16xf32>,
    tpu.vector_store %arg10[%swap3A_73], %broadcast_in_dim3A_3 {strides = array<i32>} : memref<3200xf32, #tpu.memory_space<vmem>>, vector<16xf32>,
    %swap3A_75 = arith.constant 576 : index
    %swap3A_76 = tpu.vector_load %arg10[%swap3A_75] {strides = array<i32>} : memref<3200xf32, #tpu.memory_space<vmem>>, vector<16xf32>,
    tpu.vector_store %arg10[%swap3A_75], %broadcast_in_dim3A_3 {strides = array<i32>} : memref<3200xf32, #tpu.memory_space<vmem>>, vector<16xf32>,
    %swap3A_77 = arith.constant 592 : index
    %swap3A_78 = tpu.vector_load %arg10[%swap3A_77] {strides = array<i32>} : memref<3200xf32, #tpu.memory_space<vmem>>, vector<16xf32>,
    tpu.vector_store %arg10[%swap3A_77], %broadcast_in_dim3A_3 {strides = array<i32>} : memref<3200xf32, #tpu.memory_space<vmem>>, vector<16xf32>,
    %swap3A_79 = arith.constant 608 : index
    %swap3A_80 = tpu.vector_load %arg10[%swap3A_79] {strides = array<i32>} : memref<3200xf32, #tpu.memory_space<vmem>>, vector<16xf32>,
    tpu.vector_store %arg10[%swap3A_79], %broadcast_in_dim3A_3 {strides = array<i32>} : memref<3200xf32, #tpu.memory_space<vmem>>, vector<16xf32>,
    %swap3A_81 = arith.constant 624 : index
    %swap3A_82 = tpu.vector_load %arg10[%swap3A_81] {strides = array<i32>} : memref<3200xf32, #tpu.memory_space<vmem>>, vector<16xf32>,
    tpu.vector_store %arg10[%swap3A_81], %broadcast_in_dim3A_3 {strides = array<i32>} : memref<3200xf32, #tpu.memory_space<vmem>>, vector<16xf32>,
    %swap3A_83 = arith.constant 640 : index
    %swap3A_84 = tpu.vector_load %arg10[%swap3A_83] {strides = array<i32>} : memref<3200xf32, #tpu.memory_space<vmem>>, vector<16xf32>,
    tpu.vector_store %arg10[%swap3A_83], %broadcast_in_dim3A_3 {strides = array<i32>} : memref<3200xf32, #tpu.memory_space<vmem>>, vector<16xf32>,
    %swap3A_85 = arith.constant 656 : index
    %swap3A_86 = tpu.vector_load %arg10[%swap3A_85] {strides = array<i32>} : memref<3200xf32, #tpu.memory_space<vmem>>, vector<16xf32>,
    tpu.vector_store %arg10[%swap3A_85], %broadcast_in_dim3A_3 {strides = array<i32>} : memref<3200xf32, #tpu.memory_space<vmem>>, vector<16xf32>,
    %swap3A_87 = arith.constant 672 : index
    %swap3A_88 = tpu.vector_load %arg10[%swap3A_87] {strides = array<i32>} : memref<3200xf32, #tpu.memory_space<vmem>>, vector<16xf32>,
    tpu.vector_store %arg10[%swap3A_87], %broadcast_in_dim3A_3 {strides = array<i32>} : memref<3200xf32, #tpu.memory_space<vmem>>, vector<16xf32>,
    %swap3A_89 = arith.constant 688 : index
    %swap3A_90 = tpu.vector_load %arg10[%swap3A_89] {strides = array<i32>} : memref<3200xf32, #tpu.memory_space<vmem>>, vector<16xf32>,
    tpu.vector_store %arg10[%swap3A_89], %broadcast_in_dim3A_3 {strides = array<i32>} : memref<3200xf32, #tpu.memory_space<vmem>>, vector<16xf32>,
    %swap3A_91 = arith.constant 704 : index
    %swap3A_92 = tpu.vector_load %arg10[%swap3A_91] {strides = array<i32>} : memref<3200xf32, #tpu.memory_space<vmem>>, vector<16xf32>,
    tpu.vector_store %arg10[%swap3A_91], %broadcast_in_dim3A_3 {strides = array<i32>} : memref<3200xf32, #tpu.memory_space<vmem>>, vector<16xf32>,
    %swap3A_93 = arith.constant 720 : index
    %swap3A_94 = tpu.vector_load %arg10[%swap3A_93] {strides = array<i32>} : memref<3200xf32, #tpu.memory_space<vmem>>, vector<16xf32>,
    tpu.vector_store %arg10[%swap3A_93], %broadcast_in_dim3A_3 {strides = array<i32>} : memref<3200xf32, #tpu.memory_space<vmem>>, vector<16xf32>,
    %swap3A_95 = arith.constant 736 : index
    %swap3A_96 = tpu.vector_load %arg10[%swap3A_95] {strides = array<i32>} : memref<3200xf32, #tpu.memory_space<vmem>>, vector<16xf32>,
    tpu.vector_store %arg10[%swap3A_95], %broadcast_in_dim3A_3 {strides = array<i32>} : memref<3200xf32, #tpu.memory_space<vmem>>, vector<16xf32>,
    %swap3A_97 = arith.constant 752 : index
    %swap3A_98 = tpu.vector_load %arg10[%swap3A_97] {strides = array<i32>} : memref<3200xf32, #tpu.memory_space<vmem>>, vector<16xf32>,
    tpu.vector_store %arg10[%swap3A_97], %broadcast_in_dim3A_3 {strides = array<i32>} : memref<3200xf32, #tpu.memory_space<vmem>>, vector<16xf32>,
    %swap3A_99 = arith.constant 768 : index
    %swap3A_100 = tpu.vector_load %arg10[%swap3A_99] {strides = array<i32>} : memref<3200xf32, #tpu.memory_space<vmem>>, vector<16xf32>,
    tpu.vector_store %arg10[%swap3A_99], %broadcast_in_dim3A_3 {strides = array<i32>} : memref<3200xf32, #tpu.memory_space<vmem>>, vector<16xf32>,
    %swap3A_101 = arith.constant 784 : index
    %swap3A_102 = tpu.vector_load %arg10[%swap3A_101] {strides = array<i32>} : memref<3200xf32, #tpu.memory_space<vmem>>, vector<16xf32>,
    tpu.vector_store %arg10[%swap3A_101], %broadcast_in_dim3A_3 {strides = array<i32>} : memref<3200xf32, #tpu.memory_space<vmem>>, vector<16xf32>,
    %swap3A_103 = arith.constant 800 : index
    %swap3A_104 = tpu.vector_load %arg10[%swap3A_103] {strides = array<i32>} : memref<3200xf32, #tpu.memory_space<vmem>>, vector<16xf32>,
    tpu.vector_store %arg10[%swap3A_103], %broadcast_in_dim3A_3 {strides = array<i32>} : memref<3200xf32, #tpu.memory_space<vmem>>, vector<16xf32>,
    %swap3A_105 = arith.constant 816 : index
    %swap3A_106 = tpu.vector_load %arg10[%swap3A_105] {strides = array<i32>} : memref<3200xf32, #tpu.memory_space<vmem>>, vector<16xf32>,
    tpu.vector_store %arg10[%swap3A_105], %broadcast_in_dim3A_3 {strides = array<i32>} : memref<3200xf32, #tpu.memory_space<vmem>>, vector<16xf32>,
    %swap3A_107 = arith.constant 832 : index
    %swap3A_108 = tpu.vector_load %arg10[%swap3A_107] {strides = array<i32>} : memref<3200xf32, #tpu.memory_space<vmem>>, vector<16xf32>,
    tpu.vector_store %arg10[%swap3A_107], %broadcast_in_dim3A_3 {strides = array<i32>} : memref<3200xf32, #tpu.memory_space<vmem>>, vector<16xf32>,
    %swap3A_109 = arith.constant 848 : index
    %swap3A_110 = tpu.vector_load %arg10[%swap3A_109] {strides = array<i32>} : memref<3200xf32, #tpu.memory_space<vmem>>, vector<16xf32>,
    tpu.vector_store %arg10[%swap3A_109], %broadcast_in_dim3A_3 {strides = array<i32>} : memref<3200xf32, #tpu.memory_space<vmem>>, vector<16xf32>,
    %swap3A_111 = arith.constant 864 : index
    %swap3A_112 = tpu.vector_load %arg10[%swap3A_111] {strides = array<i32>} : memref<3200xf32, #tpu.memory_space<vmem>>, vector<16xf32>,
    tpu.vector_store %arg10[%swap3A_111], %broadcast_in_dim3A_3 {strides = array<i32>} : memref<3200xf32, #tpu.memory_space<vmem>>, vector<16xf32>,
    %swap3A_113 = arith.constant 880 : index
    %swap3A_114 = tpu.vector_load %arg10[%swap3A_113] {strides = array<i32>} : memref<3200xf32, #tpu.memory_space<vmem>>, vector<16xf32>,
    tpu.vector_store %arg10[%swap3A_113], %broadcast_in_dim3A_3 {strides = array<i32>} : memref<3200xf32, #tpu.memory_space<vmem>>, vector<16xf32>,
    %swap3A_115 = arith.constant 896 : index
    %swap3A_116 = tpu.vector_load %arg10[%swap3A_115] {strides = array<i32>} : memref<3200xf32, #tpu.memory_space<vmem>>, vector<16xf32>,
    tpu.vector_store %arg10[%swap3A_115], %broadcast_in_dim3A_3 {strides = array<i32>} : memref<3200xf32, #tpu.memory_space<vmem>>, vector<16xf32>,
    %swap3A_117 = arith.constant 912 : index
    %swap3A_118 = tpu.vector_load %arg10[%swap3A_117] {strides = array<i32>} : memref<3200xf32, #tpu.memory_space<vmem>>, vector<16xf32>,
    tpu.vector_store %arg10[%swap3A_117], %broadcast_in_dim3A_3 {strides = array<i32>} : memref<3200xf32, #tpu.memory_space<vmem>>, vector<16xf32>,
    %swap3A_119 = arith.constant 928 : index
    %swap3A_120 = tpu.vector_load %arg10[%swap3A_119] {strides = array<i32>} : memref<3200xf32, #tpu.memory_space<vmem>>, vector<16xf32>,
    tpu.vector_store %arg10[%swap3A_119], %broadcast_in_dim3A_3 {strides = array<i32>} : memref<3200xf32, #tpu.memory_space<vmem>>, vector<16xf32>,
    %swap3A_121 = arith.constant 944 : index
    %swap3A_122 = tpu.vector_load %arg10[%swap3A_121] {strides = array<i32>} : memref<3200xf32, #tpu.memory_space<vmem>>, vector<16xf32>,
    tpu.vector_store %arg10[%swap3A_121], %broadcast_in_dim3A_3 {strides = array<i32>} : memref<3200xf32, #tpu.memory_space<vmem>>, vector<16xf32>,
    %swap3A_123 = arith.constant 960 : index
    %swap3A_124 = tpu.vector_load %arg10[%swap3A_123] {strides = array<i32>} : memref<3200xf32, #tpu.memory_space<vmem>>, vector<16xf32>,
    tpu.vector_store %arg10[%swap3A_123], %broadcast_in_dim3A_3 {strides = array<i32>} : memref<3200xf32, #tpu.memory_space<vmem>>, vector<16xf32>,
    %swap3A_125 = arith.constant 976 : index
    %swap3A_126 = tpu.vector_load %arg10[%swap3A_125] {strides = array<i32>} : memref<3200xf32, #tpu.memory_space<vmem>>, vector<16xf32>,
    tpu.vector_store %arg10[%swap3A_125], %broadcast_in_dim3A_3 {strides = array<i32>} : memref<3200xf32, #tpu.memory_space<vmem>>, vector<16xf32>,
    %swap3A_127 = arith.constant 992 : index
    %swap3A_128 = tpu.vector_load %arg10[%swap3A_127] {strides = array<i32>} : memref<3200xf32, #tpu.memory_space<vmem>>, vector<16xf32>,
    tpu.vector_store %arg10[%swap3A_127], %broadcast_in_dim3A_3 {strides = array<i32>} : memref<3200xf32, #tpu.memory_space<vmem>>, vector<16xf32>,
    %swap3A_129 = arith.constant 1008 : index
    %swap3A_130 = tpu.vector_load %arg10[%swap3A_129] {strides = array<i32>} : memref<3200xf32, #tpu.memory_space<vmem>>, vector<16xf32>,
    tpu.vector_store %arg10[%swap3A_129], %broadcast_in_dim3A_3 {strides = array<i32>} : memref<3200xf32, #tpu.memory_space<vmem>>, vector<16xf32>,
    %swap3A_131 = arith.constant 1024 : index
    %swap3A_132 = tpu.vector_load %arg10[%swap3A_131] {strides = array<i32>} : memref<3200xf32, #tpu.memory_space<vmem>>, vector<16xf32>,
    tpu.vector_store %arg10[%swap3A_131], %broadcast_in_dim3A_3 {strides = array<i32>} : memref<3200xf32, #tpu.memory_space<vmem>>, vector<16xf32>,
    %swap3A_133 = arith.constant 1040 : index
    %swap3A_134 = tpu.vector_load %arg10[%swap3A_133] {strides = array<i32>} : memref<3200xf32, #tpu.memory_space<vmem>>, vector<16xf32>,
    tpu.vector_store %arg10[%swap3A_133], %broadcast_in_dim3A_3 {strides = array<i32>} : memref<3200xf32, #tpu.memory_space<vmem>>, vector<16xf32>,
    %swap3A_135 = arith.constant 1056 : index
    %swap3A_136 = tpu.vector_load %arg10[%swap3A_135] {strides = array<i32>} : memref<3200xf32, #tpu.memory_space<vmem>>, vector<16xf32>,
    tpu.vector_store %arg10[%swap3A_135], %broadcast_in_dim3A_3 {strides = array<i32>} : memref<3200xf32, #tpu.memory_space<vmem>>, vector<16xf32>,
    %swap3A_137 = arith.constant 1072 : index
    %swap3A_138 = tpu.vector_load %arg10[%swap3A_137] {strides = array<i32>} : memref<3200xf32, #tpu.memory_space<vmem>>, vector<16xf32>,
    tpu.vector_store %arg10[%swap3A_137], %broadcast_in_dim3A_3 {strides = array<i32>} : memref<3200xf32, #tpu.memory_space<vmem>>, vector<16xf32>,
    %swap3A_139 = arith.constant 1088 : index
    %swap3A_140 = tpu.vector_load %arg10[%swap3A_139] {strides = array<i32>} : memref<3200xf32, #tpu.memory_space<vmem>>, vector<16xf32>,
    tpu.vector_store %arg10[%swap3A_139], %broadcast_in_dim3A_3 {strides = array<i32>} : memref<3200xf32, #tpu.memory_space<vmem>>, vector<16xf32>,
    %swap3A_141 = arith.constant 1104 : index
    %swap3A_142 = tpu.vector_load %arg10[%swap3A_141] {strides = array<i32>} : memref<3200xf32, #tpu.memory_space<vmem>>, vector<16xf32>,
    tpu.vector_store %arg10[%swap3A_141], %broadcast_in_dim3A_3 {strides = array<i32>} : memref<3200xf32, #tpu.memory_space<vmem>>, vector<16xf32>,
    %swap3A_143 = arith.constant 1120 : index
    %swap3A_144 = tpu.vector_load %arg10[%swap3A_143] {strides = array<i32>} : memref<3200xf32, #tpu.memory_space<vmem>>, vector<16xf32>,
    tpu.vector_store %arg10[%swap3A_143], %broadcast_in_dim3A_3 {strides = array<i32>} : memref<3200xf32, #tpu.memory_space<vmem>>, vector<16xf32>,
    %swap3A_145 = arith.constant 1136 : index
    %swap3A_146 = tpu.vector_load %arg10[%swap3A_145] {strides = array<i32>} : memref<3200xf32, #tpu.memory_space<vmem>>, vector<16xf32>,
    tpu.vector_store %arg10[%swap3A_145], %broadcast_in_dim3A_3 {strides = array<i32>} : memref<3200xf32, #tpu.memory_space<vmem>>, vector<16xf32>,
    %swap3A_147 = arith.constant 1152 : index
    %swap3A_148 = tpu.vector_load %arg10[%swap3A_147] {strides = array<i32>} : memref<3200xf32, #tpu.memory_space<vmem>>, vector<16xf32>,
    tpu.vector_store %arg10[%swap3A_147], %broadcast_in_dim3A_3 {strides = array<i32>} : memref<3200xf32, #tpu.memory_space<vmem>>, vector<16xf32>,
    %swap3A_149 = arith.constant 1168 : index
    %swap3A_150 = tpu.vector_load %arg10[%swap3A_149] {strides = array<i32>} : memref<3200xf32, #tpu.memory_space<vmem>>, vector<16xf32>,
    tpu.vector_store %arg10[%swap3A_149], %broadcast_in_dim3A_3 {strides = array<i32>} : memref<3200xf32, #tpu.memory_space<vmem>>, vector<16xf32>,
    %swap3A_151 = arith.constant 1184 : index
    %swap3A_152 = tpu.vector_load %arg10[%swap3A_151] {strides = array<i32>} : memref<3200xf32, #tpu.memory_space<vmem>>, vector<16xf32>,
    tpu.vector_store %arg10[%swap3A_151], %broadcast_in_dim3A_3 {strides = array<i32>} : memref<3200xf32, #tpu.memory_space<vmem>>, vector<16xf32>,
    %swap3A_153 = arith.constant 1200 : index
    %swap3A_154 = tpu.vector_load %arg10[%swap3A_153] {strides = array<i32>} : memref<3200xf32, #tpu.memory_space<vmem>>, vector<16xf32>,
    tpu.vector_store %arg10[%swap3A_153], %broadcast_in_dim3A_3 {strides = array<i32>} : memref<3200xf32, #tpu.memory_space<vmem>>, vector<16xf32>,
    %swap3A_155 = arith.constant 1216 : index
    %swap3A_156 = tpu.vector_load %arg10[%swap3A_155] {strides = array<i32>} : memref<3200xf32, #tpu.memory_space<vmem>>, vector<16xf32>,
    tpu.vector_store %arg10[%swap3A_155], %broadcast_in_dim3A_3 {strides = array<i32>} : memref<3200xf32, #tpu.memory_space<vmem>>, vector<16xf32>,
    %swap3A_157 = arith.constant 1232 : index
    %swap3A_158 = tpu.vector_load %arg10[%swap3A_157] {strides = array<i32>} : memref<3200xf32, #tpu.memory_space<vmem>>, vector<16xf32>,
    tpu.vector_store %arg10[%swap3A_157], %broadcast_in_dim3A_3 {strides = array<i32>} : memref<3200xf32, #tpu.memory_space<vmem>>, vector<16xf32>,
    %swap3A_159 = arith.constant 1248 : index
    %swap3A_160 = tpu.vector_load %arg10[%swap3A_159] {strides = array<i32>} : memref<3200xf32, #tpu.memory_space<vmem>>, vector<16xf32>,
    tpu.vector_store %arg10[%swap3A_159], %broadcast_in_dim3A_3 {strides = array<i32>} : memref<3200xf32, #tpu.memory_space<vmem>>, vector<16xf32>,
    %swap3A_161 = arith.constant 1264 : index
    %swap3A_162 = tpu.vector_load %arg10[%swap3A_161] {strides = array<i32>} : memref<3200xf32, #tpu.memory_space<vmem>>, vector<16xf32>,
    tpu.vector_store %arg10[%swap3A_161], %broadcast_in_dim3A_3 {strides = array<i32>} : memref<3200xf32, #tpu.memory_space<vmem>>, vector<16xf32>,
    %swap3A_163 = arith.constant 1280 : index
    %swap3A_164 = tpu.vector_load %arg10[%swap3A_163] {strides = array<i32>} : memref<3200xf32, #tpu.memory_space<vmem>>, vector<16xf32>,
    tpu.vector_store %arg10[%swap3A_163], %broadcast_in_dim3A_3 {strides = array<i32>} : memref<3200xf32, #tpu.memory_space<vmem>>, vector<16xf32>,
    %swap3A_165 = arith.constant 1296 : index
    %swap3A_166 = tpu.vector_load %arg10[%swap3A_165] {strides = array<i32>} : memref<3200xf32, #tpu.memory_space<vmem>>, vector<16xf32>,
    tpu.vector_store %arg10[%swap3A_165], %broadcast_in_dim3A_3 {strides = array<i32>} : memref<3200xf32, #tpu.memory_space<vmem>>, vector<16xf32>,
    %swap3A_167 = arith.constant 1312 : index
    %swap3A_168 = tpu.vector_load %arg10[%swap3A_167] {strides = array<i32>} : memref<3200xf32, #tpu.memory_space<vmem>>, vector<16xf32>,
    tpu.vector_store %arg10[%swap3A_167], %broadcast_in_dim3A_3 {strides = array<i32>} : memref<3200xf32, #tpu.memory_space<vmem>>, vector<16xf32>,
    %swap3A_169 = arith.constant 1328 : index
    %swap3A_170 = tpu.vector_load %arg10[%swap3A_169] {strides = array<i32>} : memref<3200xf32, #tpu.memory_space<vmem>>, vector<16xf32>,
    tpu.vector_store %arg10[%swap3A_169], %broadcast_in_dim3A_3 {strides = array<i32>} : memref<3200xf32, #tpu.memory_space<vmem>>, vector<16xf32>,
    %swap3A_171 = arith.constant 1344 : index
    %swap3A_172 = tpu.vector_load %arg10[%swap3A_171] {strides = array<i32>} : memref<3200xf32, #tpu.memory_space<vmem>>, vector<16xf32>,
    tpu.vector_store %arg10[%swap3A_171], %broadcast_in_dim3A_3 {strides = array<i32>} : memref<3200xf32, #tpu.memory_space<vmem>>, vector<16xf32>,
    %swap3A_173 = arith.constant 1360 : index
    %swap3A_174 = tpu.vector_load %arg10[%swap3A_173] {strides = array<i32>} : memref<3200xf32, #tpu.memory_space<vmem>>, vector<16xf32>,
    tpu.vector_store %arg10[%swap3A_173], %broadcast_in_dim3A_3 {strides = array<i32>} : memref<3200xf32, #tpu.memory_space<vmem>>, vector<16xf32>,
    %swap3A_175 = arith.constant 1376 : index
    %swap3A_176 = tpu.vector_load %arg10[%swap3A_175] {strides = array<i32>} : memref<3200xf32, #tpu.memory_space<vmem>>, vector<16xf32>,
    tpu.vector_store %arg10[%swap3A_175], %broadcast_in_dim3A_3 {strides = array<i32>} : memref<3200xf32, #tpu.memory_space<vmem>>, vector<16xf32>,
    %swap3A_177 = arith.constant 1392 : index
    %swap3A_178 = tpu.vector_load %arg10[%swap3A_177] {strides = array<i32>} : memref<3200xf32, #tpu.memory_space<vmem>>, vector<16xf32>,
    tpu.vector_store %arg10[%swap3A_177], %broadcast_in_dim3A_3 {strides = array<i32>} : memref<3200xf32, #tpu.memory_space<vmem>>, vector<16xf32>,
    %swap3A_179 = arith.constant 1408 : index
    %swap3A_180 = tpu.vector_load %arg10[%swap3A_179] {strides = array<i32>} : memref<3200xf32, #tpu.memory_space<vmem>>, vector<16xf32>,
    tpu.vector_store %arg10[%swap3A_179], %broadcast_in_dim3A_3 {strides = array<i32>} : memref<3200xf32, #tpu.memory_space<vmem>>, vector<16xf32>,
    %swap3A_181 = arith.constant 1424 : index
    %swap3A_182 = tpu.vector_load %arg10[%swap3A_181] {strides = array<i32>} : memref<3200xf32, #tpu.memory_space<vmem>>, vector<16xf32>,
    tpu.vector_store %arg10[%swap3A_181], %broadcast_in_dim3A_3 {strides = array<i32>} : memref<3200xf32, #tpu.memory_space<vmem>>, vector<16xf32>,
    %swap3A_183 = arith.constant 1440 : index
    %swap3A_184 = tpu.vector_load %arg10[%swap3A_183] {strides = array<i32>} : memref<3200xf32, #tpu.memory_space<vmem>>, vector<16xf32>,
    tpu.vector_store %arg10[%swap3A_183], %broadcast_in_dim3A_3 {strides = array<i32>} : memref<3200xf32, #tpu.memory_space<vmem>>, vector<16xf32>,
    %swap3A_185 = arith.constant 1456 : index
    %swap3A_186 = tpu.vector_load %arg10[%swap3A_185] {strides = array<i32>} : memref<3200xf32, #tpu.memory_space<vmem>>, vector<16xf32>,
    tpu.vector_store %arg10[%swap3A_185], %broadcast_in_dim3A_3 {strides = array<i32>} : memref<3200xf32, #tpu.memory_space<vmem>>, vector<16xf32>,
    %swap3A_187 = arith.constant 1472 : index
    %swap3A_188 = tpu.vector_load %arg10[%swap3A_187] {strides = array<i32>} : memref<3200xf32, #tpu.memory_space<vmem>>, vector<16xf32>,
    tpu.vector_store %arg10[%swap3A_187], %broadcast_in_dim3A_3 {strides = array<i32>} : memref<3200xf32, #tpu.memory_space<vmem>>, vector<16xf32>,
    %swap3A_189 = arith.constant 1488 : index
    %swap3A_190 = tpu.vector_load %arg10[%swap3A_189] {strides = array<i32>} : memref<3200xf32, #tpu.memory_space<vmem>>, vector<16xf32>,
    tpu.vector_store %arg10[%swap3A_189], %broadcast_in_dim3A_3 {strides = array<i32>} : memref<3200xf32, #tpu.memory_space<vmem>>, vector<16xf32>,
    %swap3A_191 = arith.constant 1504 : index
    %swap3A_192 = tpu.vector_load %arg10[%swap3A_191] {strides = array<i32>} : memref<3200xf32, #tpu.memory_space<vmem>>, vector<16xf32>,
    tpu.vector_store %arg10[%swap3A_191], %broadcast_in_dim3A_3 {strides = array<i32>} : memref<3200xf32, #tpu.memory_space<vmem>>, vector<16xf32>,
    %swap3A_193 = arith.constant 1520 : index
    %swap3A_194 = tpu.vector_load %arg10[%swap3A_193] {strides = array<i32>} : memref<3200xf32, #tpu.memory_space<vmem>>, vector<16xf32>,
    tpu.vector_store %arg10[%swap3A_193], %broadcast_in_dim3A_3 {strides = array<i32>} : memref<3200xf32, #tpu.memory_space<vmem>>, vector<16xf32>,
    %swap3A_195 = arith.constant 1536 : index
    %swap3A_196 = tpu.vector_load %arg10[%swap3A_195] {strides = array<i32>} : memref<3200xf32, #tpu.memory_space<vmem>>, vector<16xf32>,
    tpu.vector_store %arg10[%swap3A_195], %broadcast_in_dim3A_3 {strides = array<i32>} : memref<3200xf32, #tpu.memory_space<vmem>>, vector<16xf32>,
    %swap3A_197 = arith.constant 1552 : index
    %swap3A_198 = tpu.vector_load %arg10[%swap3A_197] {strides = array<i32>} : memref<3200xf32, #tpu.memory_space<vmem>>, vector<16xf32>,
    tpu.vector_store %arg10[%swap3A_197], %broadcast_in_dim3A_3 {strides = array<i32>} : memref<3200xf32, #tpu.memory_space<vmem>>, vector<16xf32>,
    %swap3A_199 = arith.constant 1568 : index
    %swap3A_200 = tpu.vector_load %arg10[%swap3A_199] {strides = array<i32>} : memref<3200xf32, #tpu.memory_space<vmem>>, vector<16xf32>,
    tpu.vector_store %arg10[%swap3A_199], %broadcast_in_dim3A_3 {strides = array<i32>} : memref<3200xf32, #tpu.memory_space<vmem>>, vector<16xf32>,
    %swap3A_201 = arith.constant 1584 : index
    %swap3A_202 = tpu.vector_load %arg10[%swap3A_201] {strides = array<i32>} : memref<3200xf32, #tpu.memory_space<vmem>>, vector<16xf32>,
    tpu.vector_store %arg10[%swap3A_201], %broadcast_in_dim3A_3 {strides = array<i32>} : memref<3200xf32, #tpu.memory_space<vmem>>, vector<16xf32>,
    %swap3A_203 = arith.constant 1600 : index
    %swap3A_204 = tpu.vector_load %arg10[%swap3A_203] {strides = array<i32>} : memref<3200xf32, #tpu.memory_space<vmem>>, vector<16xf32>,
    tpu.vector_store %arg10[%swap3A_203], %broadcast_in_dim3A_3 {strides = array<i32>} : memref<3200xf32, #tpu.memory_space<vmem>>, vector<16xf32>,
    %swap3A_205 = arith.constant 1616 : index
    %swap3A_206 = tpu.vector_load %arg10[%swap3A_205] {strides = array<i32>} : memref<3200xf32, #tpu.memory_space<vmem>>, vector<16xf32>,
    tpu.vector_store %arg10[%swap3A_205], %broadcast_in_dim3A_3 {strides = array<i32>} : memref<3200xf32, #tpu.memory_space<vmem>>, vector<16xf32>,
    %swap3A_207 = arith.constant 1632 : index
    %swap3A_208 = tpu.vector_load %arg10[%swap3A_207] {strides = array<i32>} : memref<3200xf32, #tpu.memory_space<vmem>>, vector<16xf32>,
    tpu.vector_store %arg10[%swap3A_207], %broadcast_in_dim3A_3 {strides = array<i32>} : memref<3200xf32, #tpu.memory_space<vmem>>, vector<16xf32>,
    %swap3A_209 = arith.constant 1648 : index
    %swap3A_210 = tpu.vector_load %arg10[%swap3A_209] {strides = array<i32>} : memref<3200xf32, #tpu.memory_space<vmem>>, vector<16xf32>,
    tpu.vector_store %arg10[%swap3A_209], %broadcast_in_dim3A_3 {strides = array<i32>} : memref<3200xf32, #tpu.memory_space<vmem>>, vector<16xf32>,
    %swap3A_211 = arith.constant 1664 : index
    %swap3A_212 = tpu.vector_load %arg10[%swap3A_211] {strides = array<i32>} : memref<3200xf32, #tpu.memory_space<vmem>>, vector<16xf32>,
    tpu.vector_store %arg10[%swap3A_211], %broadcast_in_dim3A_3 {strides = array<i32>} : memref<3200xf32, #tpu.memory_space<vmem>>, vector<16xf32>,
    %swap3A_213 = arith.constant 1680 : index
    %swap3A_214 = tpu.vector_load %arg10[%swap3A_213] {strides = array<i32>} : memref<3200xf32, #tpu.memory_space<vmem>>, vector<16xf32>,
    tpu.vector_store %arg10[%swap3A_213], %broadcast_in_dim3A_3 {strides = array<i32>} : memref<3200xf32, #tpu.memory_space<vmem>>, vector<16xf32>,
    %swap3A_215 = arith.constant 1696 : index
    %swap3A_216 = tpu.vector_load %arg10[%swap3A_215] {strides = array<i32>} : memref<3200xf32, #tpu.memory_space<vmem>>, vector<16xf32>,
    tpu.vector_store %arg10[%swap3A_215], %broadcast_in_dim3A_3 {strides = array<i32>} : memref<3200xf32, #tpu.memory_space<vmem>>, vector<16xf32>,
    %swap3A_217 = arith.constant 1712 : index
    %swap3A_218 = tpu.vector_load %arg10[%swap3A_217] {strides = array<i32>} : memref<3200xf32, #tpu.memory_space<vmem>>, vector<16xf32>,
    tpu.vector_store %arg10[%swap3A_217], %broadcast_in_dim3A_3 {strides = array<i32>} : memref<3200xf32, #tpu.memory_space<vmem>>, vector<16xf32>,
    %swap3A_219 = arith.constant 1728 : index
    %swap3A_220 = tpu.vector_load %arg10[%swap3A_219] {strides = array<i32>} : memref<3200xf32, #tpu.memory_space<vmem>>, vector<16xf32>,
    tpu.vector_store %arg10[%swap3A_219], %broadcast_in_dim3A_3 {strides = array<i32>} : memref<3200xf32, #tpu.memory_space<vmem>>, vector<16xf32>,
    %swap3A_221 = arith.constant 1744 : index
    %swap3A_222 = tpu.vector_load %arg10[%swap3A_221] {strides = array<i32>} : memref<3200xf32, #tpu.memory_space<vmem>>, vector<16xf32>,
    tpu.vector_store %arg10[%swap3A_221], %broadcast_in_dim3A_3 {strides = array<i32>} : memref<3200xf32, #tpu.memory_space<vmem>>, vector<16xf32>,
    %swap3A_223 = arith.constant 1760 : index
    %swap3A_224 = tpu.vector_load %arg10[%swap3A_223] {strides = array<i32>} : memref<3200xf32, #tpu.memory_space<vmem>>, vector<16xf32>,
    tpu.vector_store %arg10[%swap3A_223], %broadcast_in_dim3A_3 {strides = array<i32>} : memref<3200xf32, #tpu.memory_space<vmem>>, vector<16xf32>,
    %swap3A_225 = arith.constant 1776 : index
    %swap3A_226 = tpu.vector_load %arg10[%swap3A_225] {strides = array<i32>} : memref<3200xf32, #tpu.memory_space<vmem>>, vector<16xf32>,
    tpu.vector_store %arg10[%swap3A_225], %broadcast_in_dim3A_3 {strides = array<i32>} : memref<3200xf32, #tpu.memory_space<vmem>>, vector<16xf32>,
    %swap3A_227 = arith.constant 1792 : index
    %swap3A_228 = tpu.vector_load %arg10[%swap3A_227] {strides = array<i32>} : memref<3200xf32, #tpu.memory_space<vmem>>, vector<16xf32>,
    tpu.vector_store %arg10[%swap3A_227], %broadcast_in_dim3A_3 {strides = array<i32>} : memref<3200xf32, #tpu.memory_space<vmem>>, vector<16xf32>,
    %swap3A_229 = arith.constant 1808 : index
    %swap3A_230 = tpu.vector_load %arg10[%swap3A_229] {strides = array<i32>} : memref<3200xf32, #tpu.memory_space<vmem>>, vector<16xf32>,
    tpu.vector_store %arg10[%swap3A_229], %broadcast_in_dim3A_3 {strides = array<i32>} : memref<3200xf32, #tpu.memory_space<vmem>>, vector<16xf32>,
    %swap3A_231 = arith.constant 1824 : index
    %swap3A_232 = tpu.vector_load %arg10[%swap3A_231] {strides = array<i32>} : memref<3200xf32, #tpu.memory_space<vmem>>, vector<16xf32>,
    tpu.vector_store %arg10[%swap3A_231], %broadcast_in_dim3A_3 {strides = array<i32>} : memref<3200xf32, #tpu.memory_space<vmem>>, vector<16xf32>,
    %swap3A_233 = arith.constant 1840 : index
    %swap3A_234 = tpu.vector_load %arg10[%swap3A_233] {strides = array<i32>} : memref<3200xf32, #tpu.memory_space<vmem>>, vector<16xf32>,
    tpu.vector_store %arg10[%swap3A_233], %broadcast_in_dim3A_3 {strides = array<i32>} : memref<3200xf32, #tpu.memory_space<vmem>>, vector<16xf32>,
    %swap3A_235 = arith.constant 1856 : index
    %swap3A_236 = tpu.vector_load %arg10[%swap3A_235] {strides = array<i32>} : memref<3200xf32, #tpu.memory_space<vmem>>, vector<16xf32>,
    tpu.vector_store %arg10[%swap3A_235], %broadcast_in_dim3A_3 {strides = array<i32>} : memref<3200xf32, #tpu.memory_space<vmem>>, vector<16xf32>,
    %swap3A_237 = arith.constant 1872 : index
    %swap3A_238 = tpu.vector_load %arg10[%swap3A_237] {strides = array<i32>} : memref<3200xf32, #tpu.memory_space<vmem>>, vector<16xf32>,
    tpu.vector_store %arg10[%swap3A_237], %broadcast_in_dim3A_3 {strides = array<i32>} : memref<3200xf32, #tpu.memory_space<vmem>>, vector<16xf32>,
    %swap3A_239 = arith.constant 1888 : index
    %swap3A_240 = tpu.vector_load %arg10[%swap3A_239] {strides = array<i32>} : memref<3200xf32, #tpu.memory_space<vmem>>, vector<16xf32>,
    tpu.vector_store %arg10[%swap3A_239], %broadcast_in_dim3A_3 {strides = array<i32>} : memref<3200xf32, #tpu.memory_space<vmem>>, vector<16xf32>,
    %swap3A_241 = arith.constant 1904 : index
    %swap3A_242 = tpu.vector_load %arg10[%swap3A_241] {strides = array<i32>} : memref<3200xf32, #tpu.memory_space<vmem>>, vector<16xf32>,
    tpu.vector_store %arg10[%swap3A_241], %broadcast_in_dim3A_3 {strides = array<i32>} : memref<3200xf32, #tpu.memory_space<vmem>>, vector<16xf32>,
    %swap3A_243 = arith.constant 1920 : index
    %swap3A_244 = tpu.vector_load %arg10[%swap3A_243] {strides = array<i32>} : memref<3200xf32, #tpu.memory_space<vmem>>, vector<16xf32>,
    tpu.vector_store %arg10[%swap3A_243], %broadcast_in_dim3A_3 {strides = array<i32>} : memref<3200xf32, #tpu.memory_space<vmem>>, vector<16xf32>,
    %swap3A_245 = arith.constant 1936 : index
    %swap3A_246 = tpu.vector_load %arg10[%swap3A_245] {strides = array<i32>} : memref<3200xf32, #tpu.memory_space<vmem>>, vector<16xf32>,
    tpu.vector_store %arg10[%swap3A_245], %broadcast_in_dim3A_3 {strides = array<i32>} : memref<3200xf32, #tpu.memory_space<vmem>>, vector<16xf32>,
    %swap3A_247 = arith.constant 1952 : index
    %swap3A_248 = tpu.vector_load %arg10[%swap3A_247] {strides = array<i32>} : memref<3200xf32, #tpu.memory_space<vmem>>, vector<16xf32>,
    tpu.vector_store %arg10[%swap3A_247], %broadcast_in_dim3A_3 {strides = array<i32>} : memref<3200xf32, #tpu.memory_space<vmem>>, vector<16xf32>,
    %swap3A_249 = arith.constant 1968 : index
    %swap3A_250 = tpu.vector_load %arg10[%swap3A_249] {strides = array<i32>} : memref<3200xf32, #tpu.memory_space<vmem>>, vector<16xf32>,
    tpu.vector_store %arg10[%swap3A_249], %broadcast_in_dim3A_3 {strides = array<i32>} : memref<3200xf32, #tpu.memory_space<vmem>>, vector<16xf32>,
    %swap3A_251 = arith.constant 1984 : index
    %swap3A_252 = tpu.vector_load %arg10[%swap3A_251] {strides = array<i32>} : memref<3200xf32, #tpu.memory_space<vmem>>, vector<16xf32>,
    tpu.vector_store %arg10[%swap3A_251], %broadcast_in_dim3A_3 {strides = array<i32>} : memref<3200xf32, #tpu.memory_space<vmem>>, vector<16xf32>,
    %swap3A_253 = arith.constant 2000 : index
    %swap3A_254 = tpu.vector_load %arg10[%swap3A_253] {strides = array<i32>} : memref<3200xf32, #tpu.memory_space<vmem>>, vector<16xf32>,
    tpu.vector_store %arg10[%swap3A_253], %broadcast_in_dim3A_3 {strides = array<i32>} : memref<3200xf32, #tpu.memory_space<vmem>>, vector<16xf32>,
    %swap3A_255 = arith.constant 2016 : index
    %swap3A_256 = tpu.vector_load %arg10[%swap3A_255] {strides = array<i32>} : memref<3200xf32, #tpu.memory_space<vmem>>, vector<16xf32>,
    tpu.vector_store %arg10[%swap3A_255], %broadcast_in_dim3A_3 {strides = array<i32>} : memref<3200xf32, #tpu.memory_space<vmem>>, vector<16xf32>,
    %swap3A_257 = arith.constant 2032 : index
    %swap3A_258 = tpu.vector_load %arg10[%swap3A_257] {strides = array<i32>} : memref<3200xf32, #tpu.memory_space<vmem>>, vector<16xf32>,
    tpu.vector_store %arg10[%swap3A_257], %broadcast_in_dim3A_3 {strides = array<i32>} : memref<3200xf32, #tpu.memory_space<vmem>>, vector<16xf32>,
    %swap3A_259 = arith.constant 2048 : index
    %swap3A_260 = tpu.vector_load %arg10[%swap3A_259] {strides = array<i32>} : memref<3200xf32, #tpu.memory_space<vmem>>, vector<16xf32>,
    tpu.vector_store %arg10[%swap3A_259], %broadcast_in_dim3A_3 {strides = array<i32>} : memref<3200xf32, #tpu.memory_space<vmem>>, vector<16xf32>,
    %swap3A_261 = arith.constant 2064 : index
    %swap3A_262 = tpu.vector_load %arg10[%swap3A_261] {strides = array<i32>} : memref<3200xf32, #tpu.memory_space<vmem>>, vector<16xf32>,
    tpu.vector_store %arg10[%swap3A_261], %broadcast_in_dim3A_3 {strides = array<i32>} : memref<3200xf32, #tpu.memory_space<vmem>>, vector<16xf32>,
    %swap3A_263 = arith.constant 2080 : index
    %swap3A_264 = tpu.vector_load %arg10[%swap3A_263] {strides = array<i32>} : memref<3200xf32, #tpu.memory_space<vmem>>, vector<16xf32>,
    tpu.vector_store %arg10[%swap3A_263], %broadcast_in_dim3A_3 {strides = array<i32>} : memref<3200xf32, #tpu.memory_space<vmem>>, vector<16xf32>,
    %swap3A_265 = arith.constant 2096 : index
    %swap3A_266 = tpu.vector_load %arg10[%swap3A_265] {strides = array<i32>} : memref<3200xf32, #tpu.memory_space<vmem>>, vector<16xf32>,
    tpu.vector_store %arg10[%swap3A_265], %broadcast_in_dim3A_3 {strides = array<i32>} : memref<3200xf32, #tpu.memory_space<vmem>>, vector<16xf32>,
    %swap3A_267 = arith.constant 2112 : index
    %swap3A_268 = tpu.vector_load %arg10[%swap3A_267] {strides = array<i32>} : memref<3200xf32, #tpu.memory_space<vmem>>, vector<16xf32>,
    tpu.vector_store %arg10[%swap3A_267], %broadcast_in_dim3A_3 {strides = array<i32>} : memref<3200xf32, #tpu.memory_space<vmem>>, vector<16xf32>,
    %swap3A_269 = arith.constant 2128 : index
    %swap3A_270 = tpu.vector_load %arg10[%swap3A_269] {strides = array<i32>} : memref<3200xf32, #tpu.memory_space<vmem>>, vector<16xf32>,
    tpu.vector_store %arg10[%swap3A_269], %broadcast_in_dim3A_3 {strides = array<i32>} : memref<3200xf32, #tpu.memory_space<vmem>>, vector<16xf32>,
    %swap3A_271 = arith.constant 2144 : index
    %swap3A_272 = tpu.vector_load %arg10[%swap3A_271] {strides = array<i32>} : memref<3200xf32, #tpu.memory_space<vmem>>, vector<16xf32>,
    tpu.vector_store %arg10[%swap3A_271], %broadcast_in_dim3A_3 {strides = array<i32>} : memref<3200xf32, #tpu.memory_space<vmem>>, vector<16xf32>,
    %swap3A_273 = arith.constant 2160 : index
    %swap3A_274 = tpu.vector_load %arg10[%swap3A_273] {strides = array<i32>} : memref<3200xf32, #tpu.memory_space<vmem>>, vector<16xf32>,
    tpu.vector_store %arg10[%swap3A_273], %broadcast_in_dim3A_3 {strides = array<i32>} : memref<3200xf32, #tpu.memory_space<vmem>>, vector<16xf32>,
    %swap3A_275 = arith.constant 2176 : index
    %swap3A_276 = tpu.vector_load %arg10[%swap3A_275] {strides = array<i32>} : memref<3200xf32, #tpu.memory_space<vmem>>, vector<16xf32>,
    tpu.vector_store %arg10[%swap3A_275], %broadcast_in_dim3A_3 {strides = array<i32>} : memref<3200xf32, #tpu.memory_space<vmem>>, vector<16xf32>,
    %swap3A_277 = arith.constant 2192 : index
    %swap3A_278 = tpu.vector_load %arg10[%swap3A_277] {strides = array<i32>} : memref<3200xf32, #tpu.memory_space<vmem>>, vector<16xf32>,
    tpu.vector_store %arg10[%swap3A_277], %broadcast_in_dim3A_3 {strides = array<i32>} : memref<3200xf32, #tpu.memory_space<vmem>>, vector<16xf32>,
    %swap3A_279 = arith.constant 2208 : index
    %swap3A_280 = tpu.vector_load %arg10[%swap3A_279] {strides = array<i32>} : memref<3200xf32, #tpu.memory_space<vmem>>, vector<16xf32>,
    tpu.vector_store %arg10[%swap3A_279], %broadcast_in_dim3A_3 {strides = array<i32>} : memref<3200xf32, #tpu.memory_space<vmem>>, vector<16xf32>,
    %swap3A_281 = arith.constant 2224 : index
    %swap3A_282 = tpu.vector_load %arg10[%swap3A_281] {strides = array<i32>} : memref<3200xf32, #tpu.memory_space<vmem>>, vector<16xf32>,
    tpu.vector_store %arg10[%swap3A_281], %broadcast_in_dim3A_3 {strides = array<i32>} : memref<3200xf32, #tpu.memory_space<vmem>>, vector<16xf32>,
    %swap3A_283 = arith.constant 2240 : index
    %swap3A_284 = tpu.vector_load %arg10[%swap3A_283] {strides = array<i32>} : memref<3200xf32, #tpu.memory_space<vmem>>, vector<16xf32>,
    tpu.vector_store %arg10[%swap3A_283], %broadcast_in_dim3A_3 {strides = array<i32>} : memref<3200xf32, #tpu.memory_space<vmem>>, vector<16xf32>,
    %swap3A_285 = arith.constant 2256 : index
    %swap3A_286 = tpu.vector_load %arg10[%swap3A_285] {strides = array<i32>} : memref<3200xf32, #tpu.memory_space<vmem>>, vector<16xf32>,
    tpu.vector_store %arg10[%swap3A_285], %broadcast_in_dim3A_3 {strides = array<i32>} : memref<3200xf32, #tpu.memory_space<vmem>>, vector<16xf32>,
    %swap3A_287 = arith.constant 2272 : index
    %swap3A_288 = tpu.vector_load %arg10[%swap3A_287] {strides = array<i32>} : memref<3200xf32, #tpu.memory_space<vmem>>, vector<16xf32>,
    tpu.vector_store %arg10[%swap3A_287], %broadcast_in_dim3A_3 {strides = array<i32>} : memref<3200xf32, #tpu.memory_space<vmem>>, vector<16xf32>,
    %swap3A_289 = arith.constant 2288 : index
    %swap3A_290 = tpu.vector_load %arg10[%swap3A_289] {strides = array<i32>} : memref<3200xf32, #tpu.memory_space<vmem>>, vector<16xf32>,
    tpu.vector_store %arg10[%swap3A_289], %broadcast_in_dim3A_3 {strides = array<i32>} : memref<3200xf32, #tpu.memory_space<vmem>>, vector<16xf32>,
    %swap3A_291 = arith.constant 2304 : index
    %swap3A_292 = tpu.vector_load %arg10[%swap3A_291] {strides = array<i32>} : memref<3200xf32, #tpu.memory_space<vmem>>, vector<16xf32>,
    tpu.vector_store %arg10[%swap3A_291], %broadcast_in_dim3A_3 {strides = array<i32>} : memref<3200xf32, #tpu.memory_space<vmem>>, vector<16xf32>,
    %swap3A_293 = arith.constant 2320 : index
    %swap3A_294 = tpu.vector_load %arg10[%swap3A_293] {strides = array<i32>} : memref<3200xf32, #tpu.memory_space<vmem>>, vector<16xf32>,
    tpu.vector_store %arg10[%swap3A_293], %broadcast_in_dim3A_3 {strides = array<i32>} : memref<3200xf32, #tpu.memory_space<vmem>>, vector<16xf32>,
    %swap3A_295 = arith.constant 2336 : index
    %swap3A_296 = tpu.vector_load %arg10[%swap3A_295] {strides = array<i32>} : memref<3200xf32, #tpu.memory_space<vmem>>, vector<16xf32>,
    tpu.vector_store %arg10[%swap3A_295], %broadcast_in_dim3A_3 {strides = array<i32>} : memref<3200xf32, #tpu.memory_space<vmem>>, vector<16xf32>,
    %swap3A_297 = arith.constant 2352 : index
    %swap3A_298 = tpu.vector_load %arg10[%swap3A_297] {strides = array<i32>} : memref<3200xf32, #tpu.memory_space<vmem>>, vector<16xf32>,
    tpu.vector_store %arg10[%swap3A_297], %broadcast_in_dim3A_3 {strides = array<i32>} : memref<3200xf32, #tpu.memory_space<vmem>>, vector<16xf32>,
    %swap3A_299 = arith.constant 2368 : index
    %swap3A_300 = tpu.vector_load %arg10[%swap3A_299] {strides = array<i32>} : memref<3200xf32, #tpu.memory_space<vmem>>, vector<16xf32>,
    tpu.vector_store %arg10[%swap3A_299], %broadcast_in_dim3A_3 {strides = array<i32>} : memref<3200xf32, #tpu.memory_space<vmem>>, vector<16xf32>,
    %swap3A_301 = arith.constant 2384 : index
    %swap3A_302 = tpu.vector_load %arg10[%swap3A_301] {strides = array<i32>} : memref<3200xf32, #tpu.memory_space<vmem>>, vector<16xf32>,
    tpu.vector_store %arg10[%swap3A_301], %broadcast_in_dim3A_3 {strides = array<i32>} : memref<3200xf32, #tpu.memory_space<vmem>>, vector<16xf32>,
    %swap3A_303 = arith.constant 2400 : index
    %swap3A_304 = tpu.vector_load %arg10[%swap3A_303] {strides = array<i32>} : memref<3200xf32, #tpu.memory_space<vmem>>, vector<16xf32>,
    tpu.vector_store %arg10[%swap3A_303], %broadcast_in_dim3A_3 {strides = array<i32>} : memref<3200xf32, #tpu.memory_space<vmem>>, vector<16xf32>,
    %swap3A_305 = arith.constant 2416 : index
    %swap3A_306 = tpu.vector_load %arg10[%swap3A_305] {strides = array<i32>} : memref<3200xf32, #tpu.memory_space<vmem>>, vector<16xf32>,
    tpu.vector_store %arg10[%swap3A_305], %broadcast_in_dim3A_3 {strides = array<i32>} : memref<3200xf32, #tpu.memory_space<vmem>>, vector<16xf32>,
    %swap3A_307 = arith.constant 2432 : index
    %swap3A_308 = tpu.vector_load %arg10[%swap3A_307] {strides = array<i32>} : memref<3200xf32, #tpu.memory_space<vmem>>, vector<16xf32>,
    tpu.vector_store %arg10[%swap3A_307], %broadcast_in_dim3A_3 {strides = array<i32>} : memref<3200xf32, #tpu.memory_space<vmem>>, vector<16xf32>,
    %swap3A_309 = arith.constant 2448 : index
    %swap3A_310 = tpu.vector_load %arg10[%swap3A_309] {strides = array<i32>} : memref<3200xf32, #tpu.memory_space<vmem>>, vector<16xf32>,
    tpu.vector_store %arg10[%swap3A_309], %broadcast_in_dim3A_3 {strides = array<i32>} : memref<3200xf32, #tpu.memory_space<vmem>>, vector<16xf32>,
    %swap3A_311 = arith.constant 2464 : index
    %swap3A_312 = tpu.vector_load %arg10[%swap3A_311] {strides = array<i32>} : memref<3200xf32, #tpu.memory_space<vmem>>, vector<16xf32>,
    tpu.vector_store %arg10[%swap3A_311], %broadcast_in_dim3A_3 {strides = array<i32>} : memref<3200xf32, #tpu.memory_space<vmem>>, vector<16xf32>,
    %swap3A_313 = arith.constant 2480 : index
    %swap3A_314 = tpu.vector_load %arg10[%swap3A_313] {strides = array<i32>} : memref<3200xf32, #tpu.memory_space<vmem>>, vector<16xf32>,
    tpu.vector_store %arg10[%swap3A_313], %broadcast_in_dim3A_3 {strides = array<i32>} : memref<3200xf32, #tpu.memory_space<vmem>>, vector<16xf32>,
    %swap3A_315 = arith.constant 2496 : index
    %swap3A_316 = tpu.vector_load %arg10[%swap3A_315] {strides = array<i32>} : memref<3200xf32, #tpu.memory_space<vmem>>, vector<16xf32>,
    tpu.vector_store %arg10[%swap3A_315], %broadcast_in_dim3A_3 {strides = array<i32>} : memref<3200xf32, #tpu.memory_space<vmem>>, vector<16xf32>,
    %swap3A_317 = arith.constant 2512 : index
    %swap3A_318 = tpu.vector_load %arg10[%swap3A_317] {strides = array<i32>} : memref<3200xf32, #tpu.memory_space<vmem>>, vector<16xf32>,
    tpu.vector_store %arg10[%swap3A_317], %broadcast_in_dim3A_3 {strides = array<i32>} : memref<3200xf32, #tpu.memory_space<vmem>>, vector<16xf32>,
    %swap3A_319 = arith.constant 2528 : index
    %swap3A_320 = tpu.vector_load %arg10[%swap3A_319] {strides = array<i32>} : memref<3200xf32, #tpu.memory_space<vmem>>, vector<16xf32>,
    tpu.vector_store %arg10[%swap3A_319], %broadcast_in_dim3A_3 {strides = array<i32>} : memref<3200xf32, #tpu.memory_space<vmem>>, vector<16xf32>,
    %swap3A_321 = arith.constant 2544 : index
    %swap3A_322 = tpu.vector_load %arg10[%swap3A_321] {strides = array<i32>} : memref<3200xf32, #tpu.memory_space<vmem>>, vector<16xf32>,
    tpu.vector_store %arg10[%swap3A_321], %broadcast_in_dim3A_3 {strides = array<i32>} : memref<3200xf32, #tpu.memory_space<vmem>>, vector<16xf32>,
    %swap3A_323 = arith.constant 2560 : index
    %swap3A_324 = tpu.vector_load %arg10[%swap3A_323] {strides = array<i32>} : memref<3200xf32, #tpu.memory_space<vmem>>, vector<16xf32>,
    tpu.vector_store %arg10[%swap3A_323], %broadcast_in_dim3A_3 {strides = array<i32>} : memref<3200xf32, #tpu.memory_space<vmem>>, vector<16xf32>,
    %swap3A_325 = arith.constant 2576 : index
    %swap3A_326 = tpu.vector_load %arg10[%swap3A_325] {strides = array<i32>} : memref<3200xf32, #tpu.memory_space<vmem>>, vector<16xf32>,
    tpu.vector_store %arg10[%swap3A_325], %broadcast_in_dim3A_3 {strides = array<i32>} : memref<3200xf32, #tpu.memory_space<vmem>>, vector<16xf32>,
    %swap3A_327 = arith.constant 2592 : index
    %swap3A_328 = tpu.vector_load %arg10[%swap3A_327] {strides = array<i32>} : memref<3200xf32, #tpu.memory_space<vmem>>, vector<16xf32>,
    tpu.vector_store %arg10[%swap3A_327], %broadcast_in_dim3A_3 {strides = array<i32>} : memref<3200xf32, #tpu.memory_space<vmem>>, vector<16xf32>,
    %swap3A_329 = arith.constant 2608 : index
    %swap3A_330 = tpu.vector_load %arg10[%swap3A_329] {strides = array<i32>} : memref<3200xf32, #tpu.memory_space<vmem>>, vector<16xf32>,
    tpu.vector_store %arg10[%swap3A_329], %broadcast_in_dim3A_3 {strides = array<i32>} : memref<3200xf32, #tpu.memory_space<vmem>>, vector<16xf32>,
    %swap3A_331 = arith.constant 2624 : index
    %swap3A_332 = tpu.vector_load %arg10[%swap3A_331] {strides = array<i32>} : memref<3200xf32, #tpu.memory_space<vmem>>, vector<16xf32>,
    tpu.vector_store %arg10[%swap3A_331], %broadcast_in_dim3A_3 {strides = array<i32>} : memref<3200xf32, #tpu.memory_space<vmem>>, vector<16xf32>,
    %swap3A_333 = arith.constant 2640 : index
    %swap3A_334 = tpu.vector_load %arg10[%swap3A_333] {strides = array<i32>} : memref<3200xf32, #tpu.memory_space<vmem>>, vector<16xf32>,
    tpu.vector_store %arg10[%swap3A_333], %broadcast_in_dim3A_3 {strides = array<i32>} : memref<3200xf32, #tpu.memory_space<vmem>>, vector<16xf32>,
    %swap3A_335 = arith.constant 2656 : index
    %swap3A_336 = tpu.vector_load %arg10[%swap3A_335] {strides = array<i32>} : memref<3200xf32, #tpu.memory_space<vmem>>, vector<16xf32>,
    tpu.vector_store %arg10[%swap3A_335], %broadcast_in_dim3A_3 {strides = array<i32>} : memref<3200xf32, #tpu.memory_space<vmem>>, vector<16xf32>,
    %swap3A_337 = arith.constant 2672 : index
    %swap3A_338 = tpu.vector_load %arg10[%swap3A_337] {strides = array<i32>} : memref<3200xf32, #tpu.memory_space<vmem>>, vector<16xf32>,
    tpu.vector_store %arg10[%swap3A_337], %broadcast_in_dim3A_3 {strides = array<i32>} : memref<3200xf32, #tpu.memory_space<vmem>>, vector<16xf32>,
    %swap3A_339 = arith.constant 2688 : index
    %swap3A_340 = tpu.vector_load %arg10[%swap3A_339] {strides = array<i32>} : memref<3200xf32, #tpu.memory_space<vmem>>, vector<16xf32>,
    tpu.vector_store %arg10[%swap3A_339], %broadcast_in_dim3A_3 {strides = array<i32>} : memref<3200xf32, #tpu.memory_space<vmem>>, vector<16xf32>,
    %swap3A_341 = arith.constant 2704 : index
    %swap3A_342 = tpu.vector_load %arg10[%swap3A_341] {strides = array<i32>} : memref<3200xf32, #tpu.memory_space<vmem>>, vector<16xf32>,
    tpu.vector_store %arg10[%swap3A_341], %broadcast_in_dim3A_3 {strides = array<i32>} : memref<3200xf32, #tpu.memory_space<vmem>>, vector<16xf32>,
    %swap3A_343 = arith.constant 2720 : index
    %swap3A_344 = tpu.vector_load %arg10[%swap3A_343] {strides = array<i32>} : memref<3200xf32, #tpu.memory_space<vmem>>, vector<16xf32>,
    tpu.vector_store %arg10[%swap3A_343], %broadcast_in_dim3A_3 {strides = array<i32>} : memref<3200xf32, #tpu.memory_space<vmem>>, vector<16xf32>,
    %swap3A_345 = arith.constant 2736 : index
    %swap3A_346 = tpu.vector_load %arg10[%swap3A_345] {strides = array<i32>} : memref<3200xf32, #tpu.memory_space<vmem>>, vector<16xf32>,
    tpu.vector_store %arg10[%swap3A_345], %broadcast_in_dim3A_3 {strides = array<i32>} : memref<3200xf32, #tpu.memory_space<vmem>>, vector<16xf32>,
    %swap3A_347 = arith.constant 2752 : index
    %swap3A_348 = tpu.vector_load %arg10[%swap3A_347] {strides = array<i32>} : memref<3200xf32, #tpu.memory_space<vmem>>, vector<16xf32>,
    tpu.vector_store %arg10[%swap3A_347], %broadcast_in_dim3A_3 {strides = array<i32>} : memref<3200xf32, #tpu.memory_space<vmem>>, vector<16xf32>,
    %swap3A_349 = arith.constant 2768 : index
    %swap3A_350 = tpu.vector_load %arg10[%swap3A_349] {strides = array<i32>} : memref<3200xf32, #tpu.memory_space<vmem>>, vector<16xf32>,
    tpu.vector_store %arg10[%swap3A_349], %broadcast_in_dim3A_3 {strides = array<i32>} : memref<3200xf32, #tpu.memory_space<vmem>>, vector<16xf32>,
    %swap3A_351 = arith.constant 2784 : index
    %swap3A_352 = tpu.vector_load %arg10[%swap3A_351] {strides = array<i32>} : memref<3200xf32, #tpu.memory_space<vmem>>, vector<16xf32>,
    tpu.vector_store %arg10[%swap3A_351], %broadcast_in_dim3A_3 {strides = array<i32>} : memref<3200xf32, #tpu.memory_space<vmem>>, vector<16xf32>,
    %swap3A_353 = arith.constant 2800 : index
    %swap3A_354 = tpu.vector_load %arg10[%swap3A_353] {strides = array<i32>} : memref<3200xf32, #tpu.memory_space<vmem>>, vector<16xf32>,
    tpu.vector_store %arg10[%swap3A_353], %broadcast_in_dim3A_3 {strides = array<i32>} : memref<3200xf32, #tpu.memory_space<vmem>>, vector<16xf32>,
    %swap3A_355 = arith.constant 2816 : index
    %swap3A_356 = tpu.vector_load %arg10[%swap3A_355] {strides = array<i32>} : memref<3200xf32, #tpu.memory_space<vmem>>, vector<16xf32>,
    tpu.vector_store %arg10[%swap3A_355], %broadcast_in_dim3A_3 {strides = array<i32>} : memref<3200xf32, #tpu.memory_space<vmem>>, vector<16xf32>,
    %swap3A_357 = arith.constant 2832 : index
    %swap3A_358 = tpu.vector_load %arg10[%swap3A_357] {strides = array<i32>} : memref<3200xf32, #tpu.memory_space<vmem>>, vector<16xf32>,
    tpu.vector_store %arg10[%swap3A_357], %broadcast_in_dim3A_3 {strides = array<i32>} : memref<3200xf32, #tpu.memory_space<vmem>>, vector<16xf32>,
    %swap3A_359 = arith.constant 2848 : index
    %swap3A_360 = tpu.vector_load %arg10[%swap3A_359] {strides = array<i32>} : memref<3200xf32, #tpu.memory_space<vmem>>, vector<16xf32>,
    tpu.vector_store %arg10[%swap3A_359], %broadcast_in_dim3A_3 {strides = array<i32>} : memref<3200xf32, #tpu.memory_space<vmem>>, vector<16xf32>,
    %swap3A_361 = arith.constant 2864 : index
    %swap3A_362 = tpu.vector_load %arg10[%swap3A_361] {strides = array<i32>} : memref<3200xf32, #tpu.memory_space<vmem>>, vector<16xf32>,
    tpu.vector_store %arg10[%swap3A_361], %broadcast_in_dim3A_3 {strides = array<i32>} : memref<3200xf32, #tpu.memory_space<vmem>>, vector<16xf32>,
    %swap3A_363 = arith.constant 2880 : index
    %swap3A_364 = tpu.vector_load %arg10[%swap3A_363] {strides = array<i32>} : memref<3200xf32, #tpu.memory_space<vmem>>, vector<16xf32>,
    tpu.vector_store %arg10[%swap3A_363], %broadcast_in_dim3A_3 {strides = array<i32>} : memref<3200xf32, #tpu.memory_space<vmem>>, vector<16xf32>,
    %swap3A_365 = arith.constant 2896 : index
    %swap3A_366 = tpu.vector_load %arg10[%swap3A_365] {strides = array<i32>} : memref<3200xf32, #tpu.memory_space<vmem>>, vector<16xf32>,
    tpu.vector_store %arg10[%swap3A_365], %broadcast_in_dim3A_3 {strides = array<i32>} : memref<3200xf32, #tpu.memory_space<vmem>>, vector<16xf32>,
    %swap3A_367 = arith.constant 2912 : index
    %swap3A_368 = tpu.vector_load %arg10[%swap3A_367] {strides = array<i32>} : memref<3200xf32, #tpu.memory_space<vmem>>, vector<16xf32>,
    tpu.vector_store %arg10[%swap3A_367], %broadcast_in_dim3A_3 {strides = array<i32>} : memref<3200xf32, #tpu.memory_space<vmem>>, vector<16xf32>,
    %swap3A_369 = arith.constant 2928 : index
    %swap3A_370 = tpu.vector_load %arg10[%swap3A_369] {strides = array<i32>} : memref<3200xf32, #tpu.memory_space<vmem>>, vector<16xf32>,
    tpu.vector_store %arg10[%swap3A_369], %broadcast_in_dim3A_3 {strides = array<i32>} : memref<3200xf32, #tpu.memory_space<vmem>>, vector<16xf32>,
    %swap3A_371 = arith.constant 2944 : index
    %swap3A_372 = tpu.vector_load %arg10[%swap3A_371] {strides = array<i32>} : memref<3200xf32, #tpu.memory_space<vmem>>, vector<16xf32>,
    tpu.vector_store %arg10[%swap3A_371], %broadcast_in_dim3A_3 {strides = array<i32>} : memref<3200xf32, #tpu.memory_space<vmem>>, vector<16xf32>,
    %swap3A_373 = arith.constant 2960 : index
    %swap3A_374 = tpu.vector_load %arg10[%swap3A_373] {strides = array<i32>} : memref<3200xf32, #tpu.memory_space<vmem>>, vector<16xf32>,
    tpu.vector_store %arg10[%swap3A_373], %broadcast_in_dim3A_3 {strides = array<i32>} : memref<3200xf32, #tpu.memory_space<vmem>>, vector<16xf32>,
    %swap3A_375 = arith.constant 2976 : index
    %swap3A_376 = tpu.vector_load %arg10[%swap3A_375] {strides = array<i32>} : memref<3200xf32, #tpu.memory_space<vmem>>, vector<16xf32>,
    tpu.vector_store %arg10[%swap3A_375], %broadcast_in_dim3A_3 {strides = array<i32>} : memref<3200xf32, #tpu.memory_space<vmem>>, vector<16xf32>,
    %swap3A_377 = arith.constant 2992 : index
    %swap3A_378 = tpu.vector_load %arg10[%swap3A_377] {strides = array<i32>} : memref<3200xf32, #tpu.memory_space<vmem>>, vector<16xf32>,
    tpu.vector_store %arg10[%swap3A_377], %broadcast_in_dim3A_3 {strides = array<i32>} : memref<3200xf32, #tpu.memory_space<vmem>>, vector<16xf32>,
    %swap3A_379 = arith.constant 3008 : index
    %swap3A_380 = tpu.vector_load %arg10[%swap3A_379] {strides = array<i32>} : memref<3200xf32, #tpu.memory_space<vmem>>, vector<16xf32>,
    tpu.vector_store %arg10[%swap3A_379], %broadcast_in_dim3A_3 {strides = array<i32>} : memref<3200xf32, #tpu.memory_space<vmem>>, vector<16xf32>,
    %swap3A_381 = arith.constant 3024 : index
    %swap3A_382 = tpu.vector_load %arg10[%swap3A_381] {strides = array<i32>} : memref<3200xf32, #tpu.memory_space<vmem>>, vector<16xf32>,
    tpu.vector_store %arg10[%swap3A_381], %broadcast_in_dim3A_3 {strides = array<i32>} : memref<3200xf32, #tpu.memory_space<vmem>>, vector<16xf32>,
    %swap3A_383 = arith.constant 3040 : index
    %swap3A_384 = tpu.vector_load %arg10[%swap3A_383] {strides = array<i32>} : memref<3200xf32, #tpu.memory_space<vmem>>, vector<16xf32>,
    tpu.vector_store %arg10[%swap3A_383], %broadcast_in_dim3A_3 {strides = array<i32>} : memref<3200xf32, #tpu.memory_space<vmem>>, vector<16xf32>,
    %swap3A_385 = arith.constant 3056 : index
    %swap3A_386 = tpu.vector_load %arg10[%swap3A_385] {strides = array<i32>} : memref<3200xf32, #tpu.memory_space<vmem>>, vector<16xf32>,
    tpu.vector_store %arg10[%swap3A_385], %broadcast_in_dim3A_3 {strides = array<i32>} : memref<3200xf32, #tpu.memory_space<vmem>>, vector<16xf32>,
    %swap3A_387 = arith.constant 3072 : index
    %swap3A_388 = tpu.vector_load %arg10[%swap3A_387] {strides = array<i32>} : memref<3200xf32, #tpu.memory_space<vmem>>, vector<16xf32>,
    tpu.vector_store %arg10[%swap3A_387], %broadcast_in_dim3A_3 {strides = array<i32>} : memref<3200xf32, #tpu.memory_space<vmem>>, vector<16xf32>,
    %swap3A_389 = arith.constant 3088 : index
    %swap3A_390 = tpu.vector_load %arg10[%swap3A_389] {strides = array<i32>} : memref<3200xf32, #tpu.memory_space<vmem>>, vector<16xf32>,
    tpu.vector_store %arg10[%swap3A_389], %broadcast_in_dim3A_3 {strides = array<i32>} : memref<3200xf32, #tpu.memory_space<vmem>>, vector<16xf32>,
    %swap3A_391 = arith.constant 3104 : index
    %swap3A_392 = tpu.vector_load %arg10[%swap3A_391] {strides = array<i32>} : memref<3200xf32, #tpu.memory_space<vmem>>, vector<16xf32>,
    tpu.vector_store %arg10[%swap3A_391], %broadcast_in_dim3A_3 {strides = array<i32>} : memref<3200xf32, #tpu.memory_space<vmem>>, vector<16xf32>,
    %swap3A_393 = arith.constant 3120 : index
    %swap3A_394 = tpu.vector_load %arg10[%swap3A_393] {strides = array<i32>} : memref<3200xf32, #tpu.memory_space<vmem>>, vector<16xf32>,
    tpu.vector_store %arg10[%swap3A_393], %broadcast_in_dim3A_3 {strides = array<i32>} : memref<3200xf32, #tpu.memory_space<vmem>>, vector<16xf32>,
    %swap3A_395 = arith.constant 3136 : index
    %swap3A_396 = tpu.vector_load %arg10[%swap3A_395] {strides = array<i32>} : memref<3200xf32, #tpu.memory_space<vmem>>, vector<16xf32>,
    tpu.vector_store %arg10[%swap3A_395], %broadcast_in_dim3A_3 {strides = array<i32>} : memref<3200xf32, #tpu.memory_space<vmem>>, vector<16xf32>,
    %swap3A_397 = arith.constant 3152 : index
    %swap3A_398 = tpu.vector_load %arg10[%swap3A_397] {strides = array<i32>} : memref<3200xf32, #tpu.memory_space<vmem>>, vector<16xf32>,
    tpu.vector_store %arg10[%swap3A_397], %broadcast_in_dim3A_3 {strides = array<i32>} : memref<3200xf32, #tpu.memory_space<vmem>>, vector<16xf32>,
    %swap3A_399 = arith.constant 3168 : index
    %swap3A_400 = tpu.vector_load %arg10[%swap3A_399] {strides = array<i32>} : memref<3200xf32, #tpu.memory_space<vmem>>, vector<16xf32>,
    tpu.vector_store %arg10[%swap3A_399], %broadcast_in_dim3A_3 {strides = array<i32>} : memref<3200xf32, #tpu.memory_space<vmem>>, vector<16xf32>,
    %swap3A_401 = arith.constant 3184 : index
    %swap3A_402 = tpu.vector_load %arg10[%swap3A_401] {strides = array<i32>} : memref<3200xf32, #tpu.memory_space<vmem>>, vector<16xf32>,
    tpu.vector_store %arg10[%swap3A_401], %broadcast_in_dim3A_3 {strides = array<i32>} : memref<3200xf32, #tpu.memory_space<vmem>>, vector<16xf32>,
    %scan3A = arith.constant 0 : i32
    %scan3A_403 = arith.constant 0 : i32
    %scan3A_404 = arith.constant 25 : i32
    %scan3A_405 = arith.addi %scan3A_403, %scan3A_404 : i32
    %scan3A_406 = arith.constant 1 : i32
    scf.for %scan3A_417 = %scan3A_403 to %scan3A_405 step %scan3A_406  : i32 {
      %mul3A_418 = arith.constant 400 : i32
      %mul3A_419 = arith.muli %scan3A_417, %mul3A_418 : i32
      %add3A_420 = arith.addi %mul3A_2, %mul3A_419 : i32
      %gt3A = arith.constant 0 : i32
      %gt3A_421 = arith.cmpi sgt, %scan3A_417, %gt3A : i32
      %convert_element_type3A = arith.extui %gt3A_421 : i1 to i32
      %cond3A = arith.constant 0 : i32
      %cond3A_422 = arith.cmpi ne, %convert_element_type3A, %cond3A : i32
      scf.if %cond3A_422 {
        %dma_wait3A_1902 = arith.constant 0 : i32
        %dma_wait3A_1903 = arith.constant 0 : i32
        %dma_wait3A_1904 = tpu.memref_slice %arg5[%dma_wait3A_1902, %dma_wait3A_1903] : memref<320000x128xf32, #tpu.memory_space<hbm>> -> memref<400x128xf32, #tpu.memory_space<hbm>>
        %dma_wait3A_1905 = arith.constant 0 : i32
        %dma_wait3A_1906 = arith.constant 0 : i32
        %dma_wait3A_1907 = tpu.memref_slice %arg5[%dma_wait3A_1905, %dma_wait3A_1906] : memref<320000x128xf32, #tpu.memory_space<hbm>> -> memref<400x128xf32, #tpu.memory_space<hbm>>
        tpu.wait_dma2 semaphore(%arg12 : memref<!tpu.dma_semaphore, #tpu.memory_space<semaphore_mem>>) src(%arg9 : memref<400x128xf32, #tpu.memory_space<vmem>>) dst(%dma_wait3A_1907 : memref<400x128xf32, #tpu.memory_space<hbm>>)
        %dma_wait3A_1908 = arith.constant 0 : i32
        %dma_wait3A_1909 = tpu.memref_slice %arg6[%dma_wait3A_1908] : memref<2560000xf32, #tpu.memory_space<hbm>> -> memref<3200xf32, #tpu.memory_space<hbm>>
        %dma_wait3A_1910 = arith.constant 0 : i32
        %dma_wait3A_1911 = tpu.memref_slice %arg6[%dma_wait3A_1910] : memref<2560000xf32, #tpu.memory_space<hbm>> -> memref<3200xf32, #tpu.memory_space<hbm>>
        tpu.wait_dma2 semaphore(%arg12 : memref<!tpu.dma_semaphore, #tpu.memory_space<semaphore_mem>>) src(%arg10 : memref<3200xf32, #tpu.memory_space<vmem>>) dst(%dma_wait3A_1911 : memref<3200xf32, #tpu.memory_space<hbm>>)
      } else {
      }
      %mul3A_423 = arith.constant 5 : i32
      %mul3A_424 = arith.muli %scan3A_417, %mul3A_423 : i32
      %add3A_425 = arith.constant 0 : i32
      %add3A_426 = arith.addi %mul3A_424, %add3A_425 : i32
      %mul3A_427 = arith.constant 80 : i32
      %mul3A_428 = arith.muli %add3A_426, %mul3A_427 : i32
      %dma_start3A = arith.constant 0 : i32
      %dma_start3A_429 = arith.constant 0 : i32
      %dma_start3A_430 = tpu.memref_slice %arg9[%dma_start3A, %dma_start3A_429] : memref<400x128xf32, #tpu.memory_space<vmem>> -> memref<80x128xf32, #tpu.memory_space<vmem>>
      %dma_start3A_431 = tpu.memref_slice %arg8[%mul3A_428] : memref<10000xi32, #tpu.memory_space<vmem>> -> memref<80xi32, #tpu.memory_space<vmem>>
      %dma_start3A_432 = arith.constant 0 : i32
      %dma_start3A_433 = arith.constant 0 : i32
      %dma_start3A_434 = tpu.memref_slice %arg2[%dma_start3A_432, %dma_start3A_433] : memref<10000x128xf32, #tpu.memory_space<hbm>> -> memref<10000x128xf32, #tpu.memory_space<hbm>>
      tpu.enqueue_indirect_dma source(%dma_start3A_434 : memref<10000x128xf32, #tpu.memory_space<hbm>>) target(%dma_start3A_430 : memref<80x128xf32, #tpu.memory_space<vmem>>) offsets(%dma_start3A_431 : memref<80xi32, #tpu.memory_space<vmem>>) semaphore(%arg11 : memref<!tpu.dma_semaphore, #tpu.memory_space<semaphore_mem>>)
      %mul3A_435 = arith.constant 5 : i32
      %mul3A_436 = arith.muli %scan3A_417, %mul3A_435 : i32
      %add3A_437 = arith.constant 1 : i32
      %add3A_438 = arith.addi %mul3A_436, %add3A_437 : i32
      %mul3A_439 = arith.constant 80 : i32
      %mul3A_440 = arith.muli %add3A_438, %mul3A_439 : i32
      %dma_start3A_441 = arith.constant 80 : i32
      %dma_start3A_442 = arith.constant 0 : i32
      %dma_start3A_443 = tpu.memref_slice %arg9[%dma_start3A_441, %dma_start3A_442] : memref<400x128xf32, #tpu.memory_space<vmem>> -> memref<80x128xf32, #tpu.memory_space<vmem>>
      %dma_start3A_444 = tpu.memref_slice %arg8[%mul3A_440] : memref<10000xi32, #tpu.memory_space<vmem>> -> memref<80xi32, #tpu.memory_space<vmem>>
      %dma_start3A_445 = arith.constant 0 : i32
      %dma_start3A_446 = arith.constant 0 : i32
      %dma_start3A_447 = tpu.memref_slice %arg2[%dma_start3A_445, %dma_start3A_446] : memref<10000x128xf32, #tpu.memory_space<hbm>> -> memref<10000x128xf32, #tpu.memory_space<hbm>>
      tpu.enqueue_indirect_dma source(%dma_start3A_447 : memref<10000x128xf32, #tpu.memory_space<hbm>>) target(%dma_start3A_443 : memref<80x128xf32, #tpu.memory_space<vmem>>) offsets(%dma_start3A_444 : memref<80xi32, #tpu.memory_space<vmem>>) semaphore(%arg11 : memref<!tpu.dma_semaphore, #tpu.memory_space<semaphore_mem>>)
      %mul3A_448 = arith.constant 5 : i32
      %mul3A_449 = arith.muli %scan3A_417, %mul3A_448 : i32
      %add3A_450 = arith.constant 2 : i32
      %add3A_451 = arith.addi %mul3A_449, %add3A_450 : i32
      %mul3A_452 = arith.constant 80 : i32
      %mul3A_453 = arith.muli %add3A_451, %mul3A_452 : i32
      %dma_start3A_454 = arith.constant 160 : i32
      %dma_start3A_455 = arith.constant 0 : i32
      %dma_start3A_456 = tpu.memref_slice %arg9[%dma_start3A_454, %dma_start3A_455] : memref<400x128xf32, #tpu.memory_space<vmem>> -> memref<80x128xf32, #tpu.memory_space<vmem>>
      %dma_start3A_457 = tpu.memref_slice %arg8[%mul3A_453] : memref<10000xi32, #tpu.memory_space<vmem>> -> memref<80xi32, #tpu.memory_space<vmem>>
      %dma_start3A_458 = arith.constant 0 : i32
      %dma_start3A_459 = arith.constant 0 : i32
      %dma_start3A_460 = tpu.memref_slice %arg2[%dma_start3A_458, %dma_start3A_459] : memref<10000x128xf32, #tpu.memory_space<hbm>> -> memref<10000x128xf32, #tpu.memory_space<hbm>>
      tpu.enqueue_indirect_dma source(%dma_start3A_460 : memref<10000x128xf32, #tpu.memory_space<hbm>>) target(%dma_start3A_456 : memref<80x128xf32, #tpu.memory_space<vmem>>) offsets(%dma_start3A_457 : memref<80xi32, #tpu.memory_space<vmem>>) semaphore(%arg11 : memref<!tpu.dma_semaphore, #tpu.memory_space<semaphore_mem>>)
      %mul3A_461 = arith.constant 5 : i32
      %mul3A_462 = arith.muli %scan3A_417, %mul3A_461 : i32
      %add3A_463 = arith.constant 3 : i32
      %add3A_464 = arith.addi %mul3A_462, %add3A_463 : i32
      %mul3A_465 = arith.constant 80 : i32
      %mul3A_466 = arith.muli %add3A_464, %mul3A_465 : i32
      %dma_start3A_467 = arith.constant 240 : i32
      %dma_start3A_468 = arith.constant 0 : i32
      %dma_start3A_469 = tpu.memref_slice %arg9[%dma_start3A_467, %dma_start3A_468] : memref<400x128xf32, #tpu.memory_space<vmem>> -> memref<80x128xf32, #tpu.memory_space<vmem>>
      %dma_start3A_470 = tpu.memref_slice %arg8[%mul3A_466] : memref<10000xi32, #tpu.memory_space<vmem>> -> memref<80xi32, #tpu.memory_space<vmem>>
      %dma_start3A_471 = arith.constant 0 : i32
      %dma_start3A_472 = arith.constant 0 : i32
      %dma_start3A_473 = tpu.memref_slice %arg2[%dma_start3A_471, %dma_start3A_472] : memref<10000x128xf32, #tpu.memory_space<hbm>> -> memref<10000x128xf32, #tpu.memory_space<hbm>>
      tpu.enqueue_indirect_dma source(%dma_start3A_473 : memref<10000x128xf32, #tpu.memory_space<hbm>>) target(%dma_start3A_469 : memref<80x128xf32, #tpu.memory_space<vmem>>) offsets(%dma_start3A_470 : memref<80xi32, #tpu.memory_space<vmem>>) semaphore(%arg11 : memref<!tpu.dma_semaphore, #tpu.memory_space<semaphore_mem>>)
      %mul3A_474 = arith.constant 5 : i32
      %mul3A_475 = arith.muli %scan3A_417, %mul3A_474 : i32
      %add3A_476 = arith.constant 4 : i32
      %add3A_477 = arith.addi %mul3A_475, %add3A_476 : i32
      %mul3A_478 = arith.constant 80 : i32
      %mul3A_479 = arith.muli %add3A_477, %mul3A_478 : i32
      %dma_start3A_480 = arith.constant 320 : i32
      %dma_start3A_481 = arith.constant 0 : i32
      %dma_start3A_482 = tpu.memref_slice %arg9[%dma_start3A_480, %dma_start3A_481] : memref<400x128xf32, #tpu.memory_space<vmem>> -> memref<80x128xf32, #tpu.memory_space<vmem>>
      %dma_start3A_483 = tpu.memref_slice %arg8[%mul3A_479] : memref<10000xi32, #tpu.memory_space<vmem>> -> memref<80xi32, #tpu.memory_space<vmem>>
      %dma_start3A_484 = arith.constant 0 : i32
      %dma_start3A_485 = arith.constant 0 : i32
      %dma_start3A_486 = tpu.memref_slice %arg2[%dma_start3A_484, %dma_start3A_485] : memref<10000x128xf32, #tpu.memory_space<hbm>> -> memref<10000x128xf32, #tpu.memory_space<hbm>>
      tpu.enqueue_indirect_dma source(%dma_start3A_486 : memref<10000x128xf32, #tpu.memory_space<hbm>>) target(%dma_start3A_482 : memref<80x128xf32, #tpu.memory_space<vmem>>) offsets(%dma_start3A_483 : memref<80xi32, #tpu.memory_space<vmem>>) semaphore(%arg11 : memref<!tpu.dma_semaphore, #tpu.memory_space<semaphore_mem>>)
      %mul3A_487 = arith.constant 5 : i32
      %mul3A_488 = arith.muli %scan3A_417, %mul3A_487 : i32
      %add3A_489 = arith.constant 0 : i32
      %add3A_490 = arith.addi %mul3A_488, %add3A_489 : i32
      %mul3A_491 = arith.constant 80 : i32
      %mul3A_492 = arith.muli %add3A_490, %mul3A_491 : i32
      %add3A_493 = arith.constant 0 : i32
      %add3A_494 = arith.addi %mul3A_492, %add3A_493 : i32
      %get3A = arith.index_cast %add3A_494 : i32 to index
      %get3A_495 = tpu.vector_load %arg8[%get3A] {strides = array<i32>} : memref<10000xi32, #tpu.memory_space<vmem>>, vector<16xi32>,
      %mul3A_496 = arith.constant 5 : i32
      %mul3A_497 = vector.broadcast %mul3A_496 : i32 to vector<16xi32>
      %mul3A_498 = arith.muli %get3A_495, %mul3A_497 : vector<16xi32>
      %iota3A = tpu.iota {dimensions = array<i32: 0>} : vector<16xi32>
      %add3A_499 = arith.constant 0 : i32
      %add3A_500 = vector.broadcast %add3A_499 : i32 to vector<16xi32>
      %add3A_501 = arith.addi %iota3A, %add3A_500 : vector<16xi32>
      %mul3A_502 = arith.constant 8 : i32
      %mul3A_503 = vector.broadcast %mul3A_502 : i32 to vector<16xi32>
      %mul3A_504 = arith.muli %add3A_501, %mul3A_503 : vector<16xi32>
      %add3A_505 = arith.constant 0 : i32
      %add3A_506 = vector.broadcast %add3A_505 : i32 to vector<16xi32>
      %add3A_507 = arith.addi %mul3A_498, %add3A_506 : vector<16xi32>
      %gather3A = tpu.vector_load_idx %arg7[%add3A_507] : memref<50000xf32, #tpu.memory_space<vmem>>[vector<16xi32>], vector<16xf32>,
      %add3A_508 = arith.constant 0 : i32
      %add3A_509 = vector.broadcast %add3A_508 : i32 to vector<16xi32>
      %add3A_510 = arith.addi %mul3A_504, %add3A_509 : vector<16xi32>
      tpu.vector_store_idx %arg10[%add3A_510], %gather3A : memref<3200xf32, #tpu.memory_space<vmem>>[vector<16xi32>], vector<16xf32>,
      %add3A_511 = arith.constant 1 : i32
      %add3A_512 = vector.broadcast %add3A_511 : i32 to vector<16xi32>
      %add3A_513 = arith.addi %mul3A_498, %add3A_512 : vector<16xi32>
      %gather3A_514 = tpu.vector_load_idx %arg7[%add3A_513] : memref<50000xf32, #tpu.memory_space<vmem>>[vector<16xi32>], vector<16xf32>,
      %add3A_515 = arith.constant 1 : i32
      %add3A_516 = vector.broadcast %add3A_515 : i32 to vector<16xi32>
      %add3A_517 = arith.addi %mul3A_504, %add3A_516 : vector<16xi32>
      tpu.vector_store_idx %arg10[%add3A_517], %gather3A_514 : memref<3200xf32, #tpu.memory_space<vmem>>[vector<16xi32>], vector<16xf32>,
      %add3A_518 = arith.constant 2 : i32
      %add3A_519 = vector.broadcast %add3A_518 : i32 to vector<16xi32>
      %add3A_520 = arith.addi %mul3A_498, %add3A_519 : vector<16xi32>
      %gather3A_521 = tpu.vector_load_idx %arg7[%add3A_520] : memref<50000xf32, #tpu.memory_space<vmem>>[vector<16xi32>], vector<16xf32>,
      %add3A_522 = arith.constant 2 : i32
      %add3A_523 = vector.broadcast %add3A_522 : i32 to vector<16xi32>
      %add3A_524 = arith.addi %mul3A_504, %add3A_523 : vector<16xi32>
      tpu.vector_store_idx %arg10[%add3A_524], %gather3A_521 : memref<3200xf32, #tpu.memory_space<vmem>>[vector<16xi32>], vector<16xf32>,
      %add3A_525 = arith.constant 3 : i32
      %add3A_526 = vector.broadcast %add3A_525 : i32 to vector<16xi32>
      %add3A_527 = arith.addi %mul3A_498, %add3A_526 : vector<16xi32>
      %gather3A_528 = tpu.vector_load_idx %arg7[%add3A_527] : memref<50000xf32, #tpu.memory_space<vmem>>[vector<16xi32>], vector<16xf32>,
      %add3A_529 = arith.constant 3 : i32
      %add3A_530 = vector.broadcast %add3A_529 : i32 to vector<16xi32>
      %add3A_531 = arith.addi %mul3A_504, %add3A_530 : vector<16xi32>
      tpu.vector_store_idx %arg10[%add3A_531], %gather3A_528 : memref<3200xf32, #tpu.memory_space<vmem>>[vector<16xi32>], vector<16xf32>,
      %add3A_532 = arith.constant 4 : i32
      %add3A_533 = vector.broadcast %add3A_532 : i32 to vector<16xi32>
      %add3A_534 = arith.addi %mul3A_498, %add3A_533 : vector<16xi32>
      %gather3A_535 = tpu.vector_load_idx %arg7[%add3A_534] : memref<50000xf32, #tpu.memory_space<vmem>>[vector<16xi32>], vector<16xf32>,
      %add3A_536 = arith.constant 4 : i32
      %add3A_537 = vector.broadcast %add3A_536 : i32 to vector<16xi32>
      %add3A_538 = arith.addi %mul3A_504, %add3A_537 : vector<16xi32>
      tpu.vector_store_idx %arg10[%add3A_538], %gather3A_535 : memref<3200xf32, #tpu.memory_space<vmem>>[vector<16xi32>], vector<16xf32>,
      %mul3A_539 = arith.constant 5 : i32
      %mul3A_540 = arith.muli %scan3A_417, %mul3A_539 : i32
      %add3A_541 = arith.constant 0 : i32
      %add3A_542 = arith.addi %mul3A_540, %add3A_541 : i32
      %mul3A_543 = arith.constant 80 : i32
      %mul3A_544 = arith.muli %add3A_542, %mul3A_543 : i32
      %add3A_545 = arith.constant 16 : i32
      %add3A_546 = arith.addi %mul3A_544, %add3A_545 : i32
      %get3A_547 = arith.index_cast %add3A_546 : i32 to index
      %get3A_548 = tpu.vector_load %arg8[%get3A_547] {strides = array<i32>} : memref<10000xi32, #tpu.memory_space<vmem>>, vector<16xi32>,
      %mul3A_549 = arith.constant 5 : i32
      %mul3A_550 = vector.broadcast %mul3A_549 : i32 to vector<16xi32>
      %mul3A_551 = arith.muli %get3A_548, %mul3A_550 : vector<16xi32>
      %iota3A_552 = tpu.iota {dimensions = array<i32: 0>} : vector<16xi32>
      %add3A_553 = arith.constant 16 : i32
      %add3A_554 = vector.broadcast %add3A_553 : i32 to vector<16xi32>
      %add3A_555 = arith.addi %iota3A_552, %add3A_554 : vector<16xi32>
      %mul3A_556 = arith.constant 8 : i32
      %mul3A_557 = vector.broadcast %mul3A_556 : i32 to vector<16xi32>
      %mul3A_558 = arith.muli %add3A_555, %mul3A_557 : vector<16xi32>
      %add3A_559 = arith.constant 0 : i32
      %add3A_560 = vector.broadcast %add3A_559 : i32 to vector<16xi32>
      %add3A_561 = arith.addi %mul3A_551, %add3A_560 : vector<16xi32>
      %gather3A_562 = tpu.vector_load_idx %arg7[%add3A_561] : memref<50000xf32, #tpu.memory_space<vmem>>[vector<16xi32>], vector<16xf32>,
      %add3A_563 = arith.constant 0 : i32
      %add3A_564 = vector.broadcast %add3A_563 : i32 to vector<16xi32>
      %add3A_565 = arith.addi %mul3A_558, %add3A_564 : vector<16xi32>
      tpu.vector_store_idx %arg10[%add3A_565], %gather3A_562 : memref<3200xf32, #tpu.memory_space<vmem>>[vector<16xi32>], vector<16xf32>,
      %add3A_566 = arith.constant 1 : i32
      %add3A_567 = vector.broadcast %add3A_566 : i32 to vector<16xi32>
      %add3A_568 = arith.addi %mul3A_551, %add3A_567 : vector<16xi32>
      %gather3A_569 = tpu.vector_load_idx %arg7[%add3A_568] : memref<50000xf32, #tpu.memory_space<vmem>>[vector<16xi32>], vector<16xf32>,
      %add3A_570 = arith.constant 1 : i32
      %add3A_571 = vector.broadcast %add3A_570 : i32 to vector<16xi32>
      %add3A_572 = arith.addi %mul3A_558, %add3A_571 : vector<16xi32>
      tpu.vector_store_idx %arg10[%add3A_572], %gather3A_569 : memref<3200xf32, #tpu.memory_space<vmem>>[vector<16xi32>], vector<16xf32>,
      %add3A_573 = arith.constant 2 : i32
      %add3A_574 = vector.broadcast %add3A_573 : i32 to vector<16xi32>
      %add3A_575 = arith.addi %mul3A_551, %add3A_574 : vector<16xi32>
      %gather3A_576 = tpu.vector_load_idx %arg7[%add3A_575] : memref<50000xf32, #tpu.memory_space<vmem>>[vector<16xi32>], vector<16xf32>,
      %add3A_577 = arith.constant 2 : i32
      %add3A_578 = vector.broadcast %add3A_577 : i32 to vector<16xi32>
      %add3A_579 = arith.addi %mul3A_558, %add3A_578 : vector<16xi32>
      tpu.vector_store_idx %arg10[%add3A_579], %gather3A_576 : memref<3200xf32, #tpu.memory_space<vmem>>[vector<16xi32>], vector<16xf32>,
      %add3A_580 = arith.constant 3 : i32
      %add3A_581 = vector.broadcast %add3A_580 : i32 to vector<16xi32>
      %add3A_582 = arith.addi %mul3A_551, %add3A_581 : vector<16xi32>
      %gather3A_583 = tpu.vector_load_idx %arg7[%add3A_582] : memref<50000xf32, #tpu.memory_space<vmem>>[vector<16xi32>], vector<16xf32>,
      %add3A_584 = arith.constant 3 : i32
      %add3A_585 = vector.broadcast %add3A_584 : i32 to vector<16xi32>
      %add3A_586 = arith.addi %mul3A_558, %add3A_585 : vector<16xi32>
      tpu.vector_store_idx %arg10[%add3A_586], %gather3A_583 : memref<3200xf32, #tpu.memory_space<vmem>>[vector<16xi32>], vector<16xf32>,
      %add3A_587 = arith.constant 4 : i32
      %add3A_588 = vector.broadcast %add3A_587 : i32 to vector<16xi32>
      %add3A_589 = arith.addi %mul3A_551, %add3A_588 : vector<16xi32>
      %gather3A_590 = tpu.vector_load_idx %arg7[%add3A_589] : memref<50000xf32, #tpu.memory_space<vmem>>[vector<16xi32>], vector<16xf32>,
      %add3A_591 = arith.constant 4 : i32
      %add3A_592 = vector.broadcast %add3A_591 : i32 to vector<16xi32>
      %add3A_593 = arith.addi %mul3A_558, %add3A_592 : vector<16xi32>
      tpu.vector_store_idx %arg10[%add3A_593], %gather3A_590 : memref<3200xf32, #tpu.memory_space<vmem>>[vector<16xi32>], vector<16xf32>,
      %mul3A_594 = arith.constant 5 : i32
      %mul3A_595 = arith.muli %scan3A_417, %mul3A_594 : i32
      %add3A_596 = arith.constant 0 : i32
      %add3A_597 = arith.addi %mul3A_595, %add3A_596 : i32
      %mul3A_598 = arith.constant 80 : i32
      %mul3A_599 = arith.muli %add3A_597, %mul3A_598 : i32
      %add3A_600 = arith.constant 32 : i32
      %add3A_601 = arith.addi %mul3A_599, %add3A_600 : i32
      %get3A_602 = arith.index_cast %add3A_601 : i32 to index
      %get3A_603 = tpu.vector_load %arg8[%get3A_602] {strides = array<i32>} : memref<10000xi32, #tpu.memory_space<vmem>>, vector<16xi32>,
      %mul3A_604 = arith.constant 5 : i32
      %mul3A_605 = vector.broadcast %mul3A_604 : i32 to vector<16xi32>
      %mul3A_606 = arith.muli %get3A_603, %mul3A_605 : vector<16xi32>
      %iota3A_607 = tpu.iota {dimensions = array<i32: 0>} : vector<16xi32>
      %add3A_608 = arith.constant 32 : i32
      %add3A_609 = vector.broadcast %add3A_608 : i32 to vector<16xi32>
      %add3A_610 = arith.addi %iota3A_607, %add3A_609 : vector<16xi32>
      %mul3A_611 = arith.constant 8 : i32
      %mul3A_612 = vector.broadcast %mul3A_611 : i32 to vector<16xi32>
      %mul3A_613 = arith.muli %add3A_610, %mul3A_612 : vector<16xi32>
      %add3A_614 = arith.constant 0 : i32
      %add3A_615 = vector.broadcast %add3A_614 : i32 to vector<16xi32>
      %add3A_616 = arith.addi %mul3A_606, %add3A_615 : vector<16xi32>
      %gather3A_617 = tpu.vector_load_idx %arg7[%add3A_616] : memref<50000xf32, #tpu.memory_space<vmem>>[vector<16xi32>], vector<16xf32>,
      %add3A_618 = arith.constant 0 : i32
      %add3A_619 = vector.broadcast %add3A_618 : i32 to vector<16xi32>
      %add3A_620 = arith.addi %mul3A_613, %add3A_619 : vector<16xi32>
      tpu.vector_store_idx %arg10[%add3A_620], %gather3A_617 : memref<3200xf32, #tpu.memory_space<vmem>>[vector<16xi32>], vector<16xf32>,
      %add3A_621 = arith.constant 1 : i32
      %add3A_622 = vector.broadcast %add3A_621 : i32 to vector<16xi32>
      %add3A_623 = arith.addi %mul3A_606, %add3A_622 : vector<16xi32>
      %gather3A_624 = tpu.vector_load_idx %arg7[%add3A_623] : memref<50000xf32, #tpu.memory_space<vmem>>[vector<16xi32>], vector<16xf32>,
      %add3A_625 = arith.constant 1 : i32
      %add3A_626 = vector.broadcast %add3A_625 : i32 to vector<16xi32>
      %add3A_627 = arith.addi %mul3A_613, %add3A_626 : vector<16xi32>
      tpu.vector_store_idx %arg10[%add3A_627], %gather3A_624 : memref<3200xf32, #tpu.memory_space<vmem>>[vector<16xi32>], vector<16xf32>,
      %add3A_628 = arith.constant 2 : i32
      %add3A_629 = vector.broadcast %add3A_628 : i32 to vector<16xi32>
      %add3A_630 = arith.addi %mul3A_606, %add3A_629 : vector<16xi32>
      %gather3A_631 = tpu.vector_load_idx %arg7[%add3A_630] : memref<50000xf32, #tpu.memory_space<vmem>>[vector<16xi32>], vector<16xf32>,
      %add3A_632 = arith.constant 2 : i32
      %add3A_633 = vector.broadcast %add3A_632 : i32 to vector<16xi32>
      %add3A_634 = arith.addi %mul3A_613, %add3A_633 : vector<16xi32>
      tpu.vector_store_idx %arg10[%add3A_634], %gather3A_631 : memref<3200xf32, #tpu.memory_space<vmem>>[vector<16xi32>], vector<16xf32>,
      %add3A_635 = arith.constant 3 : i32
      %add3A_636 = vector.broadcast %add3A_635 : i32 to vector<16xi32>
      %add3A_637 = arith.addi %mul3A_606, %add3A_636 : vector<16xi32>
      %gather3A_638 = tpu.vector_load_idx %arg7[%add3A_637] : memref<50000xf32, #tpu.memory_space<vmem>>[vector<16xi32>], vector<16xf32>,
      %add3A_639 = arith.constant 3 : i32
      %add3A_640 = vector.broadcast %add3A_639 : i32 to vector<16xi32>
      %add3A_641 = arith.addi %mul3A_613, %add3A_640 : vector<16xi32>
      tpu.vector_store_idx %arg10[%add3A_641], %gather3A_638 : memref<3200xf32, #tpu.memory_space<vmem>>[vector<16xi32>], vector<16xf32>,
      %add3A_642 = arith.constant 4 : i32
      %add3A_643 = vector.broadcast %add3A_642 : i32 to vector<16xi32>
      %add3A_644 = arith.addi %mul3A_606, %add3A_643 : vector<16xi32>
      %gather3A_645 = tpu.vector_load_idx %arg7[%add3A_644] : memref<50000xf32, #tpu.memory_space<vmem>>[vector<16xi32>], vector<16xf32>,
      %add3A_646 = arith.constant 4 : i32
      %add3A_647 = vector.broadcast %add3A_646 : i32 to vector<16xi32>
      %add3A_648 = arith.addi %mul3A_613, %add3A_647 : vector<16xi32>
      tpu.vector_store_idx %arg10[%add3A_648], %gather3A_645 : memref<3200xf32, #tpu.memory_space<vmem>>[vector<16xi32>], vector<16xf32>,
      %mul3A_649 = arith.constant 5 : i32
      %mul3A_650 = arith.muli %scan3A_417, %mul3A_649 : i32
      %add3A_651 = arith.constant 0 : i32
      %add3A_652 = arith.addi %mul3A_650, %add3A_651 : i32
      %mul3A_653 = arith.constant 80 : i32
      %mul3A_654 = arith.muli %add3A_652, %mul3A_653 : i32
      %add3A_655 = arith.constant 48 : i32
      %add3A_656 = arith.addi %mul3A_654, %add3A_655 : i32
      %get3A_657 = arith.index_cast %add3A_656 : i32 to index
      %get3A_658 = tpu.vector_load %arg8[%get3A_657] {strides = array<i32>} : memref<10000xi32, #tpu.memory_space<vmem>>, vector<16xi32>,
      %mul3A_659 = arith.constant 5 : i32
      %mul3A_660 = vector.broadcast %mul3A_659 : i32 to vector<16xi32>
      %mul3A_661 = arith.muli %get3A_658, %mul3A_660 : vector<16xi32>
      %iota3A_662 = tpu.iota {dimensions = array<i32: 0>} : vector<16xi32>
      %add3A_663 = arith.constant 48 : i32
      %add3A_664 = vector.broadcast %add3A_663 : i32 to vector<16xi32>
      %add3A_665 = arith.addi %iota3A_662, %add3A_664 : vector<16xi32>
      %mul3A_666 = arith.constant 8 : i32
      %mul3A_667 = vector.broadcast %mul3A_666 : i32 to vector<16xi32>
      %mul3A_668 = arith.muli %add3A_665, %mul3A_667 : vector<16xi32>
      %add3A_669 = arith.constant 0 : i32
      %add3A_670 = vector.broadcast %add3A_669 : i32 to vector<16xi32>
      %add3A_671 = arith.addi %mul3A_661, %add3A_670 : vector<16xi32>
      %gather3A_672 = tpu.vector_load_idx %arg7[%add3A_671] : memref<50000xf32, #tpu.memory_space<vmem>>[vector<16xi32>], vector<16xf32>,
      %add3A_673 = arith.constant 0 : i32
      %add3A_674 = vector.broadcast %add3A_673 : i32 to vector<16xi32>
      %add3A_675 = arith.addi %mul3A_668, %add3A_674 : vector<16xi32>
      tpu.vector_store_idx %arg10[%add3A_675], %gather3A_672 : memref<3200xf32, #tpu.memory_space<vmem>>[vector<16xi32>], vector<16xf32>,
      %add3A_676 = arith.constant 1 : i32
      %add3A_677 = vector.broadcast %add3A_676 : i32 to vector<16xi32>
      %add3A_678 = arith.addi %mul3A_661, %add3A_677 : vector<16xi32>
      %gather3A_679 = tpu.vector_load_idx %arg7[%add3A_678] : memref<50000xf32, #tpu.memory_space<vmem>>[vector<16xi32>], vector<16xf32>,
      %add3A_680 = arith.constant 1 : i32
      %add3A_681 = vector.broadcast %add3A_680 : i32 to vector<16xi32>
      %add3A_682 = arith.addi %mul3A_668, %add3A_681 : vector<16xi32>
      tpu.vector_store_idx %arg10[%add3A_682], %gather3A_679 : memref<3200xf32, #tpu.memory_space<vmem>>[vector<16xi32>], vector<16xf32>,
      %add3A_683 = arith.constant 2 : i32
      %add3A_684 = vector.broadcast %add3A_683 : i32 to vector<16xi32>
      %add3A_685 = arith.addi %mul3A_661, %add3A_684 : vector<16xi32>
      %gather3A_686 = tpu.vector_load_idx %arg7[%add3A_685] : memref<50000xf32, #tpu.memory_space<vmem>>[vector<16xi32>], vector<16xf32>,
      %add3A_687 = arith.constant 2 : i32
      %add3A_688 = vector.broadcast %add3A_687 : i32 to vector<16xi32>
      %add3A_689 = arith.addi %mul3A_668, %add3A_688 : vector<16xi32>
      tpu.vector_store_idx %arg10[%add3A_689], %gather3A_686 : memref<3200xf32, #tpu.memory_space<vmem>>[vector<16xi32>], vector<16xf32>,
      %add3A_690 = arith.constant 3 : i32
      %add3A_691 = vector.broadcast %add3A_690 : i32 to vector<16xi32>
      %add3A_692 = arith.addi %mul3A_661, %add3A_691 : vector<16xi32>
      %gather3A_693 = tpu.vector_load_idx %arg7[%add3A_692] : memref<50000xf32, #tpu.memory_space<vmem>>[vector<16xi32>], vector<16xf32>,
      %add3A_694 = arith.constant 3 : i32
      %add3A_695 = vector.broadcast %add3A_694 : i32 to vector<16xi32>
      %add3A_696 = arith.addi %mul3A_668, %add3A_695 : vector<16xi32>
      tpu.vector_store_idx %arg10[%add3A_696], %gather3A_693 : memref<3200xf32, #tpu.memory_space<vmem>>[vector<16xi32>], vector<16xf32>,
      %add3A_697 = arith.constant 4 : i32
      %add3A_698 = vector.broadcast %add3A_697 : i32 to vector<16xi32>
      %add3A_699 = arith.addi %mul3A_661, %add3A_698 : vector<16xi32>
      %gather3A_700 = tpu.vector_load_idx %arg7[%add3A_699] : memref<50000xf32, #tpu.memory_space<vmem>>[vector<16xi32>], vector<16xf32>,
      %add3A_701 = arith.constant 4 : i32
      %add3A_702 = vector.broadcast %add3A_701 : i32 to vector<16xi32>
      %add3A_703 = arith.addi %mul3A_668, %add3A_702 : vector<16xi32>
      tpu.vector_store_idx %arg10[%add3A_703], %gather3A_700 : memref<3200xf32, #tpu.memory_space<vmem>>[vector<16xi32>], vector<16xf32>,
      %mul3A_704 = arith.constant 5 : i32
      %mul3A_705 = arith.muli %scan3A_417, %mul3A_704 : i32
      %add3A_706 = arith.constant 0 : i32
      %add3A_707 = arith.addi %mul3A_705, %add3A_706 : i32
      %mul3A_708 = arith.constant 80 : i32
      %mul3A_709 = arith.muli %add3A_707, %mul3A_708 : i32
      %add3A_710 = arith.constant 64 : i32
      %add3A_711 = arith.addi %mul3A_709, %add3A_710 : i32
      %get3A_712 = arith.index_cast %add3A_711 : i32 to index
      %get3A_713 = tpu.vector_load %arg8[%get3A_712] {strides = array<i32>} : memref<10000xi32, #tpu.memory_space<vmem>>, vector<16xi32>,
      %mul3A_714 = arith.constant 5 : i32
      %mul3A_715 = vector.broadcast %mul3A_714 : i32 to vector<16xi32>
      %mul3A_716 = arith.muli %get3A_713, %mul3A_715 : vector<16xi32>
      %iota3A_717 = tpu.iota {dimensions = array<i32: 0>} : vector<16xi32>
      %add3A_718 = arith.constant 64 : i32
      %add3A_719 = vector.broadcast %add3A_718 : i32 to vector<16xi32>
      %add3A_720 = arith.addi %iota3A_717, %add3A_719 : vector<16xi32>
      %mul3A_721 = arith.constant 8 : i32
      %mul3A_722 = vector.broadcast %mul3A_721 : i32 to vector<16xi32>
      %mul3A_723 = arith.muli %add3A_720, %mul3A_722 : vector<16xi32>
      %add3A_724 = arith.constant 0 : i32
      %add3A_725 = vector.broadcast %add3A_724 : i32 to vector<16xi32>
      %add3A_726 = arith.addi %mul3A_716, %add3A_725 : vector<16xi32>
      %gather3A_727 = tpu.vector_load_idx %arg7[%add3A_726] : memref<50000xf32, #tpu.memory_space<vmem>>[vector<16xi32>], vector<16xf32>,
      %add3A_728 = arith.constant 0 : i32
      %add3A_729 = vector.broadcast %add3A_728 : i32 to vector<16xi32>
      %add3A_730 = arith.addi %mul3A_723, %add3A_729 : vector<16xi32>
      tpu.vector_store_idx %arg10[%add3A_730], %gather3A_727 : memref<3200xf32, #tpu.memory_space<vmem>>[vector<16xi32>], vector<16xf32>,
      %add3A_731 = arith.constant 1 : i32
      %add3A_732 = vector.broadcast %add3A_731 : i32 to vector<16xi32>
      %add3A_733 = arith.addi %mul3A_716, %add3A_732 : vector<16xi32>
      %gather3A_734 = tpu.vector_load_idx %arg7[%add3A_733] : memref<50000xf32, #tpu.memory_space<vmem>>[vector<16xi32>], vector<16xf32>,
      %add3A_735 = arith.constant 1 : i32
      %add3A_736 = vector.broadcast %add3A_735 : i32 to vector<16xi32>
      %add3A_737 = arith.addi %mul3A_723, %add3A_736 : vector<16xi32>
      tpu.vector_store_idx %arg10[%add3A_737], %gather3A_734 : memref<3200xf32, #tpu.memory_space<vmem>>[vector<16xi32>], vector<16xf32>,
      %add3A_738 = arith.constant 2 : i32
      %add3A_739 = vector.broadcast %add3A_738 : i32 to vector<16xi32>
      %add3A_740 = arith.addi %mul3A_716, %add3A_739 : vector<16xi32>
      %gather3A_741 = tpu.vector_load_idx %arg7[%add3A_740] : memref<50000xf32, #tpu.memory_space<vmem>>[vector<16xi32>], vector<16xf32>,
      %add3A_742 = arith.constant 2 : i32
      %add3A_743 = vector.broadcast %add3A_742 : i32 to vector<16xi32>
      %add3A_744 = arith.addi %mul3A_723, %add3A_743 : vector<16xi32>
      tpu.vector_store_idx %arg10[%add3A_744], %gather3A_741 : memref<3200xf32, #tpu.memory_space<vmem>>[vector<16xi32>], vector<16xf32>,
      %add3A_745 = arith.constant 3 : i32
      %add3A_746 = vector.broadcast %add3A_745 : i32 to vector<16xi32>
      %add3A_747 = arith.addi %mul3A_716, %add3A_746 : vector<16xi32>
      %gather3A_748 = tpu.vector_load_idx %arg7[%add3A_747] : memref<50000xf32, #tpu.memory_space<vmem>>[vector<16xi32>], vector<16xf32>,
      %add3A_749 = arith.constant 3 : i32
      %add3A_750 = vector.broadcast %add3A_749 : i32 to vector<16xi32>
      %add3A_751 = arith.addi %mul3A_723, %add3A_750 : vector<16xi32>
      tpu.vector_store_idx %arg10[%add3A_751], %gather3A_748 : memref<3200xf32, #tpu.memory_space<vmem>>[vector<16xi32>], vector<16xf32>,
      %add3A_752 = arith.constant 4 : i32
      %add3A_753 = vector.broadcast %add3A_752 : i32 to vector<16xi32>
      %add3A_754 = arith.addi %mul3A_716, %add3A_753 : vector<16xi32>
      %gather3A_755 = tpu.vector_load_idx %arg7[%add3A_754] : memref<50000xf32, #tpu.memory_space<vmem>>[vector<16xi32>], vector<16xf32>,
      %add3A_756 = arith.constant 4 : i32
      %add3A_757 = vector.broadcast %add3A_756 : i32 to vector<16xi32>
      %add3A_758 = arith.addi %mul3A_723, %add3A_757 : vector<16xi32>
      tpu.vector_store_idx %arg10[%add3A_758], %gather3A_755 : memref<3200xf32, #tpu.memory_space<vmem>>[vector<16xi32>], vector<16xf32>,
      %mul3A_759 = arith.constant 5 : i32
      %mul3A_760 = arith.muli %scan3A_417, %mul3A_759 : i32
      %add3A_761 = arith.constant 1 : i32
      %add3A_762 = arith.addi %mul3A_760, %add3A_761 : i32
      %mul3A_763 = arith.constant 80 : i32
      %mul3A_764 = arith.muli %add3A_762, %mul3A_763 : i32
      %add3A_765 = arith.constant 0 : i32
      %add3A_766 = arith.addi %mul3A_764, %add3A_765 : i32
      %get3A_767 = arith.index_cast %add3A_766 : i32 to index
      %get3A_768 = tpu.vector_load %arg8[%get3A_767] {strides = array<i32>} : memref<10000xi32, #tpu.memory_space<vmem>>, vector<16xi32>,
      %mul3A_769 = arith.constant 5 : i32
      %mul3A_770 = vector.broadcast %mul3A_769 : i32 to vector<16xi32>
      %mul3A_771 = arith.muli %get3A_768, %mul3A_770 : vector<16xi32>
      %iota3A_772 = tpu.iota {dimensions = array<i32: 0>} : vector<16xi32>
      %add3A_773 = arith.constant 80 : i32
      %add3A_774 = vector.broadcast %add3A_773 : i32 to vector<16xi32>
      %add3A_775 = arith.addi %iota3A_772, %add3A_774 : vector<16xi32>
      %mul3A_776 = arith.constant 8 : i32
      %mul3A_777 = vector.broadcast %mul3A_776 : i32 to vector<16xi32>
      %mul3A_778 = arith.muli %add3A_775, %mul3A_777 : vector<16xi32>
      %add3A_779 = arith.constant 0 : i32
      %add3A_780 = vector.broadcast %add3A_779 : i32 to vector<16xi32>
      %add3A_781 = arith.addi %mul3A_771, %add3A_780 : vector<16xi32>
      %gather3A_782 = tpu.vector_load_idx %arg7[%add3A_781] : memref<50000xf32, #tpu.memory_space<vmem>>[vector<16xi32>], vector<16xf32>,
      %add3A_783 = arith.constant 0 : i32
      %add3A_784 = vector.broadcast %add3A_783 : i32 to vector<16xi32>
      %add3A_785 = arith.addi %mul3A_778, %add3A_784 : vector<16xi32>
      tpu.vector_store_idx %arg10[%add3A_785], %gather3A_782 : memref<3200xf32, #tpu.memory_space<vmem>>[vector<16xi32>], vector<16xf32>,
      %add3A_786 = arith.constant 1 : i32
      %add3A_787 = vector.broadcast %add3A_786 : i32 to vector<16xi32>
      %add3A_788 = arith.addi %mul3A_771, %add3A_787 : vector<16xi32>
      %gather3A_789 = tpu.vector_load_idx %arg7[%add3A_788] : memref<50000xf32, #tpu.memory_space<vmem>>[vector<16xi32>], vector<16xf32>,
      %add3A_790 = arith.constant 1 : i32
      %add3A_791 = vector.broadcast %add3A_790 : i32 to vector<16xi32>
      %add3A_792 = arith.addi %mul3A_778, %add3A_791 : vector<16xi32>
      tpu.vector_store_idx %arg10[%add3A_792], %gather3A_789 : memref<3200xf32, #tpu.memory_space<vmem>>[vector<16xi32>], vector<16xf32>,
      %add3A_793 = arith.constant 2 : i32
      %add3A_794 = vector.broadcast %add3A_793 : i32 to vector<16xi32>
      %add3A_795 = arith.addi %mul3A_771, %add3A_794 : vector<16xi32>
      %gather3A_796 = tpu.vector_load_idx %arg7[%add3A_795] : memref<50000xf32, #tpu.memory_space<vmem>>[vector<16xi32>], vector<16xf32>,
      %add3A_797 = arith.constant 2 : i32
      %add3A_798 = vector.broadcast %add3A_797 : i32 to vector<16xi32>
      %add3A_799 = arith.addi %mul3A_778, %add3A_798 : vector<16xi32>
      tpu.vector_store_idx %arg10[%add3A_799], %gather3A_796 : memref<3200xf32, #tpu.memory_space<vmem>>[vector<16xi32>], vector<16xf32>,
      %add3A_800 = arith.constant 3 : i32
      %add3A_801 = vector.broadcast %add3A_800 : i32 to vector<16xi32>
      %add3A_802 = arith.addi %mul3A_771, %add3A_801 : vector<16xi32>
      %gather3A_803 = tpu.vector_load_idx %arg7[%add3A_802] : memref<50000xf32, #tpu.memory_space<vmem>>[vector<16xi32>], vector<16xf32>,
      %add3A_804 = arith.constant 3 : i32
      %add3A_805 = vector.broadcast %add3A_804 : i32 to vector<16xi32>
      %add3A_806 = arith.addi %mul3A_778, %add3A_805 : vector<16xi32>
      tpu.vector_store_idx %arg10[%add3A_806], %gather3A_803 : memref<3200xf32, #tpu.memory_space<vmem>>[vector<16xi32>], vector<16xf32>,
      %add3A_807 = arith.constant 4 : i32
      %add3A_808 = vector.broadcast %add3A_807 : i32 to vector<16xi32>
      %add3A_809 = arith.addi %mul3A_771, %add3A_808 : vector<16xi32>
      %gather3A_810 = tpu.vector_load_idx %arg7[%add3A_809] : memref<50000xf32, #tpu.memory_space<vmem>>[vector<16xi32>], vector<16xf32>,
      %add3A_811 = arith.constant 4 : i32
      %add3A_812 = vector.broadcast %add3A_811 : i32 to vector<16xi32>
      %add3A_813 = arith.addi %mul3A_778, %add3A_812 : vector<16xi32>
      tpu.vector_store_idx %arg10[%add3A_813], %gather3A_810 : memref<3200xf32, #tpu.memory_space<vmem>>[vector<16xi32>], vector<16xf32>,
      %mul3A_814 = arith.constant 5 : i32
      %mul3A_815 = arith.muli %scan3A_417, %mul3A_814 : i32
      %add3A_816 = arith.constant 1 : i32
      %add3A_817 = arith.addi %mul3A_815, %add3A_816 : i32
      %mul3A_818 = arith.constant 80 : i32
      %mul3A_819 = arith.muli %add3A_817, %mul3A_818 : i32
      %add3A_820 = arith.constant 16 : i32
      %add3A_821 = arith.addi %mul3A_819, %add3A_820 : i32
      %get3A_822 = arith.index_cast %add3A_821 : i32 to index
      %get3A_823 = tpu.vector_load %arg8[%get3A_822] {strides = array<i32>} : memref<10000xi32, #tpu.memory_space<vmem>>, vector<16xi32>,
      %mul3A_824 = arith.constant 5 : i32
      %mul3A_825 = vector.broadcast %mul3A_824 : i32 to vector<16xi32>
      %mul3A_826 = arith.muli %get3A_823, %mul3A_825 : vector<16xi32>
      %iota3A_827 = tpu.iota {dimensions = array<i32: 0>} : vector<16xi32>
      %add3A_828 = arith.constant 96 : i32
      %add3A_829 = vector.broadcast %add3A_828 : i32 to vector<16xi32>
      %add3A_830 = arith.addi %iota3A_827, %add3A_829 : vector<16xi32>
      %mul3A_831 = arith.constant 8 : i32
      %mul3A_832 = vector.broadcast %mul3A_831 : i32 to vector<16xi32>
      %mul3A_833 = arith.muli %add3A_830, %mul3A_832 : vector<16xi32>
      %add3A_834 = arith.constant 0 : i32
      %add3A_835 = vector.broadcast %add3A_834 : i32 to vector<16xi32>
      %add3A_836 = arith.addi %mul3A_826, %add3A_835 : vector<16xi32>
      %gather3A_837 = tpu.vector_load_idx %arg7[%add3A_836] : memref<50000xf32, #tpu.memory_space<vmem>>[vector<16xi32>], vector<16xf32>,
      %add3A_838 = arith.constant 0 : i32
      %add3A_839 = vector.broadcast %add3A_838 : i32 to vector<16xi32>
      %add3A_840 = arith.addi %mul3A_833, %add3A_839 : vector<16xi32>
      tpu.vector_store_idx %arg10[%add3A_840], %gather3A_837 : memref<3200xf32, #tpu.memory_space<vmem>>[vector<16xi32>], vector<16xf32>,
      %add3A_841 = arith.constant 1 : i32
      %add3A_842 = vector.broadcast %add3A_841 : i32 to vector<16xi32>
      %add3A_843 = arith.addi %mul3A_826, %add3A_842 : vector<16xi32>
      %gather3A_844 = tpu.vector_load_idx %arg7[%add3A_843] : memref<50000xf32, #tpu.memory_space<vmem>>[vector<16xi32>], vector<16xf32>,
      %add3A_845 = arith.constant 1 : i32
      %add3A_846 = vector.broadcast %add3A_845 : i32 to vector<16xi32>
      %add3A_847 = arith.addi %mul3A_833, %add3A_846 : vector<16xi32>
      tpu.vector_store_idx %arg10[%add3A_847], %gather3A_844 : memref<3200xf32, #tpu.memory_space<vmem>>[vector<16xi32>], vector<16xf32>,
      %add3A_848 = arith.constant 2 : i32
      %add3A_849 = vector.broadcast %add3A_848 : i32 to vector<16xi32>
      %add3A_850 = arith.addi %mul3A_826, %add3A_849 : vector<16xi32>
      %gather3A_851 = tpu.vector_load_idx %arg7[%add3A_850] : memref<50000xf32, #tpu.memory_space<vmem>>[vector<16xi32>], vector<16xf32>,
      %add3A_852 = arith.constant 2 : i32
      %add3A_853 = vector.broadcast %add3A_852 : i32 to vector<16xi32>
      %add3A_854 = arith.addi %mul3A_833, %add3A_853 : vector<16xi32>
      tpu.vector_store_idx %arg10[%add3A_854], %gather3A_851 : memref<3200xf32, #tpu.memory_space<vmem>>[vector<16xi32>], vector<16xf32>,
      %add3A_855 = arith.constant 3 : i32
      %add3A_856 = vector.broadcast %add3A_855 : i32 to vector<16xi32>
      %add3A_857 = arith.addi %mul3A_826, %add3A_856 : vector<16xi32>
      %gather3A_858 = tpu.vector_load_idx %arg7[%add3A_857] : memref<50000xf32, #tpu.memory_space<vmem>>[vector<16xi32>], vector<16xf32>,
      %add3A_859 = arith.constant 3 : i32
      %add3A_860 = vector.broadcast %add3A_859 : i32 to vector<16xi32>
      %add3A_861 = arith.addi %mul3A_833, %add3A_860 : vector<16xi32>
      tpu.vector_store_idx %arg10[%add3A_861], %gather3A_858 : memref<3200xf32, #tpu.memory_space<vmem>>[vector<16xi32>], vector<16xf32>,
      %add3A_862 = arith.constant 4 : i32
      %add3A_863 = vector.broadcast %add3A_862 : i32 to vector<16xi32>
      %add3A_864 = arith.addi %mul3A_826, %add3A_863 : vector<16xi32>
      %gather3A_865 = tpu.vector_load_idx %arg7[%add3A_864] : memref<50000xf32, #tpu.memory_space<vmem>>[vector<16xi32>], vector<16xf32>,
      %add3A_866 = arith.constant 4 : i32
      %add3A_867 = vector.broadcast %add3A_866 : i32 to vector<16xi32>
      %add3A_868 = arith.addi %mul3A_833, %add3A_867 : vector<16xi32>
      tpu.vector_store_idx %arg10[%add3A_868], %gather3A_865 : memref<3200xf32, #tpu.memory_space<vmem>>[vector<16xi32>], vector<16xf32>,
      %mul3A_869 = arith.constant 5 : i32
      %mul3A_870 = arith.muli %scan3A_417, %mul3A_869 : i32
      %add3A_871 = arith.constant 1 : i32
      %add3A_872 = arith.addi %mul3A_870, %add3A_871 : i32
      %mul3A_873 = arith.constant 80 : i32
      %mul3A_874 = arith.muli %add3A_872, %mul3A_873 : i32
      %add3A_875 = arith.constant 32 : i32
      %add3A_876 = arith.addi %mul3A_874, %add3A_875 : i32
      %get3A_877 = arith.index_cast %add3A_876 : i32 to index
      %get3A_878 = tpu.vector_load %arg8[%get3A_877] {strides = array<i32>} : memref<10000xi32, #tpu.memory_space<vmem>>, vector<16xi32>,
      %mul3A_879 = arith.constant 5 : i32
      %mul3A_880 = vector.broadcast %mul3A_879 : i32 to vector<16xi32>
      %mul3A_881 = arith.muli %get3A_878, %mul3A_880 : vector<16xi32>
      %iota3A_882 = tpu.iota {dimensions = array<i32: 0>} : vector<16xi32>
      %add3A_883 = arith.constant 112 : i32
      %add3A_884 = vector.broadcast %add3A_883 : i32 to vector<16xi32>
      %add3A_885 = arith.addi %iota3A_882, %add3A_884 : vector<16xi32>
      %mul3A_886 = arith.constant 8 : i32
      %mul3A_887 = vector.broadcast %mul3A_886 : i32 to vector<16xi32>
      %mul3A_888 = arith.muli %add3A_885, %mul3A_887 : vector<16xi32>
      %add3A_889 = arith.constant 0 : i32
      %add3A_890 = vector.broadcast %add3A_889 : i32 to vector<16xi32>
      %add3A_891 = arith.addi %mul3A_881, %add3A_890 : vector<16xi32>
      %gather3A_892 = tpu.vector_load_idx %arg7[%add3A_891] : memref<50000xf32, #tpu.memory_space<vmem>>[vector<16xi32>], vector<16xf32>,
      %add3A_893 = arith.constant 0 : i32
      %add3A_894 = vector.broadcast %add3A_893 : i32 to vector<16xi32>
      %add3A_895 = arith.addi %mul3A_888, %add3A_894 : vector<16xi32>
      tpu.vector_store_idx %arg10[%add3A_895], %gather3A_892 : memref<3200xf32, #tpu.memory_space<vmem>>[vector<16xi32>], vector<16xf32>,
      %add3A_896 = arith.constant 1 : i32
      %add3A_897 = vector.broadcast %add3A_896 : i32 to vector<16xi32>
      %add3A_898 = arith.addi %mul3A_881, %add3A_897 : vector<16xi32>
      %gather3A_899 = tpu.vector_load_idx %arg7[%add3A_898] : memref<50000xf32, #tpu.memory_space<vmem>>[vector<16xi32>], vector<16xf32>,
      %add3A_900 = arith.constant 1 : i32
      %add3A_901 = vector.broadcast %add3A_900 : i32 to vector<16xi32>
      %add3A_902 = arith.addi %mul3A_888, %add3A_901 : vector<16xi32>
      tpu.vector_store_idx %arg10[%add3A_902], %gather3A_899 : memref<3200xf32, #tpu.memory_space<vmem>>[vector<16xi32>], vector<16xf32>,
      %add3A_903 = arith.constant 2 : i32
      %add3A_904 = vector.broadcast %add3A_903 : i32 to vector<16xi32>
      %add3A_905 = arith.addi %mul3A_881, %add3A_904 : vector<16xi32>
      %gather3A_906 = tpu.vector_load_idx %arg7[%add3A_905] : memref<50000xf32, #tpu.memory_space<vmem>>[vector<16xi32>], vector<16xf32>,
      %add3A_907 = arith.constant 2 : i32
      %add3A_908 = vector.broadcast %add3A_907 : i32 to vector<16xi32>
      %add3A_909 = arith.addi %mul3A_888, %add3A_908 : vector<16xi32>
      tpu.vector_store_idx %arg10[%add3A_909], %gather3A_906 : memref<3200xf32, #tpu.memory_space<vmem>>[vector<16xi32>], vector<16xf32>,
      %add3A_910 = arith.constant 3 : i32
      %add3A_911 = vector.broadcast %add3A_910 : i32 to vector<16xi32>
      %add3A_912 = arith.addi %mul3A_881, %add3A_911 : vector<16xi32>
      %gather3A_913 = tpu.vector_load_idx %arg7[%add3A_912] : memref<50000xf32, #tpu.memory_space<vmem>>[vector<16xi32>], vector<16xf32>,
      %add3A_914 = arith.constant 3 : i32
      %add3A_915 = vector.broadcast %add3A_914 : i32 to vector<16xi32>
      %add3A_916 = arith.addi %mul3A_888, %add3A_915 : vector<16xi32>
      tpu.vector_store_idx %arg10[%add3A_916], %gather3A_913 : memref<3200xf32, #tpu.memory_space<vmem>>[vector<16xi32>], vector<16xf32>,
      %add3A_917 = arith.constant 4 : i32
      %add3A_918 = vector.broadcast %add3A_917 : i32 to vector<16xi32>
      %add3A_919 = arith.addi %mul3A_881, %add3A_918 : vector<16xi32>
      %gather3A_920 = tpu.vector_load_idx %arg7[%add3A_919] : memref<50000xf32, #tpu.memory_space<vmem>>[vector<16xi32>], vector<16xf32>,
      %add3A_921 = arith.constant 4 : i32
      %add3A_922 = vector.broadcast %add3A_921 : i32 to vector<16xi32>
      %add3A_923 = arith.addi %mul3A_888, %add3A_922 : vector<16xi32>
      tpu.vector_store_idx %arg10[%add3A_923], %gather3A_920 : memref<3200xf32, #tpu.memory_space<vmem>>[vector<16xi32>], vector<16xf32>,
      %mul3A_924 = arith.constant 5 : i32
      %mul3A_925 = arith.muli %scan3A_417, %mul3A_924 : i32
      %add3A_926 = arith.constant 1 : i32
      %add3A_927 = arith.addi %mul3A_925, %add3A_926 : i32
      %mul3A_928 = arith.constant 80 : i32
      %mul3A_929 = arith.muli %add3A_927, %mul3A_928 : i32
      %add3A_930 = arith.constant 48 : i32
      %add3A_931 = arith.addi %mul3A_929, %add3A_930 : i32
      %get3A_932 = arith.index_cast %add3A_931 : i32 to index
      %get3A_933 = tpu.vector_load %arg8[%get3A_932] {strides = array<i32>} : memref<10000xi32, #tpu.memory_space<vmem>>, vector<16xi32>,
      %mul3A_934 = arith.constant 5 : i32
      %mul3A_935 = vector.broadcast %mul3A_934 : i32 to vector<16xi32>
      %mul3A_936 = arith.muli %get3A_933, %mul3A_935 : vector<16xi32>
      %iota3A_937 = tpu.iota {dimensions = array<i32: 0>} : vector<16xi32>
      %add3A_938 = arith.constant 128 : i32
      %add3A_939 = vector.broadcast %add3A_938 : i32 to vector<16xi32>
      %add3A_940 = arith.addi %iota3A_937, %add3A_939 : vector<16xi32>
      %mul3A_941 = arith.constant 8 : i32
      %mul3A_942 = vector.broadcast %mul3A_941 : i32 to vector<16xi32>
      %mul3A_943 = arith.muli %add3A_940, %mul3A_942 : vector<16xi32>
      %add3A_944 = arith.constant 0 : i32
      %add3A_945 = vector.broadcast %add3A_944 : i32 to vector<16xi32>
      %add3A_946 = arith.addi %mul3A_936, %add3A_945 : vector<16xi32>
      %gather3A_947 = tpu.vector_load_idx %arg7[%add3A_946] : memref<50000xf32, #tpu.memory_space<vmem>>[vector<16xi32>], vector<16xf32>,
      %add3A_948 = arith.constant 0 : i32
      %add3A_949 = vector.broadcast %add3A_948 : i32 to vector<16xi32>
      %add3A_950 = arith.addi %mul3A_943, %add3A_949 : vector<16xi32>
      tpu.vector_store_idx %arg10[%add3A_950], %gather3A_947 : memref<3200xf32, #tpu.memory_space<vmem>>[vector<16xi32>], vector<16xf32>,
      %add3A_951 = arith.constant 1 : i32
      %add3A_952 = vector.broadcast %add3A_951 : i32 to vector<16xi32>
      %add3A_953 = arith.addi %mul3A_936, %add3A_952 : vector<16xi32>
      %gather3A_954 = tpu.vector_load_idx %arg7[%add3A_953] : memref<50000xf32, #tpu.memory_space<vmem>>[vector<16xi32>], vector<16xf32>,
      %add3A_955 = arith.constant 1 : i32
      %add3A_956 = vector.broadcast %add3A_955 : i32 to vector<16xi32>
      %add3A_957 = arith.addi %mul3A_943, %add3A_956 : vector<16xi32>
      tpu.vector_store_idx %arg10[%add3A_957], %gather3A_954 : memref<3200xf32, #tpu.memory_space<vmem>>[vector<16xi32>], vector<16xf32>,
      %add3A_958 = arith.constant 2 : i32
      %add3A_959 = vector.broadcast %add3A_958 : i32 to vector<16xi32>
      %add3A_960 = arith.addi %mul3A_936, %add3A_959 : vector<16xi32>
      %gather3A_961 = tpu.vector_load_idx %arg7[%add3A_960] : memref<50000xf32, #tpu.memory_space<vmem>>[vector<16xi32>], vector<16xf32>,
      %add3A_962 = arith.constant 2 : i32
      %add3A_963 = vector.broadcast %add3A_962 : i32 to vector<16xi32>
      %add3A_964 = arith.addi %mul3A_943, %add3A_963 : vector<16xi32>
      tpu.vector_store_idx %arg10[%add3A_964], %gather3A_961 : memref<3200xf32, #tpu.memory_space<vmem>>[vector<16xi32>], vector<16xf32>,
      %add3A_965 = arith.constant 3 : i32
      %add3A_966 = vector.broadcast %add3A_965 : i32 to vector<16xi32>
      %add3A_967 = arith.addi %mul3A_936, %add3A_966 : vector<16xi32>
      %gather3A_968 = tpu.vector_load_idx %arg7[%add3A_967] : memref<50000xf32, #tpu.memory_space<vmem>>[vector<16xi32>], vector<16xf32>,
      %add3A_969 = arith.constant 3 : i32
      %add3A_970 = vector.broadcast %add3A_969 : i32 to vector<16xi32>
      %add3A_971 = arith.addi %mul3A_943, %add3A_970 : vector<16xi32>
      tpu.vector_store_idx %arg10[%add3A_971], %gather3A_968 : memref<3200xf32, #tpu.memory_space<vmem>>[vector<16xi32>], vector<16xf32>,
      %add3A_972 = arith.constant 4 : i32
      %add3A_973 = vector.broadcast %add3A_972 : i32 to vector<16xi32>
      %add3A_974 = arith.addi %mul3A_936, %add3A_973 : vector<16xi32>
      %gather3A_975 = tpu.vector_load_idx %arg7[%add3A_974] : memref<50000xf32, #tpu.memory_space<vmem>>[vector<16xi32>], vector<16xf32>,
      %add3A_976 = arith.constant 4 : i32
      %add3A_977 = vector.broadcast %add3A_976 : i32 to vector<16xi32>
      %add3A_978 = arith.addi %mul3A_943, %add3A_977 : vector<16xi32>
      tpu.vector_store_idx %arg10[%add3A_978], %gather3A_975 : memref<3200xf32, #tpu.memory_space<vmem>>[vector<16xi32>], vector<16xf32>,
      %mul3A_979 = arith.constant 5 : i32
      %mul3A_980 = arith.muli %scan3A_417, %mul3A_979 : i32
      %add3A_981 = arith.constant 1 : i32
      %add3A_982 = arith.addi %mul3A_980, %add3A_981 : i32
      %mul3A_983 = arith.constant 80 : i32
      %mul3A_984 = arith.muli %add3A_982, %mul3A_983 : i32
      %add3A_985 = arith.constant 64 : i32
      %add3A_986 = arith.addi %mul3A_984, %add3A_985 : i32
      %get3A_987 = arith.index_cast %add3A_986 : i32 to index
      %get3A_988 = tpu.vector_load %arg8[%get3A_987] {strides = array<i32>} : memref<10000xi32, #tpu.memory_space<vmem>>, vector<16xi32>,
      %mul3A_989 = arith.constant 5 : i32
      %mul3A_990 = vector.broadcast %mul3A_989 : i32 to vector<16xi32>
      %mul3A_991 = arith.muli %get3A_988, %mul3A_990 : vector<16xi32>
      %iota3A_992 = tpu.iota {dimensions = array<i32: 0>} : vector<16xi32>
      %add3A_993 = arith.constant 144 : i32
      %add3A_994 = vector.broadcast %add3A_993 : i32 to vector<16xi32>
      %add3A_995 = arith.addi %iota3A_992, %add3A_994 : vector<16xi32>
      %mul3A_996 = arith.constant 8 : i32
      %mul3A_997 = vector.broadcast %mul3A_996 : i32 to vector<16xi32>
      %mul3A_998 = arith.muli %add3A_995, %mul3A_997 : vector<16xi32>
      %add3A_999 = arith.constant 0 : i32
      %add3A_1000 = vector.broadcast %add3A_999 : i32 to vector<16xi32>
      %add3A_1001 = arith.addi %mul3A_991, %add3A_1000 : vector<16xi32>
      %gather3A_1002 = tpu.vector_load_idx %arg7[%add3A_1001] : memref<50000xf32, #tpu.memory_space<vmem>>[vector<16xi32>], vector<16xf32>,
      %add3A_1003 = arith.constant 0 : i32
      %add3A_1004 = vector.broadcast %add3A_1003 : i32 to vector<16xi32>
      %add3A_1005 = arith.addi %mul3A_998, %add3A_1004 : vector<16xi32>
      tpu.vector_store_idx %arg10[%add3A_1005], %gather3A_1002 : memref<3200xf32, #tpu.memory_space<vmem>>[vector<16xi32>], vector<16xf32>,
      %add3A_1006 = arith.constant 1 : i32
      %add3A_1007 = vector.broadcast %add3A_1006 : i32 to vector<16xi32>
      %add3A_1008 = arith.addi %mul3A_991, %add3A_1007 : vector<16xi32>
      %gather3A_1009 = tpu.vector_load_idx %arg7[%add3A_1008] : memref<50000xf32, #tpu.memory_space<vmem>>[vector<16xi32>], vector<16xf32>,
      %add3A_1010 = arith.constant 1 : i32
      %add3A_1011 = vector.broadcast %add3A_1010 : i32 to vector<16xi32>
      %add3A_1012 = arith.addi %mul3A_998, %add3A_1011 : vector<16xi32>
      tpu.vector_store_idx %arg10[%add3A_1012], %gather3A_1009 : memref<3200xf32, #tpu.memory_space<vmem>>[vector<16xi32>], vector<16xf32>,
      %add3A_1013 = arith.constant 2 : i32
      %add3A_1014 = vector.broadcast %add3A_1013 : i32 to vector<16xi32>
      %add3A_1015 = arith.addi %mul3A_991, %add3A_1014 : vector<16xi32>
      %gather3A_1016 = tpu.vector_load_idx %arg7[%add3A_1015] : memref<50000xf32, #tpu.memory_space<vmem>>[vector<16xi32>], vector<16xf32>,
      %add3A_1017 = arith.constant 2 : i32
      %add3A_1018 = vector.broadcast %add3A_1017 : i32 to vector<16xi32>
      %add3A_1019 = arith.addi %mul3A_998, %add3A_1018 : vector<16xi32>
      tpu.vector_store_idx %arg10[%add3A_1019], %gather3A_1016 : memref<3200xf32, #tpu.memory_space<vmem>>[vector<16xi32>], vector<16xf32>,
      %add3A_1020 = arith.constant 3 : i32
      %add3A_1021 = vector.broadcast %add3A_1020 : i32 to vector<16xi32>
      %add3A_1022 = arith.addi %mul3A_991, %add3A_1021 : vector<16xi32>
      %gather3A_1023 = tpu.vector_load_idx %arg7[%add3A_1022] : memref<50000xf32, #tpu.memory_space<vmem>>[vector<16xi32>], vector<16xf32>,
      %add3A_1024 = arith.constant 3 : i32
      %add3A_1025 = vector.broadcast %add3A_1024 : i32 to vector<16xi32>
      %add3A_1026 = arith.addi %mul3A_998, %add3A_1025 : vector<16xi32>
      tpu.vector_store_idx %arg10[%add3A_1026], %gather3A_1023 : memref<3200xf32, #tpu.memory_space<vmem>>[vector<16xi32>], vector<16xf32>,
      %add3A_1027 = arith.constant 4 : i32
      %add3A_1028 = vector.broadcast %add3A_1027 : i32 to vector<16xi32>
      %add3A_1029 = arith.addi %mul3A_991, %add3A_1028 : vector<16xi32>
      %gather3A_1030 = tpu.vector_load_idx %arg7[%add3A_1029] : memref<50000xf32, #tpu.memory_space<vmem>>[vector<16xi32>], vector<16xf32>,
      %add3A_1031 = arith.constant 4 : i32
      %add3A_1032 = vector.broadcast %add3A_1031 : i32 to vector<16xi32>
      %add3A_1033 = arith.addi %mul3A_998, %add3A_1032 : vector<16xi32>
      tpu.vector_store_idx %arg10[%add3A_1033], %gather3A_1030 : memref<3200xf32, #tpu.memory_space<vmem>>[vector<16xi32>], vector<16xf32>,
      %mul3A_1034 = arith.constant 5 : i32
      %mul3A_1035 = arith.muli %scan3A_417, %mul3A_1034 : i32
      %add3A_1036 = arith.constant 2 : i32
      %add3A_1037 = arith.addi %mul3A_1035, %add3A_1036 : i32
      %mul3A_1038 = arith.constant 80 : i32
      %mul3A_1039 = arith.muli %add3A_1037, %mul3A_1038 : i32
      %add3A_1040 = arith.constant 0 : i32
      %add3A_1041 = arith.addi %mul3A_1039, %add3A_1040 : i32
      %get3A_1042 = arith.index_cast %add3A_1041 : i32 to index
      %get3A_1043 = tpu.vector_load %arg8[%get3A_1042] {strides = array<i32>} : memref<10000xi32, #tpu.memory_space<vmem>>, vector<16xi32>,
      %mul3A_1044 = arith.constant 5 : i32
      %mul3A_1045 = vector.broadcast %mul3A_1044 : i32 to vector<16xi32>
      %mul3A_1046 = arith.muli %get3A_1043, %mul3A_1045 : vector<16xi32>
      %iota3A_1047 = tpu.iota {dimensions = array<i32: 0>} : vector<16xi32>
      %add3A_1048 = arith.constant 160 : i32
      %add3A_1049 = vector.broadcast %add3A_1048 : i32 to vector<16xi32>
      %add3A_1050 = arith.addi %iota3A_1047, %add3A_1049 : vector<16xi32>
      %mul3A_1051 = arith.constant 8 : i32
      %mul3A_1052 = vector.broadcast %mul3A_1051 : i32 to vector<16xi32>
      %mul3A_1053 = arith.muli %add3A_1050, %mul3A_1052 : vector<16xi32>
      %add3A_1054 = arith.constant 0 : i32
      %add3A_1055 = vector.broadcast %add3A_1054 : i32 to vector<16xi32>
      %add3A_1056 = arith.addi %mul3A_1046, %add3A_1055 : vector<16xi32>
      %gather3A_1057 = tpu.vector_load_idx %arg7[%add3A_1056] : memref<50000xf32, #tpu.memory_space<vmem>>[vector<16xi32>], vector<16xf32>,
      %add3A_1058 = arith.constant 0 : i32
      %add3A_1059 = vector.broadcast %add3A_1058 : i32 to vector<16xi32>
      %add3A_1060 = arith.addi %mul3A_1053, %add3A_1059 : vector<16xi32>
      tpu.vector_store_idx %arg10[%add3A_1060], %gather3A_1057 : memref<3200xf32, #tpu.memory_space<vmem>>[vector<16xi32>], vector<16xf32>,
      %add3A_1061 = arith.constant 1 : i32
      %add3A_1062 = vector.broadcast %add3A_1061 : i32 to vector<16xi32>
      %add3A_1063 = arith.addi %mul3A_1046, %add3A_1062 : vector<16xi32>
      %gather3A_1064 = tpu.vector_load_idx %arg7[%add3A_1063] : memref<50000xf32, #tpu.memory_space<vmem>>[vector<16xi32>], vector<16xf32>,
      %add3A_1065 = arith.constant 1 : i32
      %add3A_1066 = vector.broadcast %add3A_1065 : i32 to vector<16xi32>
      %add3A_1067 = arith.addi %mul3A_1053, %add3A_1066 : vector<16xi32>
      tpu.vector_store_idx %arg10[%add3A_1067], %gather3A_1064 : memref<3200xf32, #tpu.memory_space<vmem>>[vector<16xi32>], vector<16xf32>,
      %add3A_1068 = arith.constant 2 : i32
      %add3A_1069 = vector.broadcast %add3A_1068 : i32 to vector<16xi32>
      %add3A_1070 = arith.addi %mul3A_1046, %add3A_1069 : vector<16xi32>
      %gather3A_1071 = tpu.vector_load_idx %arg7[%add3A_1070] : memref<50000xf32, #tpu.memory_space<vmem>>[vector<16xi32>], vector<16xf32>,
      %add3A_1072 = arith.constant 2 : i32
      %add3A_1073 = vector.broadcast %add3A_1072 : i32 to vector<16xi32>
      %add3A_1074 = arith.addi %mul3A_1053, %add3A_1073 : vector<16xi32>
      tpu.vector_store_idx %arg10[%add3A_1074], %gather3A_1071 : memref<3200xf32, #tpu.memory_space<vmem>>[vector<16xi32>], vector<16xf32>,
      %add3A_1075 = arith.constant 3 : i32
      %add3A_1076 = vector.broadcast %add3A_1075 : i32 to vector<16xi32>
      %add3A_1077 = arith.addi %mul3A_1046, %add3A_1076 : vector<16xi32>
      %gather3A_1078 = tpu.vector_load_idx %arg7[%add3A_1077] : memref<50000xf32, #tpu.memory_space<vmem>>[vector<16xi32>], vector<16xf32>,
      %add3A_1079 = arith.constant 3 : i32
      %add3A_1080 = vector.broadcast %add3A_1079 : i32 to vector<16xi32>
      %add3A_1081 = arith.addi %mul3A_1053, %add3A_1080 : vector<16xi32>
      tpu.vector_store_idx %arg10[%add3A_1081], %gather3A_1078 : memref<3200xf32, #tpu.memory_space<vmem>>[vector<16xi32>], vector<16xf32>,
      %add3A_1082 = arith.constant 4 : i32
      %add3A_1083 = vector.broadcast %add3A_1082 : i32 to vector<16xi32>
      %add3A_1084 = arith.addi %mul3A_1046, %add3A_1083 : vector<16xi32>
      %gather3A_1085 = tpu.vector_load_idx %arg7[%add3A_1084] : memref<50000xf32, #tpu.memory_space<vmem>>[vector<16xi32>], vector<16xf32>,
      %add3A_1086 = arith.constant 4 : i32
      %add3A_1087 = vector.broadcast %add3A_1086 : i32 to vector<16xi32>
      %add3A_1088 = arith.addi %mul3A_1053, %add3A_1087 : vector<16xi32>
      tpu.vector_store_idx %arg10[%add3A_1088], %gather3A_1085 : memref<3200xf32, #tpu.memory_space<vmem>>[vector<16xi32>], vector<16xf32>,
      %mul3A_1089 = arith.constant 5 : i32
      %mul3A_1090 = arith.muli %scan3A_417, %mul3A_1089 : i32
      %add3A_1091 = arith.constant 2 : i32
      %add3A_1092 = arith.addi %mul3A_1090, %add3A_1091 : i32
      %mul3A_1093 = arith.constant 80 : i32
      %mul3A_1094 = arith.muli %add3A_1092, %mul3A_1093 : i32
      %add3A_1095 = arith.constant 16 : i32
      %add3A_1096 = arith.addi %mul3A_1094, %add3A_1095 : i32
      %get3A_1097 = arith.index_cast %add3A_1096 : i32 to index
      %get3A_1098 = tpu.vector_load %arg8[%get3A_1097] {strides = array<i32>} : memref<10000xi32, #tpu.memory_space<vmem>>, vector<16xi32>,
      %mul3A_1099 = arith.constant 5 : i32
      %mul3A_1100 = vector.broadcast %mul3A_1099 : i32 to vector<16xi32>
      %mul3A_1101 = arith.muli %get3A_1098, %mul3A_1100 : vector<16xi32>
      %iota3A_1102 = tpu.iota {dimensions = array<i32: 0>} : vector<16xi32>
      %add3A_1103 = arith.constant 176 : i32
      %add3A_1104 = vector.broadcast %add3A_1103 : i32 to vector<16xi32>
      %add3A_1105 = arith.addi %iota3A_1102, %add3A_1104 : vector<16xi32>
      %mul3A_1106 = arith.constant 8 : i32
      %mul3A_1107 = vector.broadcast %mul3A_1106 : i32 to vector<16xi32>
      %mul3A_1108 = arith.muli %add3A_1105, %mul3A_1107 : vector<16xi32>
      %add3A_1109 = arith.constant 0 : i32
      %add3A_1110 = vector.broadcast %add3A_1109 : i32 to vector<16xi32>
      %add3A_1111 = arith.addi %mul3A_1101, %add3A_1110 : vector<16xi32>
      %gather3A_1112 = tpu.vector_load_idx %arg7[%add3A_1111] : memref<50000xf32, #tpu.memory_space<vmem>>[vector<16xi32>], vector<16xf32>,
      %add3A_1113 = arith.constant 0 : i32
      %add3A_1114 = vector.broadcast %add3A_1113 : i32 to vector<16xi32>
      %add3A_1115 = arith.addi %mul3A_1108, %add3A_1114 : vector<16xi32>
      tpu.vector_store_idx %arg10[%add3A_1115], %gather3A_1112 : memref<3200xf32, #tpu.memory_space<vmem>>[vector<16xi32>], vector<16xf32>,
      %add3A_1116 = arith.constant 1 : i32
      %add3A_1117 = vector.broadcast %add3A_1116 : i32 to vector<16xi32>
      %add3A_1118 = arith.addi %mul3A_1101, %add3A_1117 : vector<16xi32>
      %gather3A_1119 = tpu.vector_load_idx %arg7[%add3A_1118] : memref<50000xf32, #tpu.memory_space<vmem>>[vector<16xi32>], vector<16xf32>,
      %add3A_1120 = arith.constant 1 : i32
      %add3A_1121 = vector.broadcast %add3A_1120 : i32 to vector<16xi32>
      %add3A_1122 = arith.addi %mul3A_1108, %add3A_1121 : vector<16xi32>
      tpu.vector_store_idx %arg10[%add3A_1122], %gather3A_1119 : memref<3200xf32, #tpu.memory_space<vmem>>[vector<16xi32>], vector<16xf32>,
      %add3A_1123 = arith.constant 2 : i32
      %add3A_1124 = vector.broadcast %add3A_1123 : i32 to vector<16xi32>
      %add3A_1125 = arith.addi %mul3A_1101, %add3A_1124 : vector<16xi32>
      %gather3A_1126 = tpu.vector_load_idx %arg7[%add3A_1125] : memref<50000xf32, #tpu.memory_space<vmem>>[vector<16xi32>], vector<16xf32>,
      %add3A_1127 = arith.constant 2 : i32
      %add3A_1128 = vector.broadcast %add3A_1127 : i32 to vector<16xi32>
      %add3A_1129 = arith.addi %mul3A_1108, %add3A_1128 : vector<16xi32>
      tpu.vector_store_idx %arg10[%add3A_1129], %gather3A_1126 : memref<3200xf32, #tpu.memory_space<vmem>>[vector<16xi32>], vector<16xf32>,
      %add3A_1130 = arith.constant 3 : i32
      %add3A_1131 = vector.broadcast %add3A_1130 : i32 to vector<16xi32>
      %add3A_1132 = arith.addi %mul3A_1101, %add3A_1131 : vector<16xi32>
      %gather3A_1133 = tpu.vector_load_idx %arg7[%add3A_1132] : memref<50000xf32, #tpu.memory_space<vmem>>[vector<16xi32>], vector<16xf32>,
      %add3A_1134 = arith.constant 3 : i32
      %add3A_1135 = vector.broadcast %add3A_1134 : i32 to vector<16xi32>
      %add3A_1136 = arith.addi %mul3A_1108, %add3A_1135 : vector<16xi32>
      tpu.vector_store_idx %arg10[%add3A_1136], %gather3A_1133 : memref<3200xf32, #tpu.memory_space<vmem>>[vector<16xi32>], vector<16xf32>,
      %add3A_1137 = arith.constant 4 : i32
      %add3A_1138 = vector.broadcast %add3A_1137 : i32 to vector<16xi32>
      %add3A_1139 = arith.addi %mul3A_1101, %add3A_1138 : vector<16xi32>
      %gather3A_1140 = tpu.vector_load_idx %arg7[%add3A_1139] : memref<50000xf32, #tpu.memory_space<vmem>>[vector<16xi32>], vector<16xf32>,
      %add3A_1141 = arith.constant 4 : i32
      %add3A_1142 = vector.broadcast %add3A_1141 : i32 to vector<16xi32>
      %add3A_1143 = arith.addi %mul3A_1108, %add3A_1142 : vector<16xi32>
      tpu.vector_store_idx %arg10[%add3A_1143], %gather3A_1140 : memref<3200xf32, #tpu.memory_space<vmem>>[vector<16xi32>], vector<16xf32>,
      %mul3A_1144 = arith.constant 5 : i32
      %mul3A_1145 = arith.muli %scan3A_417, %mul3A_1144 : i32
      %add3A_1146 = arith.constant 2 : i32
      %add3A_1147 = arith.addi %mul3A_1145, %add3A_1146 : i32
      %mul3A_1148 = arith.constant 80 : i32
      %mul3A_1149 = arith.muli %add3A_1147, %mul3A_1148 : i32
      %add3A_1150 = arith.constant 32 : i32
      %add3A_1151 = arith.addi %mul3A_1149, %add3A_1150 : i32
      %get3A_1152 = arith.index_cast %add3A_1151 : i32 to index
      %get3A_1153 = tpu.vector_load %arg8[%get3A_1152] {strides = array<i32>} : memref<10000xi32, #tpu.memory_space<vmem>>, vector<16xi32>,
      %mul3A_1154 = arith.constant 5 : i32
      %mul3A_1155 = vector.broadcast %mul3A_1154 : i32 to vector<16xi32>
      %mul3A_1156 = arith.muli %get3A_1153, %mul3A_1155 : vector<16xi32>
      %iota3A_1157 = tpu.iota {dimensions = array<i32: 0>} : vector<16xi32>
      %add3A_1158 = arith.constant 192 : i32
      %add3A_1159 = vector.broadcast %add3A_1158 : i32 to vector<16xi32>
      %add3A_1160 = arith.addi %iota3A_1157, %add3A_1159 : vector<16xi32>
      %mul3A_1161 = arith.constant 8 : i32
      %mul3A_1162 = vector.broadcast %mul3A_1161 : i32 to vector<16xi32>
      %mul3A_1163 = arith.muli %add3A_1160, %mul3A_1162 : vector<16xi32>
      %add3A_1164 = arith.constant 0 : i32
      %add3A_1165 = vector.broadcast %add3A_1164 : i32 to vector<16xi32>
      %add3A_1166 = arith.addi %mul3A_1156, %add3A_1165 : vector<16xi32>
      %gather3A_1167 = tpu.vector_load_idx %arg7[%add3A_1166] : memref<50000xf32, #tpu.memory_space<vmem>>[vector<16xi32>], vector<16xf32>,
      %add3A_1168 = arith.constant 0 : i32
      %add3A_1169 = vector.broadcast %add3A_1168 : i32 to vector<16xi32>
      %add3A_1170 = arith.addi %mul3A_1163, %add3A_1169 : vector<16xi32>
      tpu.vector_store_idx %arg10[%add3A_1170], %gather3A_1167 : memref<3200xf32, #tpu.memory_space<vmem>>[vector<16xi32>], vector<16xf32>,
      %add3A_1171 = arith.constant 1 : i32
      %add3A_1172 = vector.broadcast %add3A_1171 : i32 to vector<16xi32>
      %add3A_1173 = arith.addi %mul3A_1156, %add3A_1172 : vector<16xi32>
      %gather3A_1174 = tpu.vector_load_idx %arg7[%add3A_1173] : memref<50000xf32, #tpu.memory_space<vmem>>[vector<16xi32>], vector<16xf32>,
      %add3A_1175 = arith.constant 1 : i32
      %add3A_1176 = vector.broadcast %add3A_1175 : i32 to vector<16xi32>
      %add3A_1177 = arith.addi %mul3A_1163, %add3A_1176 : vector<16xi32>
      tpu.vector_store_idx %arg10[%add3A_1177], %gather3A_1174 : memref<3200xf32, #tpu.memory_space<vmem>>[vector<16xi32>], vector<16xf32>,
      %add3A_1178 = arith.constant 2 : i32
      %add3A_1179 = vector.broadcast %add3A_1178 : i32 to vector<16xi32>
      %add3A_1180 = arith.addi %mul3A_1156, %add3A_1179 : vector<16xi32>
      %gather3A_1181 = tpu.vector_load_idx %arg7[%add3A_1180] : memref<50000xf32, #tpu.memory_space<vmem>>[vector<16xi32>], vector<16xf32>,
      %add3A_1182 = arith.constant 2 : i32
      %add3A_1183 = vector.broadcast %add3A_1182 : i32 to vector<16xi32>
      %add3A_1184 = arith.addi %mul3A_1163, %add3A_1183 : vector<16xi32>
      tpu.vector_store_idx %arg10[%add3A_1184], %gather3A_1181 : memref<3200xf32, #tpu.memory_space<vmem>>[vector<16xi32>], vector<16xf32>,
      %add3A_1185 = arith.constant 3 : i32
      %add3A_1186 = vector.broadcast %add3A_1185 : i32 to vector<16xi32>
      %add3A_1187 = arith.addi %mul3A_1156, %add3A_1186 : vector<16xi32>
      %gather3A_1188 = tpu.vector_load_idx %arg7[%add3A_1187] : memref<50000xf32, #tpu.memory_space<vmem>>[vector<16xi32>], vector<16xf32>,
      %add3A_1189 = arith.constant 3 : i32
      %add3A_1190 = vector.broadcast %add3A_1189 : i32 to vector<16xi32>
      %add3A_1191 = arith.addi %mul3A_1163, %add3A_1190 : vector<16xi32>
      tpu.vector_store_idx %arg10[%add3A_1191], %gather3A_1188 : memref<3200xf32, #tpu.memory_space<vmem>>[vector<16xi32>], vector<16xf32>,
      %add3A_1192 = arith.constant 4 : i32
      %add3A_1193 = vector.broadcast %add3A_1192 : i32 to vector<16xi32>
      %add3A_1194 = arith.addi %mul3A_1156, %add3A_1193 : vector<16xi32>
      %gather3A_1195 = tpu.vector_load_idx %arg7[%add3A_1194] : memref<50000xf32, #tpu.memory_space<vmem>>[vector<16xi32>], vector<16xf32>,
      %add3A_1196 = arith.constant 4 : i32
      %add3A_1197 = vector.broadcast %add3A_1196 : i32 to vector<16xi32>
      %add3A_1198 = arith.addi %mul3A_1163, %add3A_1197 : vector<16xi32>
      tpu.vector_store_idx %arg10[%add3A_1198], %gather3A_1195 : memref<3200xf32, #tpu.memory_space<vmem>>[vector<16xi32>], vector<16xf32>,
      %mul3A_1199 = arith.constant 5 : i32
      %mul3A_1200 = arith.muli %scan3A_417, %mul3A_1199 : i32
      %add3A_1201 = arith.constant 2 : i32
      %add3A_1202 = arith.addi %mul3A_1200, %add3A_1201 : i32
      %mul3A_1203 = arith.constant 80 : i32
      %mul3A_1204 = arith.muli %add3A_1202, %mul3A_1203 : i32
      %add3A_1205 = arith.constant 48 : i32
      %add3A_1206 = arith.addi %mul3A_1204, %add3A_1205 : i32
      %get3A_1207 = arith.index_cast %add3A_1206 : i32 to index
      %get3A_1208 = tpu.vector_load %arg8[%get3A_1207] {strides = array<i32>} : memref<10000xi32, #tpu.memory_space<vmem>>, vector<16xi32>,
      %mul3A_1209 = arith.constant 5 : i32
      %mul3A_1210 = vector.broadcast %mul3A_1209 : i32 to vector<16xi32>
      %mul3A_1211 = arith.muli %get3A_1208, %mul3A_1210 : vector<16xi32>
      %iota3A_1212 = tpu.iota {dimensions = array<i32: 0>} : vector<16xi32>
      %add3A_1213 = arith.constant 208 : i32
      %add3A_1214 = vector.broadcast %add3A_1213 : i32 to vector<16xi32>
      %add3A_1215 = arith.addi %iota3A_1212, %add3A_1214 : vector<16xi32>
      %mul3A_1216 = arith.constant 8 : i32
      %mul3A_1217 = vector.broadcast %mul3A_1216 : i32 to vector<16xi32>
      %mul3A_1218 = arith.muli %add3A_1215, %mul3A_1217 : vector<16xi32>
      %add3A_1219 = arith.constant 0 : i32
      %add3A_1220 = vector.broadcast %add3A_1219 : i32 to vector<16xi32>
      %add3A_1221 = arith.addi %mul3A_1211, %add3A_1220 : vector<16xi32>
      %gather3A_1222 = tpu.vector_load_idx %arg7[%add3A_1221] : memref<50000xf32, #tpu.memory_space<vmem>>[vector<16xi32>], vector<16xf32>,
      %add3A_1223 = arith.constant 0 : i32
      %add3A_1224 = vector.broadcast %add3A_1223 : i32 to vector<16xi32>
      %add3A_1225 = arith.addi %mul3A_1218, %add3A_1224 : vector<16xi32>
      tpu.vector_store_idx %arg10[%add3A_1225], %gather3A_1222 : memref<3200xf32, #tpu.memory_space<vmem>>[vector<16xi32>], vector<16xf32>,
      %add3A_1226 = arith.constant 1 : i32
      %add3A_1227 = vector.broadcast %add3A_1226 : i32 to vector<16xi32>
      %add3A_1228 = arith.addi %mul3A_1211, %add3A_1227 : vector<16xi32>
      %gather3A_1229 = tpu.vector_load_idx %arg7[%add3A_1228] : memref<50000xf32, #tpu.memory_space<vmem>>[vector<16xi32>], vector<16xf32>,
      %add3A_1230 = arith.constant 1 : i32
      %add3A_1231 = vector.broadcast %add3A_1230 : i32 to vector<16xi32>
      %add3A_1232 = arith.addi %mul3A_1218, %add3A_1231 : vector<16xi32>
      tpu.vector_store_idx %arg10[%add3A_1232], %gather3A_1229 : memref<3200xf32, #tpu.memory_space<vmem>>[vector<16xi32>], vector<16xf32>,
      %add3A_1233 = arith.constant 2 : i32
      %add3A_1234 = vector.broadcast %add3A_1233 : i32 to vector<16xi32>
      %add3A_1235 = arith.addi %mul3A_1211, %add3A_1234 : vector<16xi32>
      %gather3A_1236 = tpu.vector_load_idx %arg7[%add3A_1235] : memref<50000xf32, #tpu.memory_space<vmem>>[vector<16xi32>], vector<16xf32>,
      %add3A_1237 = arith.constant 2 : i32
      %add3A_1238 = vector.broadcast %add3A_1237 : i32 to vector<16xi32>
      %add3A_1239 = arith.addi %mul3A_1218, %add3A_1238 : vector<16xi32>
      tpu.vector_store_idx %arg10[%add3A_1239], %gather3A_1236 : memref<3200xf32, #tpu.memory_space<vmem>>[vector<16xi32>], vector<16xf32>,
      %add3A_1240 = arith.constant 3 : i32
      %add3A_1241 = vector.broadcast %add3A_1240 : i32 to vector<16xi32>
      %add3A_1242 = arith.addi %mul3A_1211, %add3A_1241 : vector<16xi32>
      %gather3A_1243 = tpu.vector_load_idx %arg7[%add3A_1242] : memref<50000xf32, #tpu.memory_space<vmem>>[vector<16xi32>], vector<16xf32>,
      %add3A_1244 = arith.constant 3 : i32
      %add3A_1245 = vector.broadcast %add3A_1244 : i32 to vector<16xi32>
      %add3A_1246 = arith.addi %mul3A_1218, %add3A_1245 : vector<16xi32>
      tpu.vector_store_idx %arg10[%add3A_1246], %gather3A_1243 : memref<3200xf32, #tpu.memory_space<vmem>>[vector<16xi32>], vector<16xf32>,
      %add3A_1247 = arith.constant 4 : i32
      %add3A_1248 = vector.broadcast %add3A_1247 : i32 to vector<16xi32>
      %add3A_1249 = arith.addi %mul3A_1211, %add3A_1248 : vector<16xi32>
      %gather3A_1250 = tpu.vector_load_idx %arg7[%add3A_1249] : memref<50000xf32, #tpu.memory_space<vmem>>[vector<16xi32>], vector<16xf32>,
      %add3A_1251 = arith.constant 4 : i32
      %add3A_1252 = vector.broadcast %add3A_1251 : i32 to vector<16xi32>
      %add3A_1253 = arith.addi %mul3A_1218, %add3A_1252 : vector<16xi32>
      tpu.vector_store_idx %arg10[%add3A_1253], %gather3A_1250 : memref<3200xf32, #tpu.memory_space<vmem>>[vector<16xi32>], vector<16xf32>,
      %mul3A_1254 = arith.constant 5 : i32
      %mul3A_1255 = arith.muli %scan3A_417, %mul3A_1254 : i32
      %add3A_1256 = arith.constant 2 : i32
      %add3A_1257 = arith.addi %mul3A_1255, %add3A_1256 : i32
      %mul3A_1258 = arith.constant 80 : i32
      %mul3A_1259 = arith.muli %add3A_1257, %mul3A_1258 : i32
      %add3A_1260 = arith.constant 64 : i32
      %add3A_1261 = arith.addi %mul3A_1259, %add3A_1260 : i32
      %get3A_1262 = arith.index_cast %add3A_1261 : i32 to index
      %get3A_1263 = tpu.vector_load %arg8[%get3A_1262] {strides = array<i32>} : memref<10000xi32, #tpu.memory_space<vmem>>, vector<16xi32>,
      %mul3A_1264 = arith.constant 5 : i32
      %mul3A_1265 = vector.broadcast %mul3A_1264 : i32 to vector<16xi32>
      %mul3A_1266 = arith.muli %get3A_1263, %mul3A_1265 : vector<16xi32>
      %iota3A_1267 = tpu.iota {dimensions = array<i32: 0>} : vector<16xi32>
      %add3A_1268 = arith.constant 224 : i32
      %add3A_1269 = vector.broadcast %add3A_1268 : i32 to vector<16xi32>
      %add3A_1270 = arith.addi %iota3A_1267, %add3A_1269 : vector<16xi32>
      %mul3A_1271 = arith.constant 8 : i32
      %mul3A_1272 = vector.broadcast %mul3A_1271 : i32 to vector<16xi32>
      %mul3A_1273 = arith.muli %add3A_1270, %mul3A_1272 : vector<16xi32>
      %add3A_1274 = arith.constant 0 : i32
      %add3A_1275 = vector.broadcast %add3A_1274 : i32 to vector<16xi32>
      %add3A_1276 = arith.addi %mul3A_1266, %add3A_1275 : vector<16xi32>
      %gather3A_1277 = tpu.vector_load_idx %arg7[%add3A_1276] : memref<50000xf32, #tpu.memory_space<vmem>>[vector<16xi32>], vector<16xf32>,
      %add3A_1278 = arith.constant 0 : i32
      %add3A_1279 = vector.broadcast %add3A_1278 : i32 to vector<16xi32>
      %add3A_1280 = arith.addi %mul3A_1273, %add3A_1279 : vector<16xi32>
      tpu.vector_store_idx %arg10[%add3A_1280], %gather3A_1277 : memref<3200xf32, #tpu.memory_space<vmem>>[vector<16xi32>], vector<16xf32>,
      %add3A_1281 = arith.constant 1 : i32
      %add3A_1282 = vector.broadcast %add3A_1281 : i32 to vector<16xi32>
      %add3A_1283 = arith.addi %mul3A_1266, %add3A_1282 : vector<16xi32>
      %gather3A_1284 = tpu.vector_load_idx %arg7[%add3A_1283] : memref<50000xf32, #tpu.memory_space<vmem>>[vector<16xi32>], vector<16xf32>,
      %add3A_1285 = arith.constant 1 : i32
      %add3A_1286 = vector.broadcast %add3A_1285 : i32 to vector<16xi32>
      %add3A_1287 = arith.addi %mul3A_1273, %add3A_1286 : vector<16xi32>
      tpu.vector_store_idx %arg10[%add3A_1287], %gather3A_1284 : memref<3200xf32, #tpu.memory_space<vmem>>[vector<16xi32>], vector<16xf32>,
      %add3A_1288 = arith.constant 2 : i32
      %add3A_1289 = vector.broadcast %add3A_1288 : i32 to vector<16xi32>
      %add3A_1290 = arith.addi %mul3A_1266, %add3A_1289 : vector<16xi32>
      %gather3A_1291 = tpu.vector_load_idx %arg7[%add3A_1290] : memref<50000xf32, #tpu.memory_space<vmem>>[vector<16xi32>], vector<16xf32>,
      %add3A_1292 = arith.constant 2 : i32
      %add3A_1293 = vector.broadcast %add3A_1292 : i32 to vector<16xi32>
      %add3A_1294 = arith.addi %mul3A_1273, %add3A_1293 : vector<16xi32>
      tpu.vector_store_idx %arg10[%add3A_1294], %gather3A_1291 : memref<3200xf32, #tpu.memory_space<vmem>>[vector<16xi32>], vector<16xf32>,
      %add3A_1295 = arith.constant 3 : i32
      %add3A_1296 = vector.broadcast %add3A_1295 : i32 to vector<16xi32>
      %add3A_1297 = arith.addi %mul3A_1266, %add3A_1296 : vector<16xi32>
      %gather3A_1298 = tpu.vector_load_idx %arg7[%add3A_1297] : memref<50000xf32, #tpu.memory_space<vmem>>[vector<16xi32>], vector<16xf32>,
      %add3A_1299 = arith.constant 3 : i32
      %add3A_1300 = vector.broadcast %add3A_1299 : i32 to vector<16xi32>
      %add3A_1301 = arith.addi %mul3A_1273, %add3A_1300 : vector<16xi32>
      tpu.vector_store_idx %arg10[%add3A_1301], %gather3A_1298 : memref<3200xf32, #tpu.memory_space<vmem>>[vector<16xi32>], vector<16xf32>,
      %add3A_1302 = arith.constant 4 : i32
      %add3A_1303 = vector.broadcast %add3A_1302 : i32 to vector<16xi32>
      %add3A_1304 = arith.addi %mul3A_1266, %add3A_1303 : vector<16xi32>
      %gather3A_1305 = tpu.vector_load_idx %arg7[%add3A_1304] : memref<50000xf32, #tpu.memory_space<vmem>>[vector<16xi32>], vector<16xf32>,
      %add3A_1306 = arith.constant 4 : i32
      %add3A_1307 = vector.broadcast %add3A_1306 : i32 to vector<16xi32>
      %add3A_1308 = arith.addi %mul3A_1273, %add3A_1307 : vector<16xi32>
      tpu.vector_store_idx %arg10[%add3A_1308], %gather3A_1305 : memref<3200xf32, #tpu.memory_space<vmem>>[vector<16xi32>], vector<16xf32>,
      %mul3A_1309 = arith.constant 5 : i32
      %mul3A_1310 = arith.muli %scan3A_417, %mul3A_1309 : i32
      %add3A_1311 = arith.constant 3 : i32
      %add3A_1312 = arith.addi %mul3A_1310, %add3A_1311 : i32
      %mul3A_1313 = arith.constant 80 : i32
      %mul3A_1314 = arith.muli %add3A_1312, %mul3A_1313 : i32
      %add3A_1315 = arith.constant 0 : i32
      %add3A_1316 = arith.addi %mul3A_1314, %add3A_1315 : i32
      %get3A_1317 = arith.index_cast %add3A_1316 : i32 to index
      %get3A_1318 = tpu.vector_load %arg8[%get3A_1317] {strides = array<i32>} : memref<10000xi32, #tpu.memory_space<vmem>>, vector<16xi32>,
      %mul3A_1319 = arith.constant 5 : i32
      %mul3A_1320 = vector.broadcast %mul3A_1319 : i32 to vector<16xi32>
      %mul3A_1321 = arith.muli %get3A_1318, %mul3A_1320 : vector<16xi32>
      %iota3A_1322 = tpu.iota {dimensions = array<i32: 0>} : vector<16xi32>
      %add3A_1323 = arith.constant 240 : i32
      %add3A_1324 = vector.broadcast %add3A_1323 : i32 to vector<16xi32>
      %add3A_1325 = arith.addi %iota3A_1322, %add3A_1324 : vector<16xi32>
      %mul3A_1326 = arith.constant 8 : i32
      %mul3A_1327 = vector.broadcast %mul3A_1326 : i32 to vector<16xi32>
      %mul3A_1328 = arith.muli %add3A_1325, %mul3A_1327 : vector<16xi32>
      %add3A_1329 = arith.constant 0 : i32
      %add3A_1330 = vector.broadcast %add3A_1329 : i32 to vector<16xi32>
      %add3A_1331 = arith.addi %mul3A_1321, %add3A_1330 : vector<16xi32>
      %gather3A_1332 = tpu.vector_load_idx %arg7[%add3A_1331] : memref<50000xf32, #tpu.memory_space<vmem>>[vector<16xi32>], vector<16xf32>,
      %add3A_1333 = arith.constant 0 : i32
      %add3A_1334 = vector.broadcast %add3A_1333 : i32 to vector<16xi32>
      %add3A_1335 = arith.addi %mul3A_1328, %add3A_1334 : vector<16xi32>
      tpu.vector_store_idx %arg10[%add3A_1335], %gather3A_1332 : memref<3200xf32, #tpu.memory_space<vmem>>[vector<16xi32>], vector<16xf32>,
      %add3A_1336 = arith.constant 1 : i32
      %add3A_1337 = vector.broadcast %add3A_1336 : i32 to vector<16xi32>
      %add3A_1338 = arith.addi %mul3A_1321, %add3A_1337 : vector<16xi32>
      %gather3A_1339 = tpu.vector_load_idx %arg7[%add3A_1338] : memref<50000xf32, #tpu.memory_space<vmem>>[vector<16xi32>], vector<16xf32>,
      %add3A_1340 = arith.constant 1 : i32
      %add3A_1341 = vector.broadcast %add3A_1340 : i32 to vector<16xi32>
      %add3A_1342 = arith.addi %mul3A_1328, %add3A_1341 : vector<16xi32>
      tpu.vector_store_idx %arg10[%add3A_1342], %gather3A_1339 : memref<3200xf32, #tpu.memory_space<vmem>>[vector<16xi32>], vector<16xf32>,
      %add3A_1343 = arith.constant 2 : i32
      %add3A_1344 = vector.broadcast %add3A_1343 : i32 to vector<16xi32>
      %add3A_1345 = arith.addi %mul3A_1321, %add3A_1344 : vector<16xi32>
      %gather3A_1346 = tpu.vector_load_idx %arg7[%add3A_1345] : memref<50000xf32, #tpu.memory_space<vmem>>[vector<16xi32>], vector<16xf32>,
      %add3A_1347 = arith.constant 2 : i32
      %add3A_1348 = vector.broadcast %add3A_1347 : i32 to vector<16xi32>
      %add3A_1349 = arith.addi %mul3A_1328, %add3A_1348 : vector<16xi32>
      tpu.vector_store_idx %arg10[%add3A_1349], %gather3A_1346 : memref<3200xf32, #tpu.memory_space<vmem>>[vector<16xi32>], vector<16xf32>,
      %add3A_1350 = arith.constant 3 : i32
      %add3A_1351 = vector.broadcast %add3A_1350 : i32 to vector<16xi32>
      %add3A_1352 = arith.addi %mul3A_1321, %add3A_1351 : vector<16xi32>
      %gather3A_1353 = tpu.vector_load_idx %arg7[%add3A_1352] : memref<50000xf32, #tpu.memory_space<vmem>>[vector<16xi32>], vector<16xf32>,
      %add3A_1354 = arith.constant 3 : i32
      %add3A_1355 = vector.broadcast %add3A_1354 : i32 to vector<16xi32>
      %add3A_1356 = arith.addi %mul3A_1328, %add3A_1355 : vector<16xi32>
      tpu.vector_store_idx %arg10[%add3A_1356], %gather3A_1353 : memref<3200xf32, #tpu.memory_space<vmem>>[vector<16xi32>], vector<16xf32>,
      %add3A_1357 = arith.constant 4 : i32
      %add3A_1358 = vector.broadcast %add3A_1357 : i32 to vector<16xi32>
      %add3A_1359 = arith.addi %mul3A_1321, %add3A_1358 : vector<16xi32>
      %gather3A_1360 = tpu.vector_load_idx %arg7[%add3A_1359] : memref<50000xf32, #tpu.memory_space<vmem>>[vector<16xi32>], vector<16xf32>,
      %add3A_1361 = arith.constant 4 : i32
      %add3A_1362 = vector.broadcast %add3A_1361 : i32 to vector<16xi32>
      %add3A_1363 = arith.addi %mul3A_1328, %add3A_1362 : vector<16xi32>
      tpu.vector_store_idx %arg10[%add3A_1363], %gather3A_1360 : memref<3200xf32, #tpu.memory_space<vmem>>[vector<16xi32>], vector<16xf32>,
      %mul3A_1364 = arith.constant 5 : i32
      %mul3A_1365 = arith.muli %scan3A_417, %mul3A_1364 : i32
      %add3A_1366 = arith.constant 3 : i32
      %add3A_1367 = arith.addi %mul3A_1365, %add3A_1366 : i32
      %mul3A_1368 = arith.constant 80 : i32
      %mul3A_1369 = arith.muli %add3A_1367, %mul3A_1368 : i32
      %add3A_1370 = arith.constant 16 : i32
      %add3A_1371 = arith.addi %mul3A_1369, %add3A_1370 : i32
      %get3A_1372 = arith.index_cast %add3A_1371 : i32 to index
      %get3A_1373 = tpu.vector_load %arg8[%get3A_1372] {strides = array<i32>} : memref<10000xi32, #tpu.memory_space<vmem>>, vector<16xi32>,
      %mul3A_1374 = arith.constant 5 : i32
      %mul3A_1375 = vector.broadcast %mul3A_1374 : i32 to vector<16xi32>
      %mul3A_1376 = arith.muli %get3A_1373, %mul3A_1375 : vector<16xi32>
      %iota3A_1377 = tpu.iota {dimensions = array<i32: 0>} : vector<16xi32>
      %add3A_1378 = arith.constant 256 : i32
      %add3A_1379 = vector.broadcast %add3A_1378 : i32 to vector<16xi32>
      %add3A_1380 = arith.addi %iota3A_1377, %add3A_1379 : vector<16xi32>
      %mul3A_1381 = arith.constant 8 : i32
      %mul3A_1382 = vector.broadcast %mul3A_1381 : i32 to vector<16xi32>
      %mul3A_1383 = arith.muli %add3A_1380, %mul3A_1382 : vector<16xi32>
      %add3A_1384 = arith.constant 0 : i32
      %add3A_1385 = vector.broadcast %add3A_1384 : i32 to vector<16xi32>
      %add3A_1386 = arith.addi %mul3A_1376, %add3A_1385 : vector<16xi32>
      %gather3A_1387 = tpu.vector_load_idx %arg7[%add3A_1386] : memref<50000xf32, #tpu.memory_space<vmem>>[vector<16xi32>], vector<16xf32>,
      %add3A_1388 = arith.constant 0 : i32
      %add3A_1389 = vector.broadcast %add3A_1388 : i32 to vector<16xi32>
      %add3A_1390 = arith.addi %mul3A_1383, %add3A_1389 : vector<16xi32>
      tpu.vector_store_idx %arg10[%add3A_1390], %gather3A_1387 : memref<3200xf32, #tpu.memory_space<vmem>>[vector<16xi32>], vector<16xf32>,
      %add3A_1391 = arith.constant 1 : i32
      %add3A_1392 = vector.broadcast %add3A_1391 : i32 to vector<16xi32>
      %add3A_1393 = arith.addi %mul3A_1376, %add3A_1392 : vector<16xi32>
      %gather3A_1394 = tpu.vector_load_idx %arg7[%add3A_1393] : memref<50000xf32, #tpu.memory_space<vmem>>[vector<16xi32>], vector<16xf32>,
      %add3A_1395 = arith.constant 1 : i32
      %add3A_1396 = vector.broadcast %add3A_1395 : i32 to vector<16xi32>
      %add3A_1397 = arith.addi %mul3A_1383, %add3A_1396 : vector<16xi32>
      tpu.vector_store_idx %arg10[%add3A_1397], %gather3A_1394 : memref<3200xf32, #tpu.memory_space<vmem>>[vector<16xi32>], vector<16xf32>,
      %add3A_1398 = arith.constant 2 : i32
      %add3A_1399 = vector.broadcast %add3A_1398 : i32 to vector<16xi32>
      %add3A_1400 = arith.addi %mul3A_1376, %add3A_1399 : vector<16xi32>
      %gather3A_1401 = tpu.vector_load_idx %arg7[%add3A_1400] : memref<50000xf32, #tpu.memory_space<vmem>>[vector<16xi32>], vector<16xf32>,
      %add3A_1402 = arith.constant 2 : i32
      %add3A_1403 = vector.broadcast %add3A_1402 : i32 to vector<16xi32>
      %add3A_1404 = arith.addi %mul3A_1383, %add3A_1403 : vector<16xi32>
      tpu.vector_store_idx %arg10[%add3A_1404], %gather3A_1401 : memref<3200xf32, #tpu.memory_space<vmem>>[vector<16xi32>], vector<16xf32>,
      %add3A_1405 = arith.constant 3 : i32
      %add3A_1406 = vector.broadcast %add3A_1405 : i32 to vector<16xi32>
      %add3A_1407 = arith.addi %mul3A_1376, %add3A_1406 : vector<16xi32>
      %gather3A_1408 = tpu.vector_load_idx %arg7[%add3A_1407] : memref<50000xf32, #tpu.memory_space<vmem>>[vector<16xi32>], vector<16xf32>,
      %add3A_1409 = arith.constant 3 : i32
      %add3A_1410 = vector.broadcast %add3A_1409 : i32 to vector<16xi32>
      %add3A_1411 = arith.addi %mul3A_1383, %add3A_1410 : vector<16xi32>
      tpu.vector_store_idx %arg10[%add3A_1411], %gather3A_1408 : memref<3200xf32, #tpu.memory_space<vmem>>[vector<16xi32>], vector<16xf32>,
      %add3A_1412 = arith.constant 4 : i32
      %add3A_1413 = vector.broadcast %add3A_1412 : i32 to vector<16xi32>
      %add3A_1414 = arith.addi %mul3A_1376, %add3A_1413 : vector<16xi32>
      %gather3A_1415 = tpu.vector_load_idx %arg7[%add3A_1414] : memref<50000xf32, #tpu.memory_space<vmem>>[vector<16xi32>], vector<16xf32>,
      %add3A_1416 = arith.constant 4 : i32
      %add3A_1417 = vector.broadcast %add3A_1416 : i32 to vector<16xi32>
      %add3A_1418 = arith.addi %mul3A_1383, %add3A_1417 : vector<16xi32>
      tpu.vector_store_idx %arg10[%add3A_1418], %gather3A_1415 : memref<3200xf32, #tpu.memory_space<vmem>>[vector<16xi32>], vector<16xf32>,
      %mul3A_1419 = arith.constant 5 : i32
      %mul3A_1420 = arith.muli %scan3A_417, %mul3A_1419 : i32
      %add3A_1421 = arith.constant 3 : i32
      %add3A_1422 = arith.addi %mul3A_1420, %add3A_1421 : i32
      %mul3A_1423 = arith.constant 80 : i32
      %mul3A_1424 = arith.muli %add3A_1422, %mul3A_1423 : i32
      %add3A_1425 = arith.constant 32 : i32
      %add3A_1426 = arith.addi %mul3A_1424, %add3A_1425 : i32
      %get3A_1427 = arith.index_cast %add3A_1426 : i32 to index
      %get3A_1428 = tpu.vector_load %arg8[%get3A_1427] {strides = array<i32>} : memref<10000xi32, #tpu.memory_space<vmem>>, vector<16xi32>,
      %mul3A_1429 = arith.constant 5 : i32
      %mul3A_1430 = vector.broadcast %mul3A_1429 : i32 to vector<16xi32>
      %mul3A_1431 = arith.muli %get3A_1428, %mul3A_1430 : vector<16xi32>
      %iota3A_1432 = tpu.iota {dimensions = array<i32: 0>} : vector<16xi32>
      %add3A_1433 = arith.constant 272 : i32
      %add3A_1434 = vector.broadcast %add3A_1433 : i32 to vector<16xi32>
      %add3A_1435 = arith.addi %iota3A_1432, %add3A_1434 : vector<16xi32>
      %mul3A_1436 = arith.constant 8 : i32
      %mul3A_1437 = vector.broadcast %mul3A_1436 : i32 to vector<16xi32>
      %mul3A_1438 = arith.muli %add3A_1435, %mul3A_1437 : vector<16xi32>
      %add3A_1439 = arith.constant 0 : i32
      %add3A_1440 = vector.broadcast %add3A_1439 : i32 to vector<16xi32>
      %add3A_1441 = arith.addi %mul3A_1431, %add3A_1440 : vector<16xi32>
      %gather3A_1442 = tpu.vector_load_idx %arg7[%add3A_1441] : memref<50000xf32, #tpu.memory_space<vmem>>[vector<16xi32>], vector<16xf32>,
      %add3A_1443 = arith.constant 0 : i32
      %add3A_1444 = vector.broadcast %add3A_1443 : i32 to vector<16xi32>
      %add3A_1445 = arith.addi %mul3A_1438, %add3A_1444 : vector<16xi32>
      tpu.vector_store_idx %arg10[%add3A_1445], %gather3A_1442 : memref<3200xf32, #tpu.memory_space<vmem>>[vector<16xi32>], vector<16xf32>,
      %add3A_1446 = arith.constant 1 : i32
      %add3A_1447 = vector.broadcast %add3A_1446 : i32 to vector<16xi32>
      %add3A_1448 = arith.addi %mul3A_1431, %add3A_1447 : vector<16xi32>
      %gather3A_1449 = tpu.vector_load_idx %arg7[%add3A_1448] : memref<50000xf32, #tpu.memory_space<vmem>>[vector<16xi32>], vector<16xf32>,
      %add3A_1450 = arith.constant 1 : i32
      %add3A_1451 = vector.broadcast %add3A_1450 : i32 to vector<16xi32>
      %add3A_1452 = arith.addi %mul3A_1438, %add3A_1451 : vector<16xi32>
      tpu.vector_store_idx %arg10[%add3A_1452], %gather3A_1449 : memref<3200xf32, #tpu.memory_space<vmem>>[vector<16xi32>], vector<16xf32>,
      %add3A_1453 = arith.constant 2 : i32
      %add3A_1454 = vector.broadcast %add3A_1453 : i32 to vector<16xi32>
      %add3A_1455 = arith.addi %mul3A_1431, %add3A_1454 : vector<16xi32>
      %gather3A_1456 = tpu.vector_load_idx %arg7[%add3A_1455] : memref<50000xf32, #tpu.memory_space<vmem>>[vector<16xi32>], vector<16xf32>,
      %add3A_1457 = arith.constant 2 : i32
      %add3A_1458 = vector.broadcast %add3A_1457 : i32 to vector<16xi32>
      %add3A_1459 = arith.addi %mul3A_1438, %add3A_1458 : vector<16xi32>
      tpu.vector_store_idx %arg10[%add3A_1459], %gather3A_1456 : memref<3200xf32, #tpu.memory_space<vmem>>[vector<16xi32>], vector<16xf32>,
      %add3A_1460 = arith.constant 3 : i32
      %add3A_1461 = vector.broadcast %add3A_1460 : i32 to vector<16xi32>
      %add3A_1462 = arith.addi %mul3A_1431, %add3A_1461 : vector<16xi32>
      %gather3A_1463 = tpu.vector_load_idx %arg7[%add3A_1462] : memref<50000xf32, #tpu.memory_space<vmem>>[vector<16xi32>], vector<16xf32>,
      %add3A_1464 = arith.constant 3 : i32
      %add3A_1465 = vector.broadcast %add3A_1464 : i32 to vector<16xi32>
      %add3A_1466 = arith.addi %mul3A_1438, %add3A_1465 : vector<16xi32>
      tpu.vector_store_idx %arg10[%add3A_1466], %gather3A_1463 : memref<3200xf32, #tpu.memory_space<vmem>>[vector<16xi32>], vector<16xf32>,
      %add3A_1467 = arith.constant 4 : i32
      %add3A_1468 = vector.broadcast %add3A_1467 : i32 to vector<16xi32>
      %add3A_1469 = arith.addi %mul3A_1431, %add3A_1468 : vector<16xi32>
      %gather3A_1470 = tpu.vector_load_idx %arg7[%add3A_1469] : memref<50000xf32, #tpu.memory_space<vmem>>[vector<16xi32>], vector<16xf32>,
      %add3A_1471 = arith.constant 4 : i32
      %add3A_1472 = vector.broadcast %add3A_1471 : i32 to vector<16xi32>
      %add3A_1473 = arith.addi %mul3A_1438, %add3A_1472 : vector<16xi32>
      tpu.vector_store_idx %arg10[%add3A_1473], %gather3A_1470 : memref<3200xf32, #tpu.memory_space<vmem>>[vector<16xi32>], vector<16xf32>,
      %mul3A_1474 = arith.constant 5 : i32
      %mul3A_1475 = arith.muli %scan3A_417, %mul3A_1474 : i32
      %add3A_1476 = arith.constant 3 : i32
      %add3A_1477 = arith.addi %mul3A_1475, %add3A_1476 : i32
      %mul3A_1478 = arith.constant 80 : i32
      %mul3A_1479 = arith.muli %add3A_1477, %mul3A_1478 : i32
      %add3A_1480 = arith.constant 48 : i32
      %add3A_1481 = arith.addi %mul3A_1479, %add3A_1480 : i32
      %get3A_1482 = arith.index_cast %add3A_1481 : i32 to index
      %get3A_1483 = tpu.vector_load %arg8[%get3A_1482] {strides = array<i32>} : memref<10000xi32, #tpu.memory_space<vmem>>, vector<16xi32>,
      %mul3A_1484 = arith.constant 5 : i32
      %mul3A_1485 = vector.broadcast %mul3A_1484 : i32 to vector<16xi32>
      %mul3A_1486 = arith.muli %get3A_1483, %mul3A_1485 : vector<16xi32>
      %iota3A_1487 = tpu.iota {dimensions = array<i32: 0>} : vector<16xi32>
      %add3A_1488 = arith.constant 288 : i32
      %add3A_1489 = vector.broadcast %add3A_1488 : i32 to vector<16xi32>
      %add3A_1490 = arith.addi %iota3A_1487, %add3A_1489 : vector<16xi32>
      %mul3A_1491 = arith.constant 8 : i32
      %mul3A_1492 = vector.broadcast %mul3A_1491 : i32 to vector<16xi32>
      %mul3A_1493 = arith.muli %add3A_1490, %mul3A_1492 : vector<16xi32>
      %add3A_1494 = arith.constant 0 : i32
      %add3A_1495 = vector.broadcast %add3A_1494 : i32 to vector<16xi32>
      %add3A_1496 = arith.addi %mul3A_1486, %add3A_1495 : vector<16xi32>
      %gather3A_1497 = tpu.vector_load_idx %arg7[%add3A_1496] : memref<50000xf32, #tpu.memory_space<vmem>>[vector<16xi32>], vector<16xf32>,
      %add3A_1498 = arith.constant 0 : i32
      %add3A_1499 = vector.broadcast %add3A_1498 : i32 to vector<16xi32>
      %add3A_1500 = arith.addi %mul3A_1493, %add3A_1499 : vector<16xi32>
      tpu.vector_store_idx %arg10[%add3A_1500], %gather3A_1497 : memref<3200xf32, #tpu.memory_space<vmem>>[vector<16xi32>], vector<16xf32>,
      %add3A_1501 = arith.constant 1 : i32
      %add3A_1502 = vector.broadcast %add3A_1501 : i32 to vector<16xi32>
      %add3A_1503 = arith.addi %mul3A_1486, %add3A_1502 : vector<16xi32>
      %gather3A_1504 = tpu.vector_load_idx %arg7[%add3A_1503] : memref<50000xf32, #tpu.memory_space<vmem>>[vector<16xi32>], vector<16xf32>,
      %add3A_1505 = arith.constant 1 : i32
      %add3A_1506 = vector.broadcast %add3A_1505 : i32 to vector<16xi32>
      %add3A_1507 = arith.addi %mul3A_1493, %add3A_1506 : vector<16xi32>
      tpu.vector_store_idx %arg10[%add3A_1507], %gather3A_1504 : memref<3200xf32, #tpu.memory_space<vmem>>[vector<16xi32>], vector<16xf32>,
      %add3A_1508 = arith.constant 2 : i32
      %add3A_1509 = vector.broadcast %add3A_1508 : i32 to vector<16xi32>
      %add3A_1510 = arith.addi %mul3A_1486, %add3A_1509 : vector<16xi32>
      %gather3A_1511 = tpu.vector_load_idx %arg7[%add3A_1510] : memref<50000xf32, #tpu.memory_space<vmem>>[vector<16xi32>], vector<16xf32>,
      %add3A_1512 = arith.constant 2 : i32
      %add3A_1513 = vector.broadcast %add3A_1512 : i32 to vector<16xi32>
      %add3A_1514 = arith.addi %mul3A_1493, %add3A_1513 : vector<16xi32>
      tpu.vector_store_idx %arg10[%add3A_1514], %gather3A_1511 : memref<3200xf32, #tpu.memory_space<vmem>>[vector<16xi32>], vector<16xf32>,
      %add3A_1515 = arith.constant 3 : i32
      %add3A_1516 = vector.broadcast %add3A_1515 : i32 to vector<16xi32>
      %add3A_1517 = arith.addi %mul3A_1486, %add3A_1516 : vector<16xi32>
      %gather3A_1518 = tpu.vector_load_idx %arg7[%add3A_1517] : memref<50000xf32, #tpu.memory_space<vmem>>[vector<16xi32>], vector<16xf32>,
      %add3A_1519 = arith.constant 3 : i32
      %add3A_1520 = vector.broadcast %add3A_1519 : i32 to vector<16xi32>
      %add3A_1521 = arith.addi %mul3A_1493, %add3A_1520 : vector<16xi32>
      tpu.vector_store_idx %arg10[%add3A_1521], %gather3A_1518 : memref<3200xf32, #tpu.memory_space<vmem>>[vector<16xi32>], vector<16xf32>,
      %add3A_1522 = arith.constant 4 : i32
      %add3A_1523 = vector.broadcast %add3A_1522 : i32 to vector<16xi32>
      %add3A_1524 = arith.addi %mul3A_1486, %add3A_1523 : vector<16xi32>
      %gather3A_1525 = tpu.vector_load_idx %arg7[%add3A_1524] : memref<50000xf32, #tpu.memory_space<vmem>>[vector<16xi32>], vector<16xf32>,
      %add3A_1526 = arith.constant 4 : i32
      %add3A_1527 = vector.broadcast %add3A_1526 : i32 to vector<16xi32>
      %add3A_1528 = arith.addi %mul3A_1493, %add3A_1527 : vector<16xi32>
      tpu.vector_store_idx %arg10[%add3A_1528], %gather3A_1525 : memref<3200xf32, #tpu.memory_space<vmem>>[vector<16xi32>], vector<16xf32>,
      %mul3A_1529 = arith.constant 5 : i32
      %mul3A_1530 = arith.muli %scan3A_417, %mul3A_1529 : i32
      %add3A_1531 = arith.constant 3 : i32
      %add3A_1532 = arith.addi %mul3A_1530, %add3A_1531 : i32
      %mul3A_1533 = arith.constant 80 : i32
      %mul3A_1534 = arith.muli %add3A_1532, %mul3A_1533 : i32
      %add3A_1535 = arith.constant 64 : i32
      %add3A_1536 = arith.addi %mul3A_1534, %add3A_1535 : i32
      %get3A_1537 = arith.index_cast %add3A_1536 : i32 to index
      %get3A_1538 = tpu.vector_load %arg8[%get3A_1537] {strides = array<i32>} : memref<10000xi32, #tpu.memory_space<vmem>>, vector<16xi32>,
      %mul3A_1539 = arith.constant 5 : i32
      %mul3A_1540 = vector.broadcast %mul3A_1539 : i32 to vector<16xi32>
      %mul3A_1541 = arith.muli %get3A_1538, %mul3A_1540 : vector<16xi32>
      %iota3A_1542 = tpu.iota {dimensions = array<i32: 0>} : vector<16xi32>
      %add3A_1543 = arith.constant 304 : i32
      %add3A_1544 = vector.broadcast %add3A_1543 : i32 to vector<16xi32>
      %add3A_1545 = arith.addi %iota3A_1542, %add3A_1544 : vector<16xi32>
      %mul3A_1546 = arith.constant 8 : i32
      %mul3A_1547 = vector.broadcast %mul3A_1546 : i32 to vector<16xi32>
      %mul3A_1548 = arith.muli %add3A_1545, %mul3A_1547 : vector<16xi32>
      %add3A_1549 = arith.constant 0 : i32
      %add3A_1550 = vector.broadcast %add3A_1549 : i32 to vector<16xi32>
      %add3A_1551 = arith.addi %mul3A_1541, %add3A_1550 : vector<16xi32>
      %gather3A_1552 = tpu.vector_load_idx %arg7[%add3A_1551] : memref<50000xf32, #tpu.memory_space<vmem>>[vector<16xi32>], vector<16xf32>,
      %add3A_1553 = arith.constant 0 : i32
      %add3A_1554 = vector.broadcast %add3A_1553 : i32 to vector<16xi32>
      %add3A_1555 = arith.addi %mul3A_1548, %add3A_1554 : vector<16xi32>
      tpu.vector_store_idx %arg10[%add3A_1555], %gather3A_1552 : memref<3200xf32, #tpu.memory_space<vmem>>[vector<16xi32>], vector<16xf32>,
      %add3A_1556 = arith.constant 1 : i32
      %add3A_1557 = vector.broadcast %add3A_1556 : i32 to vector<16xi32>
      %add3A_1558 = arith.addi %mul3A_1541, %add3A_1557 : vector<16xi32>
      %gather3A_1559 = tpu.vector_load_idx %arg7[%add3A_1558] : memref<50000xf32, #tpu.memory_space<vmem>>[vector<16xi32>], vector<16xf32>,
      %add3A_1560 = arith.constant 1 : i32
      %add3A_1561 = vector.broadcast %add3A_1560 : i32 to vector<16xi32>
      %add3A_1562 = arith.addi %mul3A_1548, %add3A_1561 : vector<16xi32>
      tpu.vector_store_idx %arg10[%add3A_1562], %gather3A_1559 : memref<3200xf32, #tpu.memory_space<vmem>>[vector<16xi32>], vector<16xf32>,
      %add3A_1563 = arith.constant 2 : i32
      %add3A_1564 = vector.broadcast %add3A_1563 : i32 to vector<16xi32>
      %add3A_1565 = arith.addi %mul3A_1541, %add3A_1564 : vector<16xi32>
      %gather3A_1566 = tpu.vector_load_idx %arg7[%add3A_1565] : memref<50000xf32, #tpu.memory_space<vmem>>[vector<16xi32>], vector<16xf32>,
      %add3A_1567 = arith.constant 2 : i32
      %add3A_1568 = vector.broadcast %add3A_1567 : i32 to vector<16xi32>
      %add3A_1569 = arith.addi %mul3A_1548, %add3A_1568 : vector<16xi32>
      tpu.vector_store_idx %arg10[%add3A_1569], %gather3A_1566 : memref<3200xf32, #tpu.memory_space<vmem>>[vector<16xi32>], vector<16xf32>,
      %add3A_1570 = arith.constant 3 : i32
      %add3A_1571 = vector.broadcast %add3A_1570 : i32 to vector<16xi32>
      %add3A_1572 = arith.addi %mul3A_1541, %add3A_1571 : vector<16xi32>
      %gather3A_1573 = tpu.vector_load_idx %arg7[%add3A_1572] : memref<50000xf32, #tpu.memory_space<vmem>>[vector<16xi32>], vector<16xf32>,
      %add3A_1574 = arith.constant 3 : i32
      %add3A_1575 = vector.broadcast %add3A_1574 : i32 to vector<16xi32>
      %add3A_1576 = arith.addi %mul3A_1548, %add3A_1575 : vector<16xi32>
      tpu.vector_store_idx %arg10[%add3A_1576], %gather3A_1573 : memref<3200xf32, #tpu.memory_space<vmem>>[vector<16xi32>], vector<16xf32>,
      %add3A_1577 = arith.constant 4 : i32
      %add3A_1578 = vector.broadcast %add3A_1577 : i32 to vector<16xi32>
      %add3A_1579 = arith.addi %mul3A_1541, %add3A_1578 : vector<16xi32>
      %gather3A_1580 = tpu.vector_load_idx %arg7[%add3A_1579] : memref<50000xf32, #tpu.memory_space<vmem>>[vector<16xi32>], vector<16xf32>,
      %add3A_1581 = arith.constant 4 : i32
      %add3A_1582 = vector.broadcast %add3A_1581 : i32 to vector<16xi32>
      %add3A_1583 = arith.addi %mul3A_1548, %add3A_1582 : vector<16xi32>
      tpu.vector_store_idx %arg10[%add3A_1583], %gather3A_1580 : memref<3200xf32, #tpu.memory_space<vmem>>[vector<16xi32>], vector<16xf32>,
      %mul3A_1584 = arith.constant 5 : i32
      %mul3A_1585 = arith.muli %scan3A_417, %mul3A_1584 : i32
      %add3A_1586 = arith.constant 4 : i32
      %add3A_1587 = arith.addi %mul3A_1585, %add3A_1586 : i32
      %mul3A_1588 = arith.constant 80 : i32
      %mul3A_1589 = arith.muli %add3A_1587, %mul3A_1588 : i32
      %add3A_1590 = arith.constant 0 : i32
      %add3A_1591 = arith.addi %mul3A_1589, %add3A_1590 : i32
      %get3A_1592 = arith.index_cast %add3A_1591 : i32 to index
      %get3A_1593 = tpu.vector_load %arg8[%get3A_1592] {strides = array<i32>} : memref<10000xi32, #tpu.memory_space<vmem>>, vector<16xi32>,
      %mul3A_1594 = arith.constant 5 : i32
      %mul3A_1595 = vector.broadcast %mul3A_1594 : i32 to vector<16xi32>
      %mul3A_1596 = arith.muli %get3A_1593, %mul3A_1595 : vector<16xi32>
      %iota3A_1597 = tpu.iota {dimensions = array<i32: 0>} : vector<16xi32>
      %add3A_1598 = arith.constant 320 : i32
      %add3A_1599 = vector.broadcast %add3A_1598 : i32 to vector<16xi32>
      %add3A_1600 = arith.addi %iota3A_1597, %add3A_1599 : vector<16xi32>
      %mul3A_1601 = arith.constant 8 : i32
      %mul3A_1602 = vector.broadcast %mul3A_1601 : i32 to vector<16xi32>
      %mul3A_1603 = arith.muli %add3A_1600, %mul3A_1602 : vector<16xi32>
      %add3A_1604 = arith.constant 0 : i32
      %add3A_1605 = vector.broadcast %add3A_1604 : i32 to vector<16xi32>
      %add3A_1606 = arith.addi %mul3A_1596, %add3A_1605 : vector<16xi32>
      %gather3A_1607 = tpu.vector_load_idx %arg7[%add3A_1606] : memref<50000xf32, #tpu.memory_space<vmem>>[vector<16xi32>], vector<16xf32>,
      %add3A_1608 = arith.constant 0 : i32
      %add3A_1609 = vector.broadcast %add3A_1608 : i32 to vector<16xi32>
      %add3A_1610 = arith.addi %mul3A_1603, %add3A_1609 : vector<16xi32>
      tpu.vector_store_idx %arg10[%add3A_1610], %gather3A_1607 : memref<3200xf32, #tpu.memory_space<vmem>>[vector<16xi32>], vector<16xf32>,
      %add3A_1611 = arith.constant 1 : i32
      %add3A_1612 = vector.broadcast %add3A_1611 : i32 to vector<16xi32>
      %add3A_1613 = arith.addi %mul3A_1596, %add3A_1612 : vector<16xi32>
      %gather3A_1614 = tpu.vector_load_idx %arg7[%add3A_1613] : memref<50000xf32, #tpu.memory_space<vmem>>[vector<16xi32>], vector<16xf32>,
      %add3A_1615 = arith.constant 1 : i32
      %add3A_1616 = vector.broadcast %add3A_1615 : i32 to vector<16xi32>
      %add3A_1617 = arith.addi %mul3A_1603, %add3A_1616 : vector<16xi32>
      tpu.vector_store_idx %arg10[%add3A_1617], %gather3A_1614 : memref<3200xf32, #tpu.memory_space<vmem>>[vector<16xi32>], vector<16xf32>,
      %add3A_1618 = arith.constant 2 : i32
      %add3A_1619 = vector.broadcast %add3A_1618 : i32 to vector<16xi32>
      %add3A_1620 = arith.addi %mul3A_1596, %add3A_1619 : vector<16xi32>
      %gather3A_1621 = tpu.vector_load_idx %arg7[%add3A_1620] : memref<50000xf32, #tpu.memory_space<vmem>>[vector<16xi32>], vector<16xf32>,
      %add3A_1622 = arith.constant 2 : i32
      %add3A_1623 = vector.broadcast %add3A_1622 : i32 to vector<16xi32>
      %add3A_1624 = arith.addi %mul3A_1603, %add3A_1623 : vector<16xi32>
      tpu.vector_store_idx %arg10[%add3A_1624], %gather3A_1621 : memref<3200xf32, #tpu.memory_space<vmem>>[vector<16xi32>], vector<16xf32>,
      %add3A_1625 = arith.constant 3 : i32
      %add3A_1626 = vector.broadcast %add3A_1625 : i32 to vector<16xi32>
      %add3A_1627 = arith.addi %mul3A_1596, %add3A_1626 : vector<16xi32>
      %gather3A_1628 = tpu.vector_load_idx %arg7[%add3A_1627] : memref<50000xf32, #tpu.memory_space<vmem>>[vector<16xi32>], vector<16xf32>,
      %add3A_1629 = arith.constant 3 : i32
      %add3A_1630 = vector.broadcast %add3A_1629 : i32 to vector<16xi32>
      %add3A_1631 = arith.addi %mul3A_1603, %add3A_1630 : vector<16xi32>
      tpu.vector_store_idx %arg10[%add3A_1631], %gather3A_1628 : memref<3200xf32, #tpu.memory_space<vmem>>[vector<16xi32>], vector<16xf32>,
      %add3A_1632 = arith.constant 4 : i32
      %add3A_1633 = vector.broadcast %add3A_1632 : i32 to vector<16xi32>
      %add3A_1634 = arith.addi %mul3A_1596, %add3A_1633 : vector<16xi32>
      %gather3A_1635 = tpu.vector_load_idx %arg7[%add3A_1634] : memref<50000xf32, #tpu.memory_space<vmem>>[vector<16xi32>], vector<16xf32>,
      %add3A_1636 = arith.constant 4 : i32
      %add3A_1637 = vector.broadcast %add3A_1636 : i32 to vector<16xi32>
      %add3A_1638 = arith.addi %mul3A_1603, %add3A_1637 : vector<16xi32>
      tpu.vector_store_idx %arg10[%add3A_1638], %gather3A_1635 : memref<3200xf32, #tpu.memory_space<vmem>>[vector<16xi32>], vector<16xf32>,
      %mul3A_1639 = arith.constant 5 : i32
      %mul3A_1640 = arith.muli %scan3A_417, %mul3A_1639 : i32
      %add3A_1641 = arith.constant 4 : i32
      %add3A_1642 = arith.addi %mul3A_1640, %add3A_1641 : i32
      %mul3A_1643 = arith.constant 80 : i32
      %mul3A_1644 = arith.muli %add3A_1642, %mul3A_1643 : i32
      %add3A_1645 = arith.constant 16 : i32
      %add3A_1646 = arith.addi %mul3A_1644, %add3A_1645 : i32
      %get3A_1647 = arith.index_cast %add3A_1646 : i32 to index
      %get3A_1648 = tpu.vector_load %arg8[%get3A_1647] {strides = array<i32>} : memref<10000xi32, #tpu.memory_space<vmem>>, vector<16xi32>,
      %mul3A_1649 = arith.constant 5 : i32
      %mul3A_1650 = vector.broadcast %mul3A_1649 : i32 to vector<16xi32>
      %mul3A_1651 = arith.muli %get3A_1648, %mul3A_1650 : vector<16xi32>
      %iota3A_1652 = tpu.iota {dimensions = array<i32: 0>} : vector<16xi32>
      %add3A_1653 = arith.constant 336 : i32
      %add3A_1654 = vector.broadcast %add3A_1653 : i32 to vector<16xi32>
      %add3A_1655 = arith.addi %iota3A_1652, %add3A_1654 : vector<16xi32>
      %mul3A_1656 = arith.constant 8 : i32
      %mul3A_1657 = vector.broadcast %mul3A_1656 : i32 to vector<16xi32>
      %mul3A_1658 = arith.muli %add3A_1655, %mul3A_1657 : vector<16xi32>
      %add3A_1659 = arith.constant 0 : i32
      %add3A_1660 = vector.broadcast %add3A_1659 : i32 to vector<16xi32>
      %add3A_1661 = arith.addi %mul3A_1651, %add3A_1660 : vector<16xi32>
      %gather3A_1662 = tpu.vector_load_idx %arg7[%add3A_1661] : memref<50000xf32, #tpu.memory_space<vmem>>[vector<16xi32>], vector<16xf32>,
      %add3A_1663 = arith.constant 0 : i32
      %add3A_1664 = vector.broadcast %add3A_1663 : i32 to vector<16xi32>
      %add3A_1665 = arith.addi %mul3A_1658, %add3A_1664 : vector<16xi32>
      tpu.vector_store_idx %arg10[%add3A_1665], %gather3A_1662 : memref<3200xf32, #tpu.memory_space<vmem>>[vector<16xi32>], vector<16xf32>,
      %add3A_1666 = arith.constant 1 : i32
      %add3A_1667 = vector.broadcast %add3A_1666 : i32 to vector<16xi32>
      %add3A_1668 = arith.addi %mul3A_1651, %add3A_1667 : vector<16xi32>
      %gather3A_1669 = tpu.vector_load_idx %arg7[%add3A_1668] : memref<50000xf32, #tpu.memory_space<vmem>>[vector<16xi32>], vector<16xf32>,
      %add3A_1670 = arith.constant 1 : i32
      %add3A_1671 = vector.broadcast %add3A_1670 : i32 to vector<16xi32>
      %add3A_1672 = arith.addi %mul3A_1658, %add3A_1671 : vector<16xi32>
      tpu.vector_store_idx %arg10[%add3A_1672], %gather3A_1669 : memref<3200xf32, #tpu.memory_space<vmem>>[vector<16xi32>], vector<16xf32>,
      %add3A_1673 = arith.constant 2 : i32
      %add3A_1674 = vector.broadcast %add3A_1673 : i32 to vector<16xi32>
      %add3A_1675 = arith.addi %mul3A_1651, %add3A_1674 : vector<16xi32>
      %gather3A_1676 = tpu.vector_load_idx %arg7[%add3A_1675] : memref<50000xf32, #tpu.memory_space<vmem>>[vector<16xi32>], vector<16xf32>,
      %add3A_1677 = arith.constant 2 : i32
      %add3A_1678 = vector.broadcast %add3A_1677 : i32 to vector<16xi32>
      %add3A_1679 = arith.addi %mul3A_1658, %add3A_1678 : vector<16xi32>
      tpu.vector_store_idx %arg10[%add3A_1679], %gather3A_1676 : memref<3200xf32, #tpu.memory_space<vmem>>[vector<16xi32>], vector<16xf32>,
      %add3A_1680 = arith.constant 3 : i32
      %add3A_1681 = vector.broadcast %add3A_1680 : i32 to vector<16xi32>
      %add3A_1682 = arith.addi %mul3A_1651, %add3A_1681 : vector<16xi32>
      %gather3A_1683 = tpu.vector_load_idx %arg7[%add3A_1682] : memref<50000xf32, #tpu.memory_space<vmem>>[vector<16xi32>], vector<16xf32>,
      %add3A_1684 = arith.constant 3 : i32
      %add3A_1685 = vector.broadcast %add3A_1684 : i32 to vector<16xi32>
      %add3A_1686 = arith.addi %mul3A_1658, %add3A_1685 : vector<16xi32>
      tpu.vector_store_idx %arg10[%add3A_1686], %gather3A_1683 : memref<3200xf32, #tpu.memory_space<vmem>>[vector<16xi32>], vector<16xf32>,
      %add3A_1687 = arith.constant 4 : i32
      %add3A_1688 = vector.broadcast %add3A_1687 : i32 to vector<16xi32>
      %add3A_1689 = arith.addi %mul3A_1651, %add3A_1688 : vector<16xi32>
      %gather3A_1690 = tpu.vector_load_idx %arg7[%add3A_1689] : memref<50000xf32, #tpu.memory_space<vmem>>[vector<16xi32>], vector<16xf32>,
      %add3A_1691 = arith.constant 4 : i32
      %add3A_1692 = vector.broadcast %add3A_1691 : i32 to vector<16xi32>
      %add3A_1693 = arith.addi %mul3A_1658, %add3A_1692 : vector<16xi32>
      tpu.vector_store_idx %arg10[%add3A_1693], %gather3A_1690 : memref<3200xf32, #tpu.memory_space<vmem>>[vector<16xi32>], vector<16xf32>,
      %mul3A_1694 = arith.constant 5 : i32
      %mul3A_1695 = arith.muli %scan3A_417, %mul3A_1694 : i32
      %add3A_1696 = arith.constant 4 : i32
      %add3A_1697 = arith.addi %mul3A_1695, %add3A_1696 : i32
      %mul3A_1698 = arith.constant 80 : i32
      %mul3A_1699 = arith.muli %add3A_1697, %mul3A_1698 : i32
      %add3A_1700 = arith.constant 32 : i32
      %add3A_1701 = arith.addi %mul3A_1699, %add3A_1700 : i32
      %get3A_1702 = arith.index_cast %add3A_1701 : i32 to index
      %get3A_1703 = tpu.vector_load %arg8[%get3A_1702] {strides = array<i32>} : memref<10000xi32, #tpu.memory_space<vmem>>, vector<16xi32>,
      %mul3A_1704 = arith.constant 5 : i32
      %mul3A_1705 = vector.broadcast %mul3A_1704 : i32 to vector<16xi32>
      %mul3A_1706 = arith.muli %get3A_1703, %mul3A_1705 : vector<16xi32>
      %iota3A_1707 = tpu.iota {dimensions = array<i32: 0>} : vector<16xi32>
      %add3A_1708 = arith.constant 352 : i32
      %add3A_1709 = vector.broadcast %add3A_1708 : i32 to vector<16xi32>
      %add3A_1710 = arith.addi %iota3A_1707, %add3A_1709 : vector<16xi32>
      %mul3A_1711 = arith.constant 8 : i32
      %mul3A_1712 = vector.broadcast %mul3A_1711 : i32 to vector<16xi32>
      %mul3A_1713 = arith.muli %add3A_1710, %mul3A_1712 : vector<16xi32>
      %add3A_1714 = arith.constant 0 : i32
      %add3A_1715 = vector.broadcast %add3A_1714 : i32 to vector<16xi32>
      %add3A_1716 = arith.addi %mul3A_1706, %add3A_1715 : vector<16xi32>
      %gather3A_1717 = tpu.vector_load_idx %arg7[%add3A_1716] : memref<50000xf32, #tpu.memory_space<vmem>>[vector<16xi32>], vector<16xf32>,
      %add3A_1718 = arith.constant 0 : i32
      %add3A_1719 = vector.broadcast %add3A_1718 : i32 to vector<16xi32>
      %add3A_1720 = arith.addi %mul3A_1713, %add3A_1719 : vector<16xi32>
      tpu.vector_store_idx %arg10[%add3A_1720], %gather3A_1717 : memref<3200xf32, #tpu.memory_space<vmem>>[vector<16xi32>], vector<16xf32>,
      %add3A_1721 = arith.constant 1 : i32
      %add3A_1722 = vector.broadcast %add3A_1721 : i32 to vector<16xi32>
      %add3A_1723 = arith.addi %mul3A_1706, %add3A_1722 : vector<16xi32>
      %gather3A_1724 = tpu.vector_load_idx %arg7[%add3A_1723] : memref<50000xf32, #tpu.memory_space<vmem>>[vector<16xi32>], vector<16xf32>,
      %add3A_1725 = arith.constant 1 : i32
      %add3A_1726 = vector.broadcast %add3A_1725 : i32 to vector<16xi32>
      %add3A_1727 = arith.addi %mul3A_1713, %add3A_1726 : vector<16xi32>
      tpu.vector_store_idx %arg10[%add3A_1727], %gather3A_1724 : memref<3200xf32, #tpu.memory_space<vmem>>[vector<16xi32>], vector<16xf32>,
      %add3A_1728 = arith.constant 2 : i32
      %add3A_1729 = vector.broadcast %add3A_1728 : i32 to vector<16xi32>
      %add3A_1730 = arith.addi %mul3A_1706, %add3A_1729 : vector<16xi32>
      %gather3A_1731 = tpu.vector_load_idx %arg7[%add3A_1730] : memref<50000xf32, #tpu.memory_space<vmem>>[vector<16xi32>], vector<16xf32>,
      %add3A_1732 = arith.constant 2 : i32
      %add3A_1733 = vector.broadcast %add3A_1732 : i32 to vector<16xi32>
      %add3A_1734 = arith.addi %mul3A_1713, %add3A_1733 : vector<16xi32>
      tpu.vector_store_idx %arg10[%add3A_1734], %gather3A_1731 : memref<3200xf32, #tpu.memory_space<vmem>>[vector<16xi32>], vector<16xf32>,
      %add3A_1735 = arith.constant 3 : i32
      %add3A_1736 = vector.broadcast %add3A_1735 : i32 to vector<16xi32>
      %add3A_1737 = arith.addi %mul3A_1706, %add3A_1736 : vector<16xi32>
      %gather3A_1738 = tpu.vector_load_idx %arg7[%add3A_1737] : memref<50000xf32, #tpu.memory_space<vmem>>[vector<16xi32>], vector<16xf32>,
      %add3A_1739 = arith.constant 3 : i32
      %add3A_1740 = vector.broadcast %add3A_1739 : i32 to vector<16xi32>
      %add3A_1741 = arith.addi %mul3A_1713, %add3A_1740 : vector<16xi32>
      tpu.vector_store_idx %arg10[%add3A_1741], %gather3A_1738 : memref<3200xf32, #tpu.memory_space<vmem>>[vector<16xi32>], vector<16xf32>,
      %add3A_1742 = arith.constant 4 : i32
      %add3A_1743 = vector.broadcast %add3A_1742 : i32 to vector<16xi32>
      %add3A_1744 = arith.addi %mul3A_1706, %add3A_1743 : vector<16xi32>
      %gather3A_1745 = tpu.vector_load_idx %arg7[%add3A_1744] : memref<50000xf32, #tpu.memory_space<vmem>>[vector<16xi32>], vector<16xf32>,
      %add3A_1746 = arith.constant 4 : i32
      %add3A_1747 = vector.broadcast %add3A_1746 : i32 to vector<16xi32>
      %add3A_1748 = arith.addi %mul3A_1713, %add3A_1747 : vector<16xi32>
      tpu.vector_store_idx %arg10[%add3A_1748], %gather3A_1745 : memref<3200xf32, #tpu.memory_space<vmem>>[vector<16xi32>], vector<16xf32>,
      %mul3A_1749 = arith.constant 5 : i32
      %mul3A_1750 = arith.muli %scan3A_417, %mul3A_1749 : i32
      %add3A_1751 = arith.constant 4 : i32
      %add3A_1752 = arith.addi %mul3A_1750, %add3A_1751 : i32
      %mul3A_1753 = arith.constant 80 : i32
      %mul3A_1754 = arith.muli %add3A_1752, %mul3A_1753 : i32
      %add3A_1755 = arith.constant 48 : i32
      %add3A_1756 = arith.addi %mul3A_1754, %add3A_1755 : i32
      %get3A_1757 = arith.index_cast %add3A_1756 : i32 to index
      %get3A_1758 = tpu.vector_load %arg8[%get3A_1757] {strides = array<i32>} : memref<10000xi32, #tpu.memory_space<vmem>>, vector<16xi32>,
      %mul3A_1759 = arith.constant 5 : i32
      %mul3A_1760 = vector.broadcast %mul3A_1759 : i32 to vector<16xi32>
      %mul3A_1761 = arith.muli %get3A_1758, %mul3A_1760 : vector<16xi32>
      %iota3A_1762 = tpu.iota {dimensions = array<i32: 0>} : vector<16xi32>
      %add3A_1763 = arith.constant 368 : i32
      %add3A_1764 = vector.broadcast %add3A_1763 : i32 to vector<16xi32>
      %add3A_1765 = arith.addi %iota3A_1762, %add3A_1764 : vector<16xi32>
      %mul3A_1766 = arith.constant 8 : i32
      %mul3A_1767 = vector.broadcast %mul3A_1766 : i32 to vector<16xi32>
      %mul3A_1768 = arith.muli %add3A_1765, %mul3A_1767 : vector<16xi32>
      %add3A_1769 = arith.constant 0 : i32
      %add3A_1770 = vector.broadcast %add3A_1769 : i32 to vector<16xi32>
      %add3A_1771 = arith.addi %mul3A_1761, %add3A_1770 : vector<16xi32>
      %gather3A_1772 = tpu.vector_load_idx %arg7[%add3A_1771] : memref<50000xf32, #tpu.memory_space<vmem>>[vector<16xi32>], vector<16xf32>,
      %add3A_1773 = arith.constant 0 : i32
      %add3A_1774 = vector.broadcast %add3A_1773 : i32 to vector<16xi32>
      %add3A_1775 = arith.addi %mul3A_1768, %add3A_1774 : vector<16xi32>
      tpu.vector_store_idx %arg10[%add3A_1775], %gather3A_1772 : memref<3200xf32, #tpu.memory_space<vmem>>[vector<16xi32>], vector<16xf32>,
      %add3A_1776 = arith.constant 1 : i32
      %add3A_1777 = vector.broadcast %add3A_1776 : i32 to vector<16xi32>
      %add3A_1778 = arith.addi %mul3A_1761, %add3A_1777 : vector<16xi32>
      %gather3A_1779 = tpu.vector_load_idx %arg7[%add3A_1778] : memref<50000xf32, #tpu.memory_space<vmem>>[vector<16xi32>], vector<16xf32>,
      %add3A_1780 = arith.constant 1 : i32
      %add3A_1781 = vector.broadcast %add3A_1780 : i32 to vector<16xi32>
      %add3A_1782 = arith.addi %mul3A_1768, %add3A_1781 : vector<16xi32>
      tpu.vector_store_idx %arg10[%add3A_1782], %gather3A_1779 : memref<3200xf32, #tpu.memory_space<vmem>>[vector<16xi32>], vector<16xf32>,
      %add3A_1783 = arith.constant 2 : i32
      %add3A_1784 = vector.broadcast %add3A_1783 : i32 to vector<16xi32>
      %add3A_1785 = arith.addi %mul3A_1761, %add3A_1784 : vector<16xi32>
      %gather3A_1786 = tpu.vector_load_idx %arg7[%add3A_1785] : memref<50000xf32, #tpu.memory_space<vmem>>[vector<16xi32>], vector<16xf32>,
      %add3A_1787 = arith.constant 2 : i32
      %add3A_1788 = vector.broadcast %add3A_1787 : i32 to vector<16xi32>
      %add3A_1789 = arith.addi %mul3A_1768, %add3A_1788 : vector<16xi32>
      tpu.vector_store_idx %arg10[%add3A_1789], %gather3A_1786 : memref<3200xf32, #tpu.memory_space<vmem>>[vector<16xi32>], vector<16xf32>,
      %add3A_1790 = arith.constant 3 : i32
      %add3A_1791 = vector.broadcast %add3A_1790 : i32 to vector<16xi32>
      %add3A_1792 = arith.addi %mul3A_1761, %add3A_1791 : vector<16xi32>
      %gather3A_1793 = tpu.vector_load_idx %arg7[%add3A_1792] : memref<50000xf32, #tpu.memory_space<vmem>>[vector<16xi32>], vector<16xf32>,
      %add3A_1794 = arith.constant 3 : i32
      %add3A_1795 = vector.broadcast %add3A_1794 : i32 to vector<16xi32>
      %add3A_1796 = arith.addi %mul3A_1768, %add3A_1795 : vector<16xi32>
      tpu.vector_store_idx %arg10[%add3A_1796], %gather3A_1793 : memref<3200xf32, #tpu.memory_space<vmem>>[vector<16xi32>], vector<16xf32>,
      %add3A_1797 = arith.constant 4 : i32
      %add3A_1798 = vector.broadcast %add3A_1797 : i32 to vector<16xi32>
      %add3A_1799 = arith.addi %mul3A_1761, %add3A_1798 : vector<16xi32>
      %gather3A_1800 = tpu.vector_load_idx %arg7[%add3A_1799] : memref<50000xf32, #tpu.memory_space<vmem>>[vector<16xi32>], vector<16xf32>,
      %add3A_1801 = arith.constant 4 : i32
      %add3A_1802 = vector.broadcast %add3A_1801 : i32 to vector<16xi32>
      %add3A_1803 = arith.addi %mul3A_1768, %add3A_1802 : vector<16xi32>
      tpu.vector_store_idx %arg10[%add3A_1803], %gather3A_1800 : memref<3200xf32, #tpu.memory_space<vmem>>[vector<16xi32>], vector<16xf32>,
      %mul3A_1804 = arith.constant 5 : i32
      %mul3A_1805 = arith.muli %scan3A_417, %mul3A_1804 : i32
      %add3A_1806 = arith.constant 4 : i32
      %add3A_1807 = arith.addi %mul3A_1805, %add3A_1806 : i32
      %mul3A_1808 = arith.constant 80 : i32
      %mul3A_1809 = arith.muli %add3A_1807, %mul3A_1808 : i32
      %add3A_1810 = arith.constant 64 : i32
      %add3A_1811 = arith.addi %mul3A_1809, %add3A_1810 : i32
      %get3A_1812 = arith.index_cast %add3A_1811 : i32 to index
      %get3A_1813 = tpu.vector_load %arg8[%get3A_1812] {strides = array<i32>} : memref<10000xi32, #tpu.memory_space<vmem>>, vector<16xi32>,
      %mul3A_1814 = arith.constant 5 : i32
      %mul3A_1815 = vector.broadcast %mul3A_1814 : i32 to vector<16xi32>
      %mul3A_1816 = arith.muli %get3A_1813, %mul3A_1815 : vector<16xi32>
      %iota3A_1817 = tpu.iota {dimensions = array<i32: 0>} : vector<16xi32>
      %add3A_1818 = arith.constant 384 : i32
      %add3A_1819 = vector.broadcast %add3A_1818 : i32 to vector<16xi32>
      %add3A_1820 = arith.addi %iota3A_1817, %add3A_1819 : vector<16xi32>
      %mul3A_1821 = arith.constant 8 : i32
      %mul3A_1822 = vector.broadcast %mul3A_1821 : i32 to vector<16xi32>
      %mul3A_1823 = arith.muli %add3A_1820, %mul3A_1822 : vector<16xi32>
      %add3A_1824 = arith.constant 0 : i32
      %add3A_1825 = vector.broadcast %add3A_1824 : i32 to vector<16xi32>
      %add3A_1826 = arith.addi %mul3A_1816, %add3A_1825 : vector<16xi32>
      %gather3A_1827 = tpu.vector_load_idx %arg7[%add3A_1826] : memref<50000xf32, #tpu.memory_space<vmem>>[vector<16xi32>], vector<16xf32>,
      %add3A_1828 = arith.constant 0 : i32
      %add3A_1829 = vector.broadcast %add3A_1828 : i32 to vector<16xi32>
      %add3A_1830 = arith.addi %mul3A_1823, %add3A_1829 : vector<16xi32>
      tpu.vector_store_idx %arg10[%add3A_1830], %gather3A_1827 : memref<3200xf32, #tpu.memory_space<vmem>>[vector<16xi32>], vector<16xf32>,
      %add3A_1831 = arith.constant 1 : i32
      %add3A_1832 = vector.broadcast %add3A_1831 : i32 to vector<16xi32>
      %add3A_1833 = arith.addi %mul3A_1816, %add3A_1832 : vector<16xi32>
      %gather3A_1834 = tpu.vector_load_idx %arg7[%add3A_1833] : memref<50000xf32, #tpu.memory_space<vmem>>[vector<16xi32>], vector<16xf32>,
      %add3A_1835 = arith.constant 1 : i32
      %add3A_1836 = vector.broadcast %add3A_1835 : i32 to vector<16xi32>
      %add3A_1837 = arith.addi %mul3A_1823, %add3A_1836 : vector<16xi32>
      tpu.vector_store_idx %arg10[%add3A_1837], %gather3A_1834 : memref<3200xf32, #tpu.memory_space<vmem>>[vector<16xi32>], vector<16xf32>,
      %add3A_1838 = arith.constant 2 : i32
      %add3A_1839 = vector.broadcast %add3A_1838 : i32 to vector<16xi32>
      %add3A_1840 = arith.addi %mul3A_1816, %add3A_1839 : vector<16xi32>
      %gather3A_1841 = tpu.vector_load_idx %arg7[%add3A_1840] : memref<50000xf32, #tpu.memory_space<vmem>>[vector<16xi32>], vector<16xf32>,
      %add3A_1842 = arith.constant 2 : i32
      %add3A_1843 = vector.broadcast %add3A_1842 : i32 to vector<16xi32>
      %add3A_1844 = arith.addi %mul3A_1823, %add3A_1843 : vector<16xi32>
      tpu.vector_store_idx %arg10[%add3A_1844], %gather3A_1841 : memref<3200xf32, #tpu.memory_space<vmem>>[vector<16xi32>], vector<16xf32>,
      %add3A_1845 = arith.constant 3 : i32
      %add3A_1846 = vector.broadcast %add3A_1845 : i32 to vector<16xi32>
      %add3A_1847 = arith.addi %mul3A_1816, %add3A_1846 : vector<16xi32>
      %gather3A_1848 = tpu.vector_load_idx %arg7[%add3A_1847] : memref<50000xf32, #tpu.memory_space<vmem>>[vector<16xi32>], vector<16xf32>,
      %add3A_1849 = arith.constant 3 : i32
      %add3A_1850 = vector.broadcast %add3A_1849 : i32 to vector<16xi32>
      %add3A_1851 = arith.addi %mul3A_1823, %add3A_1850 : vector<16xi32>
      tpu.vector_store_idx %arg10[%add3A_1851], %gather3A_1848 : memref<3200xf32, #tpu.memory_space<vmem>>[vector<16xi32>], vector<16xf32>,
      %add3A_1852 = arith.constant 4 : i32
      %add3A_1853 = vector.broadcast %add3A_1852 : i32 to vector<16xi32>
      %add3A_1854 = arith.addi %mul3A_1816, %add3A_1853 : vector<16xi32>
      %gather3A_1855 = tpu.vector_load_idx %arg7[%add3A_1854] : memref<50000xf32, #tpu.memory_space<vmem>>[vector<16xi32>], vector<16xf32>,
      %add3A_1856 = arith.constant 4 : i32
      %add3A_1857 = vector.broadcast %add3A_1856 : i32 to vector<16xi32>
      %add3A_1858 = arith.addi %mul3A_1823, %add3A_1857 : vector<16xi32>
      tpu.vector_store_idx %arg10[%add3A_1858], %gather3A_1855 : memref<3200xf32, #tpu.memory_space<vmem>>[vector<16xi32>], vector<16xf32>,
      %dma_wait3A_1859 = arith.constant 0 : i32
      %dma_wait3A_1860 = arith.constant 0 : i32
      %dma_wait3A_1861 = tpu.memref_slice %arg9[%dma_wait3A_1859, %dma_wait3A_1860] : memref<400x128xf32, #tpu.memory_space<vmem>> -> memref<80x128xf32, #tpu.memory_space<vmem>>
      %dma_wait3A_1862 = tpu.memref_slice %arg8[%mul3A_428] : memref<10000xi32, #tpu.memory_space<vmem>> -> memref<80xi32, #tpu.memory_space<vmem>>
      %dma_wait3A_1863 = arith.constant 0 : i32
      %dma_wait3A_1864 = arith.constant 0 : i32
      %dma_wait3A_1865 = tpu.memref_slice %arg2[%dma_wait3A_1863, %dma_wait3A_1864] : memref<10000x128xf32, #tpu.memory_space<hbm>> -> memref<10000x128xf32, #tpu.memory_space<hbm>>
      tpu.wait_indirect_dma semaphore(%arg11 : memref<!tpu.dma_semaphore, #tpu.memory_space<semaphore_mem>>) src(%dma_wait3A_1865 : memref<10000x128xf32, #tpu.memory_space<hbm>>) dst(%dma_wait3A_1861 : memref<80x128xf32, #tpu.memory_space<vmem>>)
      %dma_wait3A_1866 = arith.constant 80 : i32
      %dma_wait3A_1867 = arith.constant 0 : i32
      %dma_wait3A_1868 = tpu.memref_slice %arg9[%dma_wait3A_1866, %dma_wait3A_1867] : memref<400x128xf32, #tpu.memory_space<vmem>> -> memref<80x128xf32, #tpu.memory_space<vmem>>
      %dma_wait3A_1869 = tpu.memref_slice %arg8[%mul3A_440] : memref<10000xi32, #tpu.memory_space<vmem>> -> memref<80xi32, #tpu.memory_space<vmem>>
      %dma_wait3A_1870 = arith.constant 0 : i32
      %dma_wait3A_1871 = arith.constant 0 : i32
      %dma_wait3A_1872 = tpu.memref_slice %arg2[%dma_wait3A_1870, %dma_wait3A_1871] : memref<10000x128xf32, #tpu.memory_space<hbm>> -> memref<10000x128xf32, #tpu.memory_space<hbm>>
      tpu.wait_indirect_dma semaphore(%arg11 : memref<!tpu.dma_semaphore, #tpu.memory_space<semaphore_mem>>) src(%dma_wait3A_1872 : memref<10000x128xf32, #tpu.memory_space<hbm>>) dst(%dma_wait3A_1868 : memref<80x128xf32, #tpu.memory_space<vmem>>)
      %dma_wait3A_1873 = arith.constant 160 : i32
      %dma_wait3A_1874 = arith.constant 0 : i32
      %dma_wait3A_1875 = tpu.memref_slice %arg9[%dma_wait3A_1873, %dma_wait3A_1874] : memref<400x128xf32, #tpu.memory_space<vmem>> -> memref<80x128xf32, #tpu.memory_space<vmem>>
      %dma_wait3A_1876 = tpu.memref_slice %arg8[%mul3A_453] : memref<10000xi32, #tpu.memory_space<vmem>> -> memref<80xi32, #tpu.memory_space<vmem>>
      %dma_wait3A_1877 = arith.constant 0 : i32
      %dma_wait3A_1878 = arith.constant 0 : i32
      %dma_wait3A_1879 = tpu.memref_slice %arg2[%dma_wait3A_1877, %dma_wait3A_1878] : memref<10000x128xf32, #tpu.memory_space<hbm>> -> memref<10000x128xf32, #tpu.memory_space<hbm>>
      tpu.wait_indirect_dma semaphore(%arg11 : memref<!tpu.dma_semaphore, #tpu.memory_space<semaphore_mem>>) src(%dma_wait3A_1879 : memref<10000x128xf32, #tpu.memory_space<hbm>>) dst(%dma_wait3A_1875 : memref<80x128xf32, #tpu.memory_space<vmem>>)
      %dma_wait3A_1880 = arith.constant 240 : i32
      %dma_wait3A_1881 = arith.constant 0 : i32
      %dma_wait3A_1882 = tpu.memref_slice %arg9[%dma_wait3A_1880, %dma_wait3A_1881] : memref<400x128xf32, #tpu.memory_space<vmem>> -> memref<80x128xf32, #tpu.memory_space<vmem>>
      %dma_wait3A_1883 = tpu.memref_slice %arg8[%mul3A_466] : memref<10000xi32, #tpu.memory_space<vmem>> -> memref<80xi32, #tpu.memory_space<vmem>>
      %dma_wait3A_1884 = arith.constant 0 : i32
      %dma_wait3A_1885 = arith.constant 0 : i32
      %dma_wait3A_1886 = tpu.memref_slice %arg2[%dma_wait3A_1884, %dma_wait3A_1885] : memref<10000x128xf32, #tpu.memory_space<hbm>> -> memref<10000x128xf32, #tpu.memory_space<hbm>>
      tpu.wait_indirect_dma semaphore(%arg11 : memref<!tpu.dma_semaphore, #tpu.memory_space<semaphore_mem>>) src(%dma_wait3A_1886 : memref<10000x128xf32, #tpu.memory_space<hbm>>) dst(%dma_wait3A_1882 : memref<80x128xf32, #tpu.memory_space<vmem>>)
      %dma_wait3A_1887 = arith.constant 320 : i32
      %dma_wait3A_1888 = arith.constant 0 : i32
      %dma_wait3A_1889 = tpu.memref_slice %arg9[%dma_wait3A_1887, %dma_wait3A_1888] : memref<400x128xf32, #tpu.memory_space<vmem>> -> memref<80x128xf32, #tpu.memory_space<vmem>>
      %dma_wait3A_1890 = tpu.memref_slice %arg8[%mul3A_479] : memref<10000xi32, #tpu.memory_space<vmem>> -> memref<80xi32, #tpu.memory_space<vmem>>
      %dma_wait3A_1891 = arith.constant 0 : i32
      %dma_wait3A_1892 = arith.constant 0 : i32
      %dma_wait3A_1893 = tpu.memref_slice %arg2[%dma_wait3A_1891, %dma_wait3A_1892] : memref<10000x128xf32, #tpu.memory_space<hbm>> -> memref<10000x128xf32, #tpu.memory_space<hbm>>
      tpu.wait_indirect_dma semaphore(%arg11 : memref<!tpu.dma_semaphore, #tpu.memory_space<semaphore_mem>>) src(%dma_wait3A_1893 : memref<10000x128xf32, #tpu.memory_space<hbm>>) dst(%dma_wait3A_1889 : memref<80x128xf32, #tpu.memory_space<vmem>>)
      %dma_start3A_1894 = arith.constant 0 : i32
      %dma_start3A_1895 = tpu.memref_slice %arg5[%add3A_420, %dma_start3A_1894] : memref<320000x128xf32, #tpu.memory_space<hbm>> -> memref<400x128xf32, #tpu.memory_space<hbm>>
      %dma_start3A_1896 = arith.constant 0 : i32
      %dma_start3A_1897 = tpu.memref_slice %arg5[%add3A_420, %dma_start3A_1896] : memref<320000x128xf32, #tpu.memory_space<hbm>> -> memref<400x128xf32, #tpu.memory_space<hbm>>
      tpu.enqueue_dma source(%arg9 : memref<400x128xf32, #tpu.memory_space<vmem>>) target(%dma_start3A_1897 : memref<400x128xf32, #tpu.memory_space<hbm>>) target_semaphore(%arg12 : memref<!tpu.dma_semaphore, #tpu.memory_space<semaphore_mem>>)
      %mul3A_1898 = arith.constant 8 : i32
      %mul3A_1899 = arith.muli %add3A_420, %mul3A_1898 : i32
      %dma_start3A_1900 = tpu.memref_slice %arg6[%mul3A_1899] : memref<2560000xf32, #tpu.memory_space<hbm>> -> memref<3200xf32, #tpu.memory_space<hbm>>
      %dma_start3A_1901 = tpu.memref_slice %arg6[%mul3A_1899] : memref<2560000xf32, #tpu.memory_space<hbm>> -> memref<3200xf32, #tpu.memory_space<hbm>>
      tpu.enqueue_dma source(%arg10 : memref<3200xf32, #tpu.memory_space<vmem>>) target(%dma_start3A_1901 : memref<3200xf32, #tpu.memory_space<hbm>>) target_semaphore(%arg12 : memref<!tpu.dma_semaphore, #tpu.memory_space<semaphore_mem>>)
    }
    %scan3A_407 = arith.constant 25 : i32
    %dma_wait3A = arith.constant 0 : i32
    %dma_wait3A_408 = arith.constant 0 : i32
    %dma_wait3A_409 = tpu.memref_slice %arg5[%dma_wait3A, %dma_wait3A_408] : memref<320000x128xf32, #tpu.memory_space<hbm>> -> memref<400x128xf32, #tpu.memory_space<hbm>>
    %dma_wait3A_410 = arith.constant 0 : i32
    %dma_wait3A_411 = arith.constant 0 : i32
    %dma_wait3A_412 = tpu.memref_slice %arg5[%dma_wait3A_410, %dma_wait3A_411] : memref<320000x128xf32, #tpu.memory_space<hbm>> -> memref<400x128xf32, #tpu.memory_space<hbm>>
    tpu.wait_dma2 semaphore(%arg12 : memref<!tpu.dma_semaphore, #tpu.memory_space<semaphore_mem>>) src(%arg9 : memref<400x128xf32, #tpu.memory_space<vmem>>) dst(%dma_wait3A_412 : memref<400x128xf32, #tpu.memory_space<hbm>>)
    %dma_wait3A_413 = arith.constant 0 : i32
    %dma_wait3A_414 = tpu.memref_slice %arg6[%dma_wait3A_413] : memref<2560000xf32, #tpu.memory_space<hbm>> -> memref<3200xf32, #tpu.memory_space<hbm>>
    %dma_wait3A_415 = arith.constant 0 : i32
    %dma_wait3A_416 = tpu.memref_slice %arg6[%dma_wait3A_415] : memref<2560000xf32, #tpu.memory_space<hbm>> -> memref<3200xf32, #tpu.memory_space<hbm>>
    tpu.wait_dma2 semaphore(%arg12 : memref<!tpu.dma_semaphore, #tpu.memory_space<semaphore_mem>>) src(%arg10 : memref<3200xf32, #tpu.memory_space<vmem>>) dst(%dma_wait3A_416 : memref<3200xf32, #tpu.memory_space<hbm>>)
    return
  }
}

module attributes {stable_mosaic.version = 14 : i64} {
  func.func @_tc_body(%arg0: i32, %arg1: memref<6400x128xf32, #tpu.memory_space<vmem>>, %arg2: memref<6400x8xf32, #tpu.memory_space<vmem>>, %arg3: memref<200x8xf32, #tpu.memory_space<vmem>>, %arg4: memref<8x16xf32, #tpu.memory_space<vmem>>, %arg5: memref<2048x128xf32, #tpu.memory_space<vmem>>, %arg6: memref<200x128xf32, #tpu.memory_space<vmem>>) attributes {dimension_semantics = [#tpu.dimension_semantics<arbitrary>], iteration_bounds = array<i64: 50>, scalar_prefetch = 0 : i64, scratch_operands = 0 : i64, tpu.core_type = #tpu.core_type<tc>, window_params = [{transform_indices = @transform_0, window_bounds = array<i64: 6400, 128>}, {transform_indices = @transform_1, window_bounds = array<i64: 6400, 8>}, {transform_indices = @transform_2, window_bounds = array<i64: 200, 8>}, {pipeline_mode = #tpu.pipeline_mode<synchronous>, transform_indices = @transform_3, window_bounds = array<i64: 8, 16>}, {pipeline_mode = #tpu.pipeline_mode<synchronous>, transform_indices = @transform_4, window_bounds = array<i64: 2048, 128>}, {transform_indices = @transform_5, window_bounds = array<i64: 200, 128>}]} {
    %get3A = arith.constant 0 : index
    %get3A_0 = arith.constant 0 : index
    %get3A_1 = vector.load %arg1[%get3A, %get3A_0] : memref<6400x128xf32, #tpu.memory_space<vmem>>, vector<6400x128xf32>
    %reshape3A = vector.shape_cast %get3A_1 : vector<6400x128xf32> to vector<200x32x128xf32>
    %get3A_2 = arith.constant 0 : index
    %get3A_3 = arith.constant 0 : index
    %get3A_4 = vector.load %arg3[%get3A_2, %get3A_3] : memref<200x8xf32, #tpu.memory_space<vmem>>, vector<200x8xf32>
    %get3A_5 = arith.constant 0 : index
    %get3A_6 = arith.constant 0 : index
    %get3A_7 = vector.load %arg2[%get3A_5, %get3A_6] : memref<6400x8xf32, #tpu.memory_space<vmem>>, vector<6400x8xf32>
    %reshape3A_8 = vector.shape_cast %get3A_7 : vector<6400x8xf32> to vector<200x32x8xf32>
    %broadcast_in_dim3A = vector.shape_cast %get3A_4 : vector<200x8xf32> to vector<200x1x8xf32>
    %sub3A = vector.broadcast %broadcast_in_dim3A : vector<200x1x8xf32> to vector<200x32x8xf32>
    %sub3A_9 = arith.subf %reshape3A_8, %sub3A : vector<200x32x8xf32>
    %slice3A = vector.extract_strided_slice %sub3A_9 {offsets = [0, 0, 0], sizes = [200, 32, 4], strides = [1, 1, 1]} : vector<200x32x8xf32> to vector<200x32x4xf32>
    %mul3A = arith.mulf %slice3A, %slice3A : vector<200x32x4xf32>
    %reduce_sum3A = arith.constant dense<0.000000e+00> : vector<200x32xf32>
    %reduce_sum3A_10 = vector.multi_reduction <add>, %mul3A, %reduce_sum3A [2] : vector<200x32x4xf32> to vector<200x32xf32>
    %broadcast_in_dim3A_11 = vector.shape_cast %reduce_sum3A_10 : vector<200x32xf32> to vector<200x32x1xf32>
    %convert_element_type3A = arith.truncf %sub3A_9 : vector<200x32x8xf32> to vector<200x32x8xbf16>
    %convert_element_type3A_12 = arith.extf %convert_element_type3A : vector<200x32x8xbf16> to vector<200x32x8xf32>
    %sub3A_13 = arith.subf %sub3A_9, %convert_element_type3A_12 : vector<200x32x8xf32>
    %convert_element_type3A_14 = arith.truncf %sub3A_13 : vector<200x32x8xf32> to vector<200x32x8xbf16>
    %get3A_15 = arith.constant 0 : index
    %get3A_16 = arith.constant 0 : index
    %get3A_17 = vector.load %arg4[%get3A_15, %get3A_16] : memref<8x16xf32, #tpu.memory_space<vmem>>, vector<8x16xf32>
    %convert_element_type3A_18 = arith.truncf %get3A_17 : vector<8x16xf32> to vector<8x16xbf16>
    %get3A_19 = arith.constant 0 : index
    %get3A_20 = arith.constant 0 : index
    %get3A_21 = vector.load %arg4[%get3A_19, %get3A_20] : memref<8x16xf32, #tpu.memory_space<vmem>>, vector<8x16xf32>
    %convert_element_type3A_22 = arith.extf %convert_element_type3A_18 : vector<8x16xbf16> to vector<8x16xf32>
    %sub3A_23 = arith.subf %get3A_21, %convert_element_type3A_22 : vector<8x16xf32>
    %convert_element_type3A_24 = arith.truncf %sub3A_23 : vector<8x16xf32> to vector<8x16xbf16>
    %dot_general3A = arith.constant dense<0.000000e+00> : vector<200x32x16xf32>
    %dot_general3A_25 = tpu.matmul %convert_element_type3A, %convert_element_type3A_18, %dot_general3A {dimension_numbers = #tpu.dot_dimension_numbers<[2], [0], [0, 1], [1], [0, 0, 0, 1, 1, 1], [], []>, transpose_lhs_hint = false} : vector<200x32x8xbf16>, vector<8x16xbf16>, vector<200x32x16xf32> -> vector<200x32x16xf32>
    %dot_general3A_26 = arith.constant dense<0.000000e+00> : vector<200x32x16xf32>
    %dot_general3A_27 = tpu.matmul %convert_element_type3A, %convert_element_type3A_24, %dot_general3A_26 {dimension_numbers = #tpu.dot_dimension_numbers<[2], [0], [0, 1], [1], [0, 0, 0, 1, 1, 1], [], []>, transpose_lhs_hint = false} : vector<200x32x8xbf16>, vector<8x16xbf16>, vector<200x32x16xf32> -> vector<200x32x16xf32>
    %add3A = arith.addf %dot_general3A_25, %dot_general3A_27 : vector<200x32x16xf32>
    %dot_general3A_28 = arith.constant dense<0.000000e+00> : vector<200x32x16xf32>
    %dot_general3A_29 = tpu.matmul %convert_element_type3A_14, %convert_element_type3A_18, %dot_general3A_28 {dimension_numbers = #tpu.dot_dimension_numbers<[2], [0], [0, 1], [1], [0, 0, 0, 1, 1, 1], [], []>, transpose_lhs_hint = false} : vector<200x32x8xbf16>, vector<8x16xbf16>, vector<200x32x16xf32> -> vector<200x32x16xf32>
    %add3A_30 = arith.addf %add3A, %dot_general3A_29 : vector<200x32x16xf32>
    %dot_general3A_31 = arith.constant dense<0.000000e+00> : vector<200x32x16xf32>
    %dot_general3A_32 = tpu.matmul %convert_element_type3A_14, %convert_element_type3A_24, %dot_general3A_31 {dimension_numbers = #tpu.dot_dimension_numbers<[2], [0], [0, 1], [1], [0, 0, 0, 1, 1, 1], [], []>, transpose_lhs_hint = false} : vector<200x32x8xbf16>, vector<8x16xbf16>, vector<200x32x16xf32> -> vector<200x32x16xf32>
    %add3A_33 = arith.addf %add3A_30, %dot_general3A_32 : vector<200x32x16xf32>
    %add3A_34 = vector.broadcast %broadcast_in_dim3A_11 : vector<200x32x1xf32> to vector<200x32x16xf32>
    %add3A_35 = arith.addf %add3A_34, %add3A_33 : vector<200x32x16xf32>
    %max3A = arith.constant 0.000000e+00 : f32
    %max3A_36 = vector.broadcast %max3A : f32 to vector<200x32x16xf32>
    %max3A_37 = arith.maximumf %add3A_35, %max3A_36 : vector<200x32x16xf32>
    %sqrt3A = math.sqrt %max3A_37 : vector<200x32x16xf32>
    %mul3A_38 = arith.constant 5.000000e-01 : f32
    %mul3A_39 = vector.broadcast %mul3A_38 : f32 to vector<200x32x16xf32>
    %mul3A_40 = arith.mulf %sqrt3A, %mul3A_39 : vector<200x32x16xf32>
    %sub3A_41 = arith.constant 1.000000e+00 : f32
    %sub3A_42 = vector.broadcast %sub3A_41 : f32 to vector<200x32x16xf32>
    %sub3A_43 = arith.subf %sub3A_42, %mul3A_40 : vector<200x32x16xf32>
    %max3A_44 = arith.constant 0.000000e+00 : f32
    %max3A_45 = vector.broadcast %max3A_44 : f32 to vector<200x32x16xf32>
    %max3A_46 = arith.maximumf %sub3A_43, %max3A_45 : vector<200x32x16xf32>
    %dot_general3A_47 = arith.constant dense<0.000000e+00> : vector<200x16x128xf32>
    %dot_general3A_48 = tpu.matmul %max3A_46, %reshape3A, %dot_general3A_47 {dimension_numbers = #tpu.dot_dimension_numbers<[1], [1], [2], [2], [0, 0, 0, 2, 1, 2], [0], [0]>, transpose_lhs_hint = false} : vector<200x32x16xf32>, vector<200x32x128xf32>, vector<200x16x128xf32> -> vector<200x16x128xf32>
    %slice3A_49 = vector.extract_strided_slice %reshape3A_8 {offsets = [0, 0, 4], sizes = [200, 32, 1], strides = [1, 1, 1]} : vector<200x32x8xf32> to vector<200x32x1xf32>
    %squeeze3A = vector.shape_cast %slice3A_49 : vector<200x32x1xf32> to vector<200x32xf32>
    %reduce_sum3A_50 = arith.constant dense<0.000000e+00> : vector<200xf32>
    %reduce_sum3A_51 = vector.multi_reduction <add>, %squeeze3A, %reduce_sum3A_50 [1] : vector<200x32xf32> to vector<200xf32>
    %broadcast_in_dim3A_52 = vector.shape_cast %reduce_sum3A_51 : vector<200xf32> to vector<200x1xf32>
    %max3A_53 = arith.constant 1.000000e+00 : f32
    %max3A_54 = vector.broadcast %max3A_53 : f32 to vector<200x1xf32>
    %max3A_55 = arith.maximumf %broadcast_in_dim3A_52, %max3A_54 : vector<200x1xf32>
    %reshape3A_56 = vector.shape_cast %dot_general3A_48 : vector<200x16x128xf32> to vector<200x2048xf32>
    %get3A_57 = arith.constant 0 : index
    %get3A_58 = arith.constant 0 : index
    %get3A_59 = vector.load %arg5[%get3A_57, %get3A_58] : memref<2048x128xf32, #tpu.memory_space<vmem>>, vector<2048x128xf32>
    %dot_general3A_60 = arith.constant dense<0.000000e+00> : vector<200x128xf32>
    %dot_general3A_61 = tpu.matmul %reshape3A_56, %get3A_59, %dot_general3A_60 {dimension_numbers = #tpu.dot_dimension_numbers<[1], [0], [0], [1], [0, 0, 1, 1], [], []>, transpose_lhs_hint = false} : vector<200x2048xf32>, vector<2048x128xf32>, vector<200x128xf32> -> vector<200x128xf32>
    %div3A = vector.broadcast %max3A_55 : vector<200x1xf32> to vector<200x128xf32>
    %div3A_62 = arith.divf %dot_general3A_61, %div3A : vector<200x128xf32>
    %swap3A = arith.constant 0 : index
    %swap3A_63 = arith.constant 0 : index
    %swap3A_64 = vector.load %arg6[%swap3A, %swap3A_63] : memref<200x128xf32, #tpu.memory_space<vmem>>, vector<200x128xf32>
    tpu.vector_store %arg6[%swap3A, %swap3A_63], %div3A_62 {strides = array<i32>} : memref<200x128xf32, #tpu.memory_space<vmem>>, vector<200x128xf32>,
    return
  }
  func.func @transform_0(%arg0: i32) -> (i32, i32) {
    %c0_i32 = arith.constant 0 : i32
    %c0_i32_0 = arith.constant 0 : i32
    return %arg0, %c0_i32 : i32, i32
  }
  func.func @transform_1(%arg0: i32) -> (i32, i32) {
    %c0_i32 = arith.constant 0 : i32
    %c0_i32_0 = arith.constant 0 : i32
    return %arg0, %c0_i32 : i32, i32
  }
  func.func @transform_2(%arg0: i32) -> (i32, i32) {
    %c0_i32 = arith.constant 0 : i32
    %c0_i32_0 = arith.constant 0 : i32
    return %arg0, %c0_i32 : i32, i32
  }
  func.func @transform_3(%arg0: i32) -> (i32, i32) {
    %c0_i32 = arith.constant 0 : i32
    %c0_i32_0 = arith.constant 0 : i32
    %c0_i32_1 = arith.constant 0 : i32
    return %c0_i32, %c0_i32_0 : i32, i32
  }
  func.func @transform_4(%arg0: i32) -> (i32, i32) {
    %c0_i32 = arith.constant 0 : i32
    %c0_i32_0 = arith.constant 0 : i32
    %c0_i32_1 = arith.constant 0 : i32
    return %c0_i32, %c0_i32_0 : i32, i32
  }
  func.func @transform_5(%arg0: i32) -> (i32, i32) {
    %c0_i32 = arith.constant 0 : i32
    %c0_i32_0 = arith.constant 0 : i32
    return %arg0, %c0_i32 : i32, i32
  }
}

</mosaic_0001>

<sc_bundles>
// kernel: _run.4.cloned.1.call-start
scs
__scs_entry_jumppad:
0x0: {  	(pc) =	sbr.rel $0x88, $3  }
0x1: {  	(tag) =	ssettag $0x0;
	lr =	simm.s32 $0x1  }
0x2: {  	[smem:$0x3F9B] =	sst lr;
	_ =	strace $0xD0000000  }
0x3: {  	_ = 	snop  }
0x4: {  	_ = 	snop  }
0x5: {  	_ = 	snop  }
0x6: {  	_ = 	snop  }
0x7: {  	_ = 	snop  }
__scs_overlays_trampoline_lowered:
0x8: {  	[smem:$0x3FAA] =	sst s0  }
0x9: {  	[smem:$0x3FAB] =	sst s1  }
0xa: {  	[smem:$0x3FAC] =	sst s2  }
0xb: {  	[smem:$0x3FAD] =	sst s3  }
0xc: {  	[smem:$0x3FAE] =	sst s4  }
0xd: {  	[smem:$0x3FAF] =	sst s5  }
0xe: {  	[smem:$0x3FB0] =	sst s6  }
0xf: {  	[smem:$0x3FB1] =	sst s7  }
0x10: {  	[smem:$0x3FB2] =	sst s8  }
0x11: {  	[smem:$0x3FB3] =	sst s9;
	s0 =	simm.s32 @!p0 $0x0  }
0x12: {  	s1 =	sld [smem:$0x3F99];
	s0 =	simm.s32 @p0 $0x1  }
0x13: {  	[smem:$0x3FB4] =	sst s0;
	s0 =	simm.s32 @!p1 $0x0  }
0x14: {  	s2 =	sld [smem:$0x3F98];
	s0 =	simm.s32 @p1 $0x1  }
0x15: {  	[smem:$0x3FB5] =	sst s0;
	s0 =	simm.s32 @!p2 $0x0  }
0x16: {  	s3 =	sld [smem:$0x3FDB];
	s0 =	simm.s32 @p2 $0x1  }
0x17: {  	s4 =	simm.s32 $0x1BF5;
	[smem:$0x3FB7] =	sst s0  }
0x18: {  	s0 =	sld [smem:$0x3F9A];
	_ =	swait.ge [sflag:s4], $0x0  }
0x19: {  	s7 =	sld [smem:$0x3F9B]  }
0x1a: {  	s8 =	sadd.s32 $0xFFFFE003, lr  }
0x1b: {  	s9 =	sadd.s32 $0xFFFFFEF7, lr;
	s5 =	simm.s32 $0xFFFFFFFF;
	p2 =	slt.u32 s8, $0xFFFFF086  }
0x1c: {  	p1 =	slt.u32 s9, $0xF7A;
	s5 =	simm.s32 @!p2 $0x0  }
0x1d: {  	s5 =	simm.s32 @p1 $0x1;
	p0 =	seq.s32 s7, s2  }
0x1e: {  	s7 =	smul.u32 @!p0 $0xF7A, s2;
	p2 =	seq.s32 @!p0 s5, $0x0  }
0x1f: {  	s9 =	smul.u32 $0xF7A, s1;
	s8 =	simm.s32 @!p0 $0x1BF5;
	p2 =	por !p2, p0  }
0x20: {  	[sflag:s8] =	ssyncset.s32 @!p0 $0xFFFFF086;
	s6 =	sadd.s32 @!p0 s3, s7;
	s7 =	simm.s32 @!p0 $0x108  }
0x21: {  	s3 =	sadd.s32 s3, s9;
	s6 =	sadd.s32 @!p0 $0x88, s6;
	s7 =	simm.s32 @p2 $0x1082  }
0x22: {  	[simem:s7], [sflag:s8] =	dma.local @!p0 [hbm:s6], $0xF7A  }
0x23: {  	s9 =	sor.u32 $0xD0000000, s2;
	s6 =	simm.s32 $0x108;
	_ =	swait.ge @!p0 [sflag:s8], $0x0  }
0x24: {  	s3 =	sadd.s32 $0x88, s3;
	s6 =	simm.s32 @!p1 $0x1082;
	[sflag:s4] =	ssyncset.s32 $0xFFFFF086  }
0x25: {  	[simem:s6], [sflag:s4] =	dma.local [hbm:s3], $0xF7A  }
0x26: {  	[smem:$0x3F9B] =	sst s1;
	(tag) =	ssettag s2;
	_ =	strace s9  }
0x27: {  	s1 =	sld [smem:$0x3FAB]  }
0x28: {  	s2 =	sld [smem:$0x3FAC]  }
0x29: {  	s4 =	sld [smem:$0x3FAE]  }
0x2a: {  	p0 =	seq.s32 s5, $0x0;
	s5 =	sld [smem:$0x3FAF]  }
0x2b: {  	s6 =	sld [smem:$0x3FB0]  }
0x2c: {  	s7 =	sld [smem:$0x3FB1]  }
0x2d: {  	s3 =	simm.s32 $0x108;
	s8 =	sld [smem:$0x3FB2]  }
0x2e: {  	s3 =	simm.s32 @!p0 $0x1082;
	s9 =	sld [smem:$0x3FB3]  }
0x2f: {  	lr =	sadd.s32 s0, s3;
	s0 =	sld [smem:$0x3FAA]  }
0x30: {  	s3 =	sld [smem:$0x3FAD]  }
0x31: {  	[smem:$0x3FB6] =	sst s10  }
0x32: {  	s10 =	sld [smem:$0x3FB4];
	_ =	sdelay $0x3  }
0x33: {  	p0 =	seq.s32 s10, $0x1;
	s10 =	sld [smem:$0x3FB6];
	_ =	sdelay $0x3  }
0x34: {  	[smem:$0x3FB6] =	sst s10  }
0x35: {  	s10 =	sld [smem:$0x3FB5];
	_ =	sdelay $0x3  }
0x36: {  	p1 =	seq.s32 s10, $0x1;
	s10 =	sld [smem:$0x3FB6];
	_ =	sdelay $0x3  }
0x37: {  	[smem:$0x3FB6] =	sst s10  }
0x38: {  	s10 =	sld [smem:$0x3FB7]  }
0x39: {  	_ = 	snop;
	(pc) =	sbr.ind lr, $3  }
0x3a: {  	_ = 	snop  }
0x3b: {  	_ = 	snop  }
0x3c: {  	p2 =	seq.s32 s10, $0x1;
	s10 =	sld [smem:$0x3FB6]  }
0x3d: {  	_ =	shalt  }
0x3e: {  	_ =	shalt  }
0x3f: {  	_ =	shalt  }
0x40: {  	_ =	shalt  }
0x41: {  	_ =	shalt  }
0x42: {  	_ =	shalt  }
0x43: {  	_ =	shalt  }
0x44: {  	_ =	shalt  }
0x45: {  	_ =	shalt  }
0x46: {  	_ =	shalt  }
0x47: {  	_ =	shalt  }
0x48: {  	_ =	shalt  }
0x49: {  	_ =	shalt  }
0x4a: {  	_ =	shalt  }
0x4b: {  	_ =	shalt  }
0x4c: {  	_ =	shalt  }
0x4d: {  	_ =	shalt  }
0x4e: {  	_ =	shalt  }
0x4f: {  	_ =	shalt  }
0x50: {  	_ =	shalt  }
0x51: {  	_ =	shalt  }
0x52: {  	_ =	shalt  }
0x53: {  	_ =	shalt  }
0x54: {  	_ =	shalt  }
0x55: {  	_ =	shalt  }
0x56: {  	_ =	shalt  }
0x57: {  	_ =	shalt  }
0x58: {  	_ =	shalt  }
0x59: {  	_ =	shalt  }
0x5a: {  	_ =	shalt  }
0x5b: {  	_ =	shalt  }
0x5c: {  	_ =	shalt  }
0x5d: {  	_ =	shalt  }
0x5e: {  	_ =	shalt  }
0x5f: {  	_ =	shalt  }
0x60: {  	_ =	shalt  }
0x61: {  	_ =	shalt  }
0x62: {  	_ =	shalt  }
0x63: {  	_ =	shalt  }
0x64: {  	_ =	shalt  }
0x65: {  	_ =	shalt  }
0x66: {  	_ =	shalt  }
0x67: {  	_ =	shalt  }
0x68: {  	_ =	shalt  }
0x69: {  	_ =	shalt  }
0x6a: {  	_ =	shalt  }
0x6b: {  	_ =	shalt  }
0x6c: {  	_ =	shalt  }
0x6d: {  	_ =	shalt  }
0x6e: {  	_ =	shalt  }
0x6f: {  	_ =	shalt  }
0x70: {  	_ =	shalt  }
0x71: {  	_ =	shalt  }
0x72: {  	_ =	shalt  }
0x73: {  	_ =	shalt  }
0x74: {  	_ =	shalt  }
0x75: {  	_ =	shalt  }
0x76: {  	_ =	shalt  }
0x77: {  	_ =	shalt  }
0x78: {  	_ =	shalt  }
0x79: {  	_ =	shalt  }
0x7a: {  	_ =	shalt  }
0x7b: {  	_ =	shalt  }
0x7c: {  	_ =	shalt  }
0x7d: {  	_ =	shalt  }
0x7e: {  	_ =	shalt  }
0x7f: {  	_ =	shalt  }
0x80: {  	_ =	shalt  }
0x81: {  	_ =	shalt  }
0x82: {  	_ =	shalt  }
0x83: {  	_ =	shalt  }
0x84: {  	_ =	shalt  }
0x85: {  	_ =	shalt  }
0x86: {  	_ =	shalt  }
0x87: {  	_ =	shalt  }
.Lfunc_end0:
.L_simem_size_0:
called_computation_lowered:
.L_overlay_start_0:
0x88: {  	s2 =	sld [smem:$0x3FD9]  }
0x89: {  	s3 =	sld [smem:$0x3FFE];
	_ =	sdelay $0x1  }
0x8a: {  	s1 =	srdreg.scid  }
0x8b: {  	s0 =	sand.u32 $0x1, s1  }
0x8c: {  	s17 =	sshll.u32 s0, $0xA;
	s2 =	sadd.s32 s3, s2  }
0x8d: {  	s2 =	sadd.s32 s2, s17  }
0x8e: {  	[smem:$0x3FC2] =	sst s2  }
0x8f: {  	_ = 	snop  }
0x90: {  	s2 =	sld [smem:$0x3FC9]  }
0x91: {  	s18 =	sld [smem:$0x3FC8]  }
0x92: {  	s4 =	sld [smem:$0x3FC6];
	(tm) =	ssettm $0x1  }
0x93: {  	s5 =	sld [smem:$0x3FFB];
	_ =	sdelay $0x3  }
0x94: {  	_ =	strace s5  }
0x95: {  	s5 =	sld [smem:$0x3FFC];
	_ =	sdelay $0x3  }
0x96: {  	_ =	strace s5  }
0x97: {  	s5 =	sld [smem:$0x3FFD];
	_ =	sdelay $0x3  }
0x98: {  	_ =	strace s5  }
0x99: {  	_ =	strace $0x8FFFFFFF  }
0x9a: {  	s19 =	sld [smem:$0x3FDB];
	_ =	sdelay $0x1  }
0x9b: {  	s6 =	simm.s32 $_scs_section_size  }
0x9c: {  	s7 =	simm.s32 $_size__tile_overlayer_lowered;
	s8 =	simm.s32 $_tile_overlayer_lowered  }
0x9d: {  	s22 =	simm.s32 $0x1BFF;
	s21 =	sshll.u32 s8, $0x1;
	s5 =	sadd.s32 s6, s19  }
0x9e: {  	s9 =	simm.s32 $0x0;
	s20 =	sshll.u32 s7, $0x1;
	s7 =	sadd.s32 s21, s5  }
0x9f: {  	[timem:s9], [sflag:s22] =	dma.local [hbm:s7], s20  }
0xa0: {  	_ =	swait.ge [sflag:s22], s20  }
0xa1: {  	s6 =	ssub.s32 $0x0, s20;
	[sflag:s22] =	ssyncset.done $0x0  }
0xa2: {  	[sflag:s22] =	ssyncadd.s32 s6;
	_ =	sdelay $0x1  }
0xa3: {  	s23 =	simm.s32 $0x1B8B  }
0xa4: {  	_ =	swait.ge [sflag:s23], $0x1  }
0xa5: {  	[sflag:s23] =	ssyncset.done $0x0  }
0xa6: {  	s25 =	simm.s32 $0x1B8E;
	s24 =	sld [smem:$0x3FFE];
	[sflag:s23] =	ssyncadd.s32 $0xFFFFFFFF  }
0xa7: {  	s26 =	simm.s32 $execute0_lowered;
	[smem:$0x3FD2] =	sst s25  }
0xa8: {  	s7 =	sshll.u32 s26, $0x1;
	_ =	strace $0x80000046;
	[dreg:$0x1] =	wrdreg $0xFFFFFFFF  }
0xa9: {  	s28 =	simm.s32 $_size_execute0_lowered;
	s5 =	sadd.s32 s5, s7;
	[dreg:$0x0] =	wrdreg $0x0  }
0xaa: {  	s7 =	sshll.u32 s28, $0x1;
	[dreg:$0x2] =	wrdreg s5  }
0xab: {  	[dreg:$0x3] =	wrdreg s7  }
0xac: {  	[dreg:$0x4] =	wrdreg $0xC0  }
0xad: {  	_ =	task [dreg:s9], $0x5FFFF  }
0xae: {  	[dreg:$0x1] =	wrdreg $0xFFFFFFFF  }
0xaf: {  	[dreg:$0x0] =	wrdreg $0x60  }
0xb0: {  	[dreg:$0x2] =	wrdreg s2  }
0xb1: {  	[dreg:$0x3] =	wrdreg s18  }
0xb2: {  	[dreg:$0x4] =	wrdreg s4  }
0xb3: {  	[dreg:$0x5] =	wrdreg s24  }
0xb4: {  	[dreg:$0x6] =	wrdreg $0x9  }
0xb5: {  	_ =	task.clear_ibuf [dreg:s9], $0x7FFFF;
	_ =	strace $0x90000046  }
0xb6: {  	s29 =	simm.s32 $0x9;
	_ =	strace $0x80000048  }
0xb7: {  	_ =	swait.ge [sflag:s29], $0x1  }
0xb8: {  	[sflag:s29] =	ssyncadd.s32 $0xFFFFFFFF  }
0xb9: {  	_ =	strace $0x90000048  }
0xba: {  	_ =	sfence  }
0xbb: {  	s30 =	sld [smem:$0x0];
	_ =	sdelay $0x2  }
0xbc: {  	s31 =	sshll.u32 s1, $0xD;
	s1 =	sshrl.u32 s1, $0x2  }
0xbd: {  	s3 =	sand.u32 $0x4000, s31;
	s1 =	sadd.s32 s1, s30  }
0xbe: {  	s0 =	sor.u32 s3, s0;
	s1 =	sshll.u32 s1, $0x11  }
0xbf: {  	s0 =	sor.u32 s1, s0  }
0xc0: {  	s0 =	sadd.s32 $0x8F2B, s0  }
0xc1: {  	[sflag:s0] =	ssyncadd.remote.s32 $0x1  }
0xc2: {  	_ =	sfence.sel $0xFFFF  }
0xc3: {  	[dreg:$0x0] =	wrdreg $0xFFFFFFFF;
	(pc) =	sbr.abs _section_cstart, $3  }
0xc4: {  	[dreg:$0x1] =	wrdreg $0xFFFFFFFF  }
0xc5: {  	_ =	task.clear_ibuf [dreg:s9], $0x2FFFF;
	_ =	strace $0x9FFFFFFF  }
0xc6: {  	(tm) =	ssettm $0x7FFFFFFF  }
0xc7: {  	_ =	shalt  }
tec
execute0_lowered:
.L_overlay_start_1:
0x0: {  	(tag) =	ssettag $0x1  }
0x1: {  	v0 =	vlaneseq.u32  }
0x2: {  	v0 =	vmul.u32 $0x8, v0;
	_ =	sdelay $0x1  }
0x3: {  	v5 =	vor.u32 $0x1, v0;
	v6 =	vor.u32 $0x2, v0  }
0x4: {  	v7 =	vor.u32 $0x3, v0;
	v9 =	vor.u32 $0x80, v0;
	v10 =	vor.u32 $0x81, v0  }
0x5: {  	v11 =	vor.u32 $0x82, v0;
	v12 =	vor.u32 $0x83, v0;
	v13 =	vor.u32 $0x84, v0  }
0x6: {  	v14 =	vor.u32 $0x100, v0;
	v15 =	vor.u32 $0x101, v0;
	v16 =	vor.u32 $0x102, v0  }
0x7: {  	s0 =	rddreg [dreg:$0x0];
	v17 =	vor.u32 $0x103, v0;
	v18 =	vor.u32 $0x104, v0;
	v19 =	vor.u32 $0x180, v0  }
0x8: {  	s1 =	rddreg [dreg:$0x1];
	v20 =	vor.u32 $0x181, v0;
	v21 =	vor.u32 $0x182, v0;
	v22 =	vor.u32 $0x183, v0  }
0x9: {  	s5 =	rddreg [dreg:$0x2];
	v23 =	vor.u32 $0x184, v0;
	v24 =	vor.u32 $0x200, v0;
	v25 =	vor.u32 $0x201, v0  }
0xa: {  	s6 =	rddreg [dreg:$0x3];
	v26 =	vor.u32 $0x202, v0;
	v27 =	vor.u32 $0x203, v0;
	v28 =	vor.u32 $0x204, v0  }
0xb: {  	s2 =	rddreg [dreg:$0x4];
	s3 =	stileid.u32;
	v29 =	vor.u32 $0x280, v0;
	v30 =	vor.u32 $0x281, v0;
	v31 =	vor.u32 $0x282, v0  }
0xc: {  	s4 =	srdreg.scid;
	s14 =	simm.s32 $0x13B00;
	s15 =	simm.s32 $0x16300;
	v32 =	vor.u32 $0x283, v0;
	v33 =	vor.u32 $0x284, v0;
	v34 =	vor.u32 $0x300, v0  }
0xd: {  	s16 =	simm.s32 $0x18B00;
	s17 =	simm.s32 $0x1B300;
	s18 =	simm.s32 $0x1;
	v35 =	vor.u32 $0x301, v0;
	v36 =	vor.u32 $0x302, v0;
	v37 =	vor.u32 $0x303, v0  }
0xe: {  	s19 =	simm.s32 $0x2;
	s20 =	simm.s32 $0x0;
	s7 =	smul.u32 $0x4E200, s3;
	v38 =	vor.u32 $0x304, v0;
	v39 =	vor.u32 $0x380, v0;
	v40 =	vor.u32 $0x381, v0  }
0xf: {  	s8 =	sand.u32 $0x1, s4;
	s9 =	sshll.u32 s3, $0x1;
	s10 =	smul.u32 $0x4E20, s3;
	v41 =	vor.u32 $0x382, v0;
	v42 =	vor.u32 $0x383, v0;
	v43 =	vor.u32 $0x384, v0  }
0x10: {  	s4 =	simm.s32 $0x0;
	s9 =	sor.u32 s8, s9;
	s12 =	smul.u32 $0x2710, s8;
	v44 =	vor.u32 $0x400, v0;
	v45 =	vor.u32 $0x401, v0;
	v46 =	vor.u32 $0x402, v0  }
0x11: {  	[smem:$0x7FF] =	sst s4;
	s11 =	ssub.s32 $0x2, s8;
	s8 =	smul.u32 $0x27100, s8;
	v47 =	vor.u32 $0x403, v0;
	v48 =	vor.u32 $0x404, v0;
	v49 =	vor.u32 $0x480, v0  }
0x12: {  	s9 =	smul.u32 $0x2710, s9;
	_ =	strace $0x80000047;
	s7 =	sadd.s32 s7, s6;
	v50 =	vor.u32 $0x481, v0;
	v51 =	vor.u32 $0x482, v0;
	v52 =	vor.u32 $0x483, v0  }
0x13: {  	s13 =	sshrl.u32 s11, $0x1;
	s6 =	sadd.s32 s10, s6;
	v53 =	vor.u32 $0x484, v0;
	v54 =	vor.u32 $0x500, v0;
	s10 =	simm.s32 $0xC380;
	v55 =	vor.u32 $0x501, v0  }
0x14: {  	v56 =	vor.u32 $0x502, v0;
	v57 =	vor.u32 $0x503, v0;
	v1 =	vor.u32 $0x600, v0;
	s30 =	ssub.s32 s11, s13;
	s31 =	sadd.s32 s12, s6;
	s8 =	sadd.s32 s8, s7  }
0x15: {  	v8 =	vor.u32 $0x4, v0;
	v58 =	vor.u32 $0x504, v0;
	s11 =	simm.s32 $0x50;
	s12 =	simm.s32 $0xEB00;
	s13 =	simm.s32 $0x11300;
	[tilespmem:$0x1FFD0] =	vst v1;
	v1 =	vor.u32 $0x601, v0  }
0x16: {  	v59 =	vor.u32 $0x580, v0;
	v60 =	vor.u32 $0x581, v0;
	s9 =	sshrl.u32 s9, $0x3;
	s6 =	smax.u32 s30, $0x1;
	s7 =	sadd.s32 $0xE00, s31;
	[tilespmem:$0x1FFE0] =	vst v1;
	v1 =	vor.u32 $0x602, v0  }
0x17: {  	v61 =	vor.u32 $0x582, v0;
	v62 =	vor.u32 $0x583, v0;
	v63 =	vor.u32 $0x584, v0;
	s8 =	sadd.s32 $0x4F000, s8;
	s5 =	sadd.s32 s5, s9;
	s9 =	simm.s32 $0x3;
	[tilespmem:$0x1FFF0] =	vst v1  }
.LBB2_1:
0x18: {  	[tilespmem:s4], [sflag:$0x3] =	stream.linear.gather [hbm4b:s1+s4], $0xC380, $0x38;
	[tilespmem:$0x1BF80] =	vst v63  }
0x19: {  	_ =	swait.ge [sflag:s9], $0xC380  }
0x1a: {  	[sflag:s9] =	ssyncset.done $0x0  }
0x1b: {  	[sflag:s9] =	ssyncadd.s32 $0xFFFF3C80  }
0x1c: {  	[tilespmem:s10], [sflag:$0x3] =	stream.linear.gather [hbm4b:s5+s4], $0x2710, $0x38;
	[tilespmem:$0x1BF80] =	vst v63  }
0x1d: {  	_ =	swait.ge [sflag:s9], $0x2710  }
0x1e: {  	[sflag:s9] =	ssyncset.done $0x0  }
0x1f: {  	v1 =	vimm.f32 $0.0e+00;
	[sflag:s9] =	ssyncadd.s32 $0xFFFFD8F0  }
0x20: {  	[tilespmem:$0x1B300] =	vst v1  }
0x21: {  	[tilespmem:$0x1B310] =	vst v1  }
0x22: {  	[tilespmem:$0x1B320] =	vst v1  }
0x23: {  	[tilespmem:$0x1B330] =	vst v1  }
0x24: {  	[tilespmem:$0x1B340] =	vst v1  }
0x25: {  	[tilespmem:$0x1B350] =	vst v1  }
0x26: {  	[tilespmem:$0x1B360] =	vst v1  }
0x27: {  	[tilespmem:$0x1B370] =	vst v1  }
0x28: {  	[tilespmem:$0x1B380] =	vst v1  }
0x29: {  	[tilespmem:$0x1B390] =	vst v1  }
0x2a: {  	[tilespmem:$0x1B3A0] =	vst v1  }
0x2b: {  	[tilespmem:$0x1B3B0] =	vst v1  }
0x2c: {  	[tilespmem:$0x1B3C0] =	vst v1  }
0x2d: {  	[tilespmem:$0x1B3D0] =	vst v1  }
0x2e: {  	[tilespmem:$0x1B3E0] =	vst v1  }
0x2f: {  	[tilespmem:$0x1B3F0] =	vst v1  }
0x30: {  	[tilespmem:$0x1B400] =	vst v1  }
0x31: {  	[tilespmem:$0x1B410] =	vst v1  }
0x32: {  	[tilespmem:$0x1B420] =	vst v1  }
0x33: {  	[tilespmem:$0x1B430] =	vst v1  }
0x34: {  	[tilespmem:$0x1B440] =	vst v1  }
0x35: {  	[tilespmem:$0x1B450] =	vst v1  }
0x36: {  	[tilespmem:$0x1B460] =	vst v1  }
0x37: {  	[tilespmem:$0x1B470] =	vst v1  }
0x38: {  	[tilespmem:$0x1B480] =	vst v1  }
0x39: {  	[tilespmem:$0x1B490] =	vst v1  }
0x3a: {  	[tilespmem:$0x1B4A0] =	vst v1  }
0x3b: {  	[tilespmem:$0x1B4B0] =	vst v1  }
0x3c: {  	[tilespmem:$0x1B4C0] =	vst v1  }
0x3d: {  	[tilespmem:$0x1B4D0] =	vst v1  }
0x3e: {  	[tilespmem:$0x1B4E0] =	vst v1  }
0x3f: {  	[tilespmem:$0x1B4F0] =	vst v1  }
0x40: {  	[tilespmem:$0x1B500] =	vst v1  }
0x41: {  	[tilespmem:$0x1B510] =	vst v1  }
0x42: {  	[tilespmem:$0x1B520] =	vst v1  }
0x43: {  	[tilespmem:$0x1B530] =	vst v1  }
0x44: {  	[tilespmem:$0x1B540] =	vst v1  }
0x45: {  	[tilespmem:$0x1B550] =	vst v1  }
0x46: {  	[tilespmem:$0x1B560] =	vst v1  }
0x47: {  	[tilespmem:$0x1B570] =	vst v1  }
0x48: {  	[tilespmem:$0x1B580] =	vst v1  }
0x49: {  	[tilespmem:$0x1B590] =	vst v1  }
0x4a: {  	[tilespmem:$0x1B5A0] =	vst v1  }
0x4b: {  	[tilespmem:$0x1B5B0] =	vst v1  }
0x4c: {  	[tilespmem:$0x1B5C0] =	vst v1  }
0x4d: {  	[tilespmem:$0x1B5D0] =	vst v1  }
0x4e: {  	[tilespmem:$0x1B5E0] =	vst v1  }
0x4f: {  	[tilespmem:$0x1B5F0] =	vst v1  }
0x50: {  	[tilespmem:$0x1B600] =	vst v1  }
0x51: {  	[tilespmem:$0x1B610] =	vst v1  }
0x52: {  	[tilespmem:$0x1B620] =	vst v1  }
0x53: {  	[tilespmem:$0x1B630] =	vst v1  }
0x54: {  	[tilespmem:$0x1B640] =	vst v1  }
0x55: {  	[tilespmem:$0x1B650] =	vst v1  }
0x56: {  	[tilespmem:$0x1B660] =	vst v1  }
0x57: {  	[tilespmem:$0x1B670] =	vst v1  }
0x58: {  	[tilespmem:$0x1B680] =	vst v1  }
0x59: {  	[tilespmem:$0x1B690] =	vst v1  }
0x5a: {  	[tilespmem:$0x1B6A0] =	vst v1  }
0x5b: {  	[tilespmem:$0x1B6B0] =	vst v1  }
0x5c: {  	[tilespmem:$0x1B6C0] =	vst v1  }
0x5d: {  	[tilespmem:$0x1B6D0] =	vst v1  }
0x5e: {  	[tilespmem:$0x1B6E0] =	vst v1  }
0x5f: {  	[tilespmem:$0x1B6F0] =	vst v1  }
0x60: {  	[tilespmem:$0x1B700] =	vst v1  }
0x61: {  	[tilespmem:$0x1B710] =	vst v1  }
0x62: {  	[tilespmem:$0x1B720] =	vst v1  }
0x63: {  	[tilespmem:$0x1B730] =	vst v1  }
0x64: {  	[tilespmem:$0x1B740] =	vst v1  }
0x65: {  	[tilespmem:$0x1B750] =	vst v1  }
0x66: {  	[tilespmem:$0x1B760] =	vst v1  }
0x67: {  	[tilespmem:$0x1B770] =	vst v1  }
0x68: {  	[tilespmem:$0x1B780] =	vst v1  }
0x69: {  	[tilespmem:$0x1B790] =	vst v1  }
0x6a: {  	[tilespmem:$0x1B7A0] =	vst v1  }
0x6b: {  	[tilespmem:$0x1B7B0] =	vst v1  }
0x6c: {  	[tilespmem:$0x1B7C0] =	vst v1  }
0x6d: {  	[tilespmem:$0x1B7D0] =	vst v1  }
0x6e: {  	[tilespmem:$0x1B7E0] =	vst v1  }
0x6f: {  	[tilespmem:$0x1B7F0] =	vst v1  }
0x70: {  	[tilespmem:$0x1B800] =	vst v1  }
0x71: {  	[tilespmem:$0x1B810] =	vst v1  }
0x72: {  	[tilespmem:$0x1B820] =	vst v1  }
0x73: {  	[tilespmem:$0x1B830] =	vst v1  }
0x74: {  	[tilespmem:$0x1B840] =	vst v1  }
0x75: {  	[tilespmem:$0x1B850] =	vst v1  }
0x76: {  	[tilespmem:$0x1B860] =	vst v1  }
0x77: {  	[tilespmem:$0x1B870] =	vst v1  }
0x78: {  	[tilespmem:$0x1B880] =	vst v1  }
0x79: {  	[tilespmem:$0x1B890] =	vst v1  }
0x7a: {  	[tilespmem:$0x1B8A0] =	vst v1  }
0x7b: {  	[tilespmem:$0x1B8B0] =	vst v1  }
0x7c: {  	[tilespmem:$0x1B8C0] =	vst v1  }
0x7d: {  	[tilespmem:$0x1B8D0] =	vst v1  }
0x7e: {  	[tilespmem:$0x1B8E0] =	vst v1  }
0x7f: {  	[tilespmem:$0x1B8F0] =	vst v1  }
0x80: {  	[tilespmem:$0x1B900] =	vst v1  }
0x81: {  	[tilespmem:$0x1B910] =	vst v1  }
0x82: {  	[tilespmem:$0x1B920] =	vst v1  }
0x83: {  	[tilespmem:$0x1B930] =	vst v1  }
0x84: {  	[tilespmem:$0x1B940] =	vst v1  }
0x85: {  	[tilespmem:$0x1B950] =	vst v1  }
0x86: {  	[tilespmem:$0x1B960] =	vst v1  }
0x87: {  	[tilespmem:$0x1B970] =	vst v1  }
0x88: {  	[tilespmem:$0x1B980] =	vst v1  }
0x89: {  	[tilespmem:$0x1B990] =	vst v1  }
0x8a: {  	[tilespmem:$0x1B9A0] =	vst v1  }
0x8b: {  	[tilespmem:$0x1B9B0] =	vst v1  }
0x8c: {  	[tilespmem:$0x1B9C0] =	vst v1  }
0x8d: {  	[tilespmem:$0x1B9D0] =	vst v1  }
0x8e: {  	[tilespmem:$0x1B9E0] =	vst v1  }
0x8f: {  	[tilespmem:$0x1B9F0] =	vst v1  }
0x90: {  	[tilespmem:$0x1BA00] =	vst v1  }
0x91: {  	[tilespmem:$0x1BA10] =	vst v1  }
0x92: {  	[tilespmem:$0x1BA20] =	vst v1  }
0x93: {  	[tilespmem:$0x1BA30] =	vst v1  }
0x94: {  	[tilespmem:$0x1BA40] =	vst v1  }
0x95: {  	[tilespmem:$0x1BA50] =	vst v1  }
0x96: {  	[tilespmem:$0x1BA60] =	vst v1  }
0x97: {  	[tilespmem:$0x1BA70] =	vst v1  }
0x98: {  	[tilespmem:$0x1BA80] =	vst v1  }
0x99: {  	[tilespmem:$0x1BA90] =	vst v1  }
0x9a: {  	[tilespmem:$0x1BAA0] =	vst v1  }
0x9b: {  	[tilespmem:$0x1BAB0] =	vst v1  }
0x9c: {  	[tilespmem:$0x1BAC0] =	vst v1  }
0x9d: {  	[tilespmem:$0x1BAD0] =	vst v1  }
0x9e: {  	[tilespmem:$0x1BAE0] =	vst v1  }
0x9f: {  	[tilespmem:$0x1BAF0] =	vst v1  }
0xa0: {  	[tilespmem:$0x1BB00] =	vst v1  }
0xa1: {  	[tilespmem:$0x1BB10] =	vst v1  }
0xa2: {  	[tilespmem:$0x1BB20] =	vst v1  }
0xa3: {  	[tilespmem:$0x1BB30] =	vst v1  }
0xa4: {  	[tilespmem:$0x1BB40] =	vst v1  }
0xa5: {  	[tilespmem:$0x1BB50] =	vst v1  }
0xa6: {  	[tilespmem:$0x1BB60] =	vst v1  }
0xa7: {  	[tilespmem:$0x1BB70] =	vst v1  }
0xa8: {  	[tilespmem:$0x1BB80] =	vst v1  }
0xa9: {  	[tilespmem:$0x1BB90] =	vst v1  }
0xaa: {  	[tilespmem:$0x1BBA0] =	vst v1  }
0xab: {  	[tilespmem:$0x1BBB0] =	vst v1  }
0xac: {  	[tilespmem:$0x1BBC0] =	vst v1  }
0xad: {  	[tilespmem:$0x1BBD0] =	vst v1  }
0xae: {  	[tilespmem:$0x1BBE0] =	vst v1  }
0xaf: {  	[tilespmem:$0x1BBF0] =	vst v1  }
0xb0: {  	[tilespmem:$0x1BC00] =	vst v1  }
0xb1: {  	[tilespmem:$0x1BC10] =	vst v1  }
0xb2: {  	[tilespmem:$0x1BC20] =	vst v1  }
0xb3: {  	[tilespmem:$0x1BC30] =	vst v1  }
0xb4: {  	[tilespmem:$0x1BC40] =	vst v1  }
0xb5: {  	[tilespmem:$0x1BC50] =	vst v1  }
0xb6: {  	[tilespmem:$0x1BC60] =	vst v1  }
0xb7: {  	[tilespmem:$0x1BC70] =	vst v1  }
0xb8: {  	[tilespmem:$0x1BC80] =	vst v1  }
0xb9: {  	[tilespmem:$0x1BC90] =	vst v1  }
0xba: {  	[tilespmem:$0x1BCA0] =	vst v1  }
0xbb: {  	[tilespmem:$0x1BCB0] =	vst v1  }
0xbc: {  	[tilespmem:$0x1BCC0] =	vst v1  }
0xbd: {  	[tilespmem:$0x1BCD0] =	vst v1  }
0xbe: {  	[tilespmem:$0x1BCE0] =	vst v1  }
0xbf: {  	[tilespmem:$0x1BCF0] =	vst v1  }
0xc0: {  	[tilespmem:$0x1BD00] =	vst v1  }
0xc1: {  	[tilespmem:$0x1BD10] =	vst v1  }
0xc2: {  	[tilespmem:$0x1BD20] =	vst v1  }
0xc3: {  	[tilespmem:$0x1BD30] =	vst v1  }
0xc4: {  	[tilespmem:$0x1BD40] =	vst v1  }
0xc5: {  	[tilespmem:$0x1BD50] =	vst v1  }
0xc6: {  	[tilespmem:$0x1BD60] =	vst v1  }
0xc7: {  	[tilespmem:$0x1BD70] =	vst v1  }
0xc8: {  	[tilespmem:$0x1BD80] =	vst v1  }
0xc9: {  	[tilespmem:$0x1BD90] =	vst v1  }
0xca: {  	[tilespmem:$0x1BDA0] =	vst v1  }
0xcb: {  	[tilespmem:$0x1BDB0] =	vst v1  }
0xcc: {  	[tilespmem:$0x1BDC0] =	vst v1  }
0xcd: {  	[tilespmem:$0x1BDD0] =	vst v1  }
0xce: {  	[tilespmem:$0x1BDE0] =	vst v1  }
0xcf: {  	[tilespmem:$0x1BDF0] =	vst v1  }
0xd0: {  	[tilespmem:$0x1BE00] =	vst v1  }
0xd1: {  	[tilespmem:$0x1BE10] =	vst v1  }
0xd2: {  	[tilespmem:$0x1BE20] =	vst v1  }
0xd3: {  	[tilespmem:$0x1BE30] =	vst v1  }
0xd4: {  	[tilespmem:$0x1BE40] =	vst v1  }
0xd5: {  	[tilespmem:$0x1BE50] =	vst v1  }
0xd6: {  	[tilespmem:$0x1BE60] =	vst v1  }
0xd7: {  	[tilespmem:$0x1BE70] =	vst v1  }
0xd8: {  	[tilespmem:$0x1BE80] =	vst v1  }
0xd9: {  	[tilespmem:$0x1BE90] =	vst v1  }
0xda: {  	[tilespmem:$0x1BEA0] =	vst v1  }
0xdb: {  	[tilespmem:$0x1BEB0] =	vst v1  }
0xdc: {  	[tilespmem:$0x1BEC0] =	vst v1  }
0xdd: {  	[tilespmem:$0x1BED0] =	vst v1  }
0xde: {  	[tilespmem:$0x1BEE0] =	vst v1  }
0xdf: {  	[tilespmem:$0x1BEF0] =	vst v1  }
0xe0: {  	[tilespmem:$0x1BF00] =	vst v1  }
0xe1: {  	[tilespmem:$0x1BF10] =	vst v1  }
0xe2: {  	[tilespmem:$0x1BF20] =	vst v1  }
0xe3: {  	[tilespmem:$0x1BF30] =	vst v1  }
0xe4: {  	[tilespmem:$0x1BF40] =	vst v1  }
0xe5: {  	[tilespmem:$0x1BF50] =	vst v1  }
0xe6: {  	[tilespmem:$0x1BF60] =	vst v1  }
0xe7: {  	s21 =	smov.u32 s8;
	s22 =	simm.s32 $0x0;
	s23 =	simm.s32 $0x0;
	[tilespmem:$0x1BF70] =	vst v1  }
.LBB2_2:
0xe8: {  	p0 =	seq.s32 s23, $0x0  }
0xe9: {  	s25 =	simm.s32 @!p0 $0x2  }
0xea: {  	_ =	swait.ge @!p0 [sflag:s25], $0xC800  }
0xeb: {  	[sflag:s25] =	ssyncset.done @!p0 $0x0  }
0xec: {  	[sflag:s25] =	ssyncadd.s32 @!p0 $0xFFFF3800  }
0xed: {  	_ =	swait.ge @!p0 [sflag:s25], $0xC80  }
0xee: {  	s24 =	sshra.s32 s23, $0x2;
	[sflag:s25] =	ssyncset.done @!p0 $0x0  }
0xef: {  	s30 =	sadd.s32 $0xC380, s24;
	[sflag:s25] =	ssyncadd.s32 @!p0 $0xFFFFF380  }
0xf0: {  	[tilespmem:s12], [sflag:$0x1] =	stream.indirect.gather [hbm4b:s0+s11], $0x80, s30, s11, $0xb8;
	[tilespmem:$0x1BF80] =	vst v63  }
0xf1: {  	s31 =	sadd.s32 $0xC3D0, s24  }
0xf2: {  	[tilespmem:s13], [sflag:$0x1] =	stream.indirect.gather [hbm4b:s0+s11], $0x80, s31, s11, $0xb8;
	[tilespmem:$0x1BF80] =	vst v63  }
0xf3: {  	s26 =	sadd.s32 $0xC420, s24  }
0xf4: {  	[tilespmem:s14], [sflag:$0x1] =	stream.indirect.gather [hbm4b:s0+s11], $0x80, s26, s11, $0xb8;
	[tilespmem:$0x1BF80] =	vst v63  }
0xf5: {  	s28 =	sadd.s32 $0xC470, s24  }
0xf6: {  	[tilespmem:s15], [sflag:$0x1] =	stream.indirect.gather [hbm4b:s0+s11], $0x80, s28, s11, $0xb8;
	[tilespmem:$0x1BF80] =	vst v63  }
0xf7: {  	s29 =	sadd.s32 $0xC4C0, s24  }
0xf8: {  	[tilespmem:s16], [sflag:$0x1] =	stream.indirect.gather [hbm4b:s0+s11], $0x80, s29, s11, $0xb8;
	[tilespmem:$0x1BF80] =	vst v63  }
0xf9: {  	v2 =	vld [tilespmem:s24+$0xC380];
	_ =	sdelay $0x4  }
0xfa: {  	v2 =	vmul.u32 $0x5, v2;
	_ =	sdelay $0x5  }
0xfb: {  	v3 =	vld.idx.msk [tilespmem:v2+s4+$0x0], $0xffff  }
0xfc: {  	v4 =	vadd.s32 $0x1, v2;
	_ =	sdelay $0x3  }
0xfd: {  	[tilespmem:v0+s17+$0x0] =	vst.idx.msk $0xffff, v3  }
0xfe: {  	v3 =	vld.idx.msk [tilespmem:v4+s4+$0x0], $0xffff  }
0xff: {  	v4 =	vadd.s32 $0x2, v2;
	_ =	sdelay $0x3  }
0x100: {  	[tilespmem:v5+s17+$0x0] =	vst.idx.msk $0xffff, v3  }
0x101: {  	v3 =	vld.idx.msk [tilespmem:v4+s4+$0x0], $0xffff  }
0x102: {  	v4 =	vadd.s32 $0x3, v2;
	_ =	sdelay $0x3  }
0x103: {  	[tilespmem:v6+s17+$0x0] =	vst.idx.msk $0xffff, v3  }
0x104: {  	v3 =	vld.idx.msk [tilespmem:v4+s4+$0x0], $0xffff  }
0x105: {  	v2 =	vadd.s32 $0x4, v2;
	_ =	sdelay $0x3  }
0x106: {  	[tilespmem:v7+s17+$0x0] =	vst.idx.msk $0xffff, v3  }
0x107: {  	v2 =	vld.idx.msk [tilespmem:v2+s4+$0x0], $0xffff;
	_ =	sdelay $0x4  }
0x108: {  	[tilespmem:v8+s17+$0x0] =	vst.idx.msk $0xffff, v2  }
0x109: {  	v2 =	vld [tilespmem:s24+$0xC390];
	_ =	sdelay $0x4  }
0x10a: {  	v2 =	vmul.u32 $0x5, v2;
	_ =	sdelay $0x5  }
0x10b: {  	v3 =	vld.idx.msk [tilespmem:v2+s4+$0x0], $0xffff  }
0x10c: {  	v4 =	vadd.s32 $0x1, v2;
	_ =	sdelay $0x3  }
0x10d: {  	[tilespmem:v9+s17+$0x0] =	vst.idx.msk $0xffff, v3  }
0x10e: {  	v3 =	vld.idx.msk [tilespmem:v4+s4+$0x0], $0xffff  }
0x10f: {  	v4 =	vadd.s32 $0x2, v2;
	_ =	sdelay $0x3  }
0x110: {  	[tilespmem:v10+s17+$0x0] =	vst.idx.msk $0xffff, v3  }
0x111: {  	v3 =	vld.idx.msk [tilespmem:v4+s4+$0x0], $0xffff  }
0x112: {  	v4 =	vadd.s32 $0x3, v2;
	_ =	sdelay $0x3  }
0x113: {  	[tilespmem:v11+s17+$0x0] =	vst.idx.msk $0xffff, v3  }
0x114: {  	v3 =	vld.idx.msk [tilespmem:v4+s4+$0x0], $0xffff  }
0x115: {  	v2 =	vadd.s32 $0x4, v2;
	_ =	sdelay $0x3  }
0x116: {  	[tilespmem:v12+s17+$0x0] =	vst.idx.msk $0xffff, v3  }
0x117: {  	v2 =	vld.idx.msk [tilespmem:v2+s4+$0x0], $0xffff;
	_ =	sdelay $0x4  }
0x118: {  	[tilespmem:v13+s17+$0x0] =	vst.idx.msk $0xffff, v2  }
0x119: {  	v2 =	vld [tilespmem:s24+$0xC3A0];
	_ =	sdelay $0x4  }
0x11a: {  	v2 =	vmul.u32 $0x5, v2;
	_ =	sdelay $0x5  }
0x11b: {  	v3 =	vld.idx.msk [tilespmem:v2+s4+$0x0], $0xffff  }
0x11c: {  	v4 =	vadd.s32 $0x1, v2;
	_ =	sdelay $0x3  }
0x11d: {  	[tilespmem:v14+s17+$0x0] =	vst.idx.msk $0xffff, v3  }
0x11e: {  	v3 =	vld.idx.msk [tilespmem:v4+s4+$0x0], $0xffff  }
0x11f: {  	v4 =	vadd.s32 $0x2, v2;
	_ =	sdelay $0x3  }
0x120: {  	[tilespmem:v15+s17+$0x0] =	vst.idx.msk $0xffff, v3  }
0x121: {  	v3 =	vld.idx.msk [tilespmem:v4+s4+$0x0], $0xffff  }
0x122: {  	v4 =	vadd.s32 $0x3, v2;
	_ =	sdelay $0x3  }
0x123: {  	[tilespmem:v16+s17+$0x0] =	vst.idx.msk $0xffff, v3  }
0x124: {  	v3 =	vld.idx.msk [tilespmem:v4+s4+$0x0], $0xffff  }
0x125: {  	v2 =	vadd.s32 $0x4, v2;
	_ =	sdelay $0x3  }
0x126: {  	[tilespmem:v17+s17+$0x0] =	vst.idx.msk $0xffff, v3  }
0x127: {  	v2 =	vld.idx.msk [tilespmem:v2+s4+$0x0], $0xffff;
	_ =	sdelay $0x4  }
0x128: {  	[tilespmem:v18+s17+$0x0] =	vst.idx.msk $0xffff, v2  }
0x129: {  	v2 =	vld [tilespmem:s24+$0xC3B0];
	_ =	sdelay $0x4  }
0x12a: {  	v2 =	vmul.u32 $0x5, v2;
	_ =	sdelay $0x5  }
0x12b: {  	v3 =	vld.idx.msk [tilespmem:v2+s4+$0x0], $0xffff  }
0x12c: {  	v4 =	vadd.s32 $0x1, v2;
	_ =	sdelay $0x3  }
0x12d: {  	[tilespmem:v19+s17+$0x0] =	vst.idx.msk $0xffff, v3  }
0x12e: {  	v3 =	vld.idx.msk [tilespmem:v4+s4+$0x0], $0xffff  }
0x12f: {  	v4 =	vadd.s32 $0x2, v2;
	_ =	sdelay $0x3  }
0x130: {  	[tilespmem:v20+s17+$0x0] =	vst.idx.msk $0xffff, v3  }
0x131: {  	v3 =	vld.idx.msk [tilespmem:v4+s4+$0x0], $0xffff  }
0x132: {  	v4 =	vadd.s32 $0x3, v2;
	_ =	sdelay $0x3  }
0x133: {  	[tilespmem:v21+s17+$0x0] =	vst.idx.msk $0xffff, v3  }
0x134: {  	v3 =	vld.idx.msk [tilespmem:v4+s4+$0x0], $0xffff  }
0x135: {  	v2 =	vadd.s32 $0x4, v2;
	_ =	sdelay $0x3  }
0x136: {  	[tilespmem:v22+s17+$0x0] =	vst.idx.msk $0xffff, v3  }
0x137: {  	v2 =	vld.idx.msk [tilespmem:v2+s4+$0x0], $0xffff;
	_ =	sdelay $0x4  }
0x138: {  	[tilespmem:v23+s17+$0x0] =	vst.idx.msk $0xffff, v2  }
0x139: {  	v2 =	vld [tilespmem:s24+$0xC3C0];
	_ =	sdelay $0x4  }
0x13a: {  	v2 =	vmul.u32 $0x5, v2;
	_ =	sdelay $0x5  }
0x13b: {  	v3 =	vld.idx.msk [tilespmem:v2+s4+$0x0], $0xffff  }
0x13c: {  	v4 =	vadd.s32 $0x1, v2;
	_ =	sdelay $0x3  }
0x13d: {  	[tilespmem:v24+s17+$0x0] =	vst.idx.msk $0xffff, v3  }
0x13e: {  	v3 =	vld.idx.msk [tilespmem:v4+s4+$0x0], $0xffff  }
0x13f: {  	v4 =	vadd.s32 $0x2, v2;
	_ =	sdelay $0x3  }
0x140: {  	[tilespmem:v25+s17+$0x0] =	vst.idx.msk $0xffff, v3  }
0x141: {  	v3 =	vld.idx.msk [tilespmem:v4+s4+$0x0], $0xffff  }
0x142: {  	v4 =	vadd.s32 $0x3, v2;
	_ =	sdelay $0x3  }
0x143: {  	[tilespmem:v26+s17+$0x0] =	vst.idx.msk $0xffff, v3  }
0x144: {  	v3 =	vld.idx.msk [tilespmem:v4+s4+$0x0], $0xffff  }
0x145: {  	v2 =	vadd.s32 $0x4, v2;
	_ =	sdelay $0x3  }
0x146: {  	[tilespmem:v27+s17+$0x0] =	vst.idx.msk $0xffff, v3  }
0x147: {  	v2 =	vld.idx.msk [tilespmem:v2+s4+$0x0], $0xffff;
	_ =	sdelay $0x4  }
0x148: {  	[tilespmem:v28+s17+$0x0] =	vst.idx.msk $0xffff, v2  }
0x149: {  	v2 =	vld [tilespmem:s24+$0xC3D0];
	_ =	sdelay $0x4  }
0x14a: {  	v2 =	vmul.u32 $0x5, v2;
	_ =	sdelay $0x5  }
0x14b: {  	v3 =	vld.idx.msk [tilespmem:v2+s4+$0x0], $0xffff  }
0x14c: {  	v4 =	vadd.s32 $0x1, v2;
	_ =	sdelay $0x3  }
0x14d: {  	[tilespmem:v29+s17+$0x0] =	vst.idx.msk $0xffff, v3  }
0x14e: {  	v3 =	vld.idx.msk [tilespmem:v4+s4+$0x0], $0xffff  }
0x14f: {  	v4 =	vadd.s32 $0x2, v2;
	_ =	sdelay $0x3  }
0x150: {  	[tilespmem:v30+s17+$0x0] =	vst.idx.msk $0xffff, v3  }
0x151: {  	v3 =	vld.idx.msk [tilespmem:v4+s4+$0x0], $0xffff  }
0x152: {  	v4 =	vadd.s32 $0x3, v2;
	_ =	sdelay $0x3  }
0x153: {  	[tilespmem:v31+s17+$0x0] =	vst.idx.msk $0xffff, v3  }
0x154: {  	v3 =	vld.idx.msk [tilespmem:v4+s4+$0x0], $0xffff  }
0x155: {  	v2 =	vadd.s32 $0x4, v2;
	_ =	sdelay $0x3  }
0x156: {  	[tilespmem:v32+s17+$0x0] =	vst.idx.msk $0xffff, v3  }
0x157: {  	v2 =	vld.idx.msk [tilespmem:v2+s4+$0x0], $0xffff;
	_ =	sdelay $0x4  }
0x158: {  	[tilespmem:v33+s17+$0x0] =	vst.idx.msk $0xffff, v2  }
0x159: {  	v2 =	vld [tilespmem:s24+$0xC3E0];
	_ =	sdelay $0x4  }
0x15a: {  	v2 =	vmul.u32 $0x5, v2;
	_ =	sdelay $0x5  }
0x15b: {  	v3 =	vld.idx.msk [tilespmem:v2+s4+$0x0], $0xffff  }
0x15c: {  	v4 =	vadd.s32 $0x1, v2;
	_ =	sdelay $0x3  }
0x15d: {  	[tilespmem:v34+s17+$0x0] =	vst.idx.msk $0xffff, v3  }
0x15e: {  	v3 =	vld.idx.msk [tilespmem:v4+s4+$0x0], $0xffff  }
0x15f: {  	v4 =	vadd.s32 $0x2, v2;
	_ =	sdelay $0x3  }
0x160: {  	[tilespmem:v35+s17+$0x0] =	vst.idx.msk $0xffff, v3  }
0x161: {  	v3 =	vld.idx.msk [tilespmem:v4+s4+$0x0], $0xffff  }
0x162: {  	v4 =	vadd.s32 $0x3, v2;
	_ =	sdelay $0x3  }
0x163: {  	[tilespmem:v36+s17+$0x0] =	vst.idx.msk $0xffff, v3  }
0x164: {  	v3 =	vld.idx.msk [tilespmem:v4+s4+$0x0], $0xffff  }
0x165: {  	v2 =	vadd.s32 $0x4, v2;
	_ =	sdelay $0x3  }
0x166: {  	[tilespmem:v37+s17+$0x0] =	vst.idx.msk $0xffff, v3  }
0x167: {  	v2 =	vld.idx.msk [tilespmem:v2+s4+$0x0], $0xffff;
	_ =	sdelay $0x4  }
0x168: {  	[tilespmem:v38+s17+$0x0] =	vst.idx.msk $0xffff, v2  }
0x169: {  	v2 =	vld [tilespmem:s24+$0xC3F0];
	_ =	sdelay $0x4  }
0x16a: {  	v2 =	vmul.u32 $0x5, v2;
	_ =	sdelay $0x5  }
0x16b: {  	v3 =	vld.idx.msk [tilespmem:v2+s4+$0x0], $0xffff  }
0x16c: {  	v4 =	vadd.s32 $0x1, v2;
	_ =	sdelay $0x3  }
0x16d: {  	[tilespmem:v39+s17+$0x0] =	vst.idx.msk $0xffff, v3  }
0x16e: {  	v3 =	vld.idx.msk [tilespmem:v4+s4+$0x0], $0xffff  }
0x16f: {  	v4 =	vadd.s32 $0x2, v2;
	_ =	sdelay $0x3  }
0x170: {  	[tilespmem:v40+s17+$0x0] =	vst.idx.msk $0xffff, v3  }
0x171: {  	v3 =	vld.idx.msk [tilespmem:v4+s4+$0x0], $0xffff  }
0x172: {  	v4 =	vadd.s32 $0x3, v2;
	_ =	sdelay $0x3  }
0x173: {  	[tilespmem:v41+s17+$0x0] =	vst.idx.msk $0xffff, v3  }
0x174: {  	v3 =	vld.idx.msk [tilespmem:v4+s4+$0x0], $0xffff  }
0x175: {  	v2 =	vadd.s32 $0x4, v2;
	_ =	sdelay $0x3  }
0x176: {  	[tilespmem:v42+s17+$0x0] =	vst.idx.msk $0xffff, v3  }
0x177: {  	v2 =	vld.idx.msk [tilespmem:v2+s4+$0x0], $0xffff;
	_ =	sdelay $0x4  }
0x178: {  	s30 =	sand.u32 $0x3FF0, s22;
	[tilespmem:v43+s17+$0x0] =	vst.idx.msk $0xffff, v2  }
0x179: {  	v2 =	vld [tilespmem:s30+$0xC400];
	_ =	sdelay $0x4  }
0x17a: {  	v2 =	vmul.u32 $0x5, v2;
	_ =	sdelay $0x5  }
0x17b: {  	v3 =	vld.idx.msk [tilespmem:v2+s4+$0x0], $0xffff  }
0x17c: {  	v4 =	vadd.s32 $0x1, v2;
	_ =	sdelay $0x3  }
0x17d: {  	[tilespmem:v44+s17+$0x0] =	vst.idx.msk $0xffff, v3  }
0x17e: {  	v3 =	vld.idx.msk [tilespmem:v4+s4+$0x0], $0xffff  }
0x17f: {  	v4 =	vadd.s32 $0x2, v2;
	_ =	sdelay $0x3  }
0x180: {  	[tilespmem:v45+s17+$0x0] =	vst.idx.msk $0xffff, v3  }
0x181: {  	v3 =	vld.idx.msk [tilespmem:v4+s4+$0x0], $0xffff  }
0x182: {  	v4 =	vadd.s32 $0x3, v2;
	_ =	sdelay $0x3  }
0x183: {  	[tilespmem:v46+s17+$0x0] =	vst.idx.msk $0xffff, v3  }
0x184: {  	v3 =	vld.idx.msk [tilespmem:v4+s4+$0x0], $0xffff  }
0x185: {  	v2 =	vadd.s32 $0x4, v2;
	_ =	sdelay $0x3  }
0x186: {  	[tilespmem:v47+s17+$0x0] =	vst.idx.msk $0xffff, v3  }
0x187: {  	v2 =	vld.idx.msk [tilespmem:v2+s4+$0x0], $0xffff;
	_ =	sdelay $0x4  }
0x188: {  	[tilespmem:v48+s17+$0x0] =	vst.idx.msk $0xffff, v2  }
0x189: {  	v2 =	vld [tilespmem:s24+$0xC410];
	_ =	sdelay $0x4  }
0x18a: {  	v2 =	vmul.u32 $0x5, v2;
	_ =	sdelay $0x5  }
0x18b: {  	v3 =	vld.idx.msk [tilespmem:v2+s4+$0x0], $0xffff  }
0x18c: {  	v4 =	vadd.s32 $0x1, v2;
	_ =	sdelay $0x3  }
0x18d: {  	[tilespmem:v49+s17+$0x0] =	vst.idx.msk $0xffff, v3  }
0x18e: {  	v3 =	vld.idx.msk [tilespmem:v4+s4+$0x0], $0xffff  }
0x18f: {  	v4 =	vadd.s32 $0x2, v2;
	_ =	sdelay $0x3  }
0x190: {  	[tilespmem:v50+s17+$0x0] =	vst.idx.msk $0xffff, v3  }
0x191: {  	v3 =	vld.idx.msk [tilespmem:v4+s4+$0x0], $0xffff  }
0x192: {  	v4 =	vadd.s32 $0x3, v2;
	_ =	sdelay $0x3  }
0x193: {  	[tilespmem:v51+s17+$0x0] =	vst.idx.msk $0xffff, v3  }
0x194: {  	v3 =	vld.idx.msk [tilespmem:v4+s4+$0x0], $0xffff  }
0x195: {  	v2 =	vadd.s32 $0x4, v2;
	_ =	sdelay $0x3  }
0x196: {  	[tilespmem:v52+s17+$0x0] =	vst.idx.msk $0xffff, v3  }
0x197: {  	v2 =	vld.idx.msk [tilespmem:v2+s4+$0x0], $0xffff;
	_ =	sdelay $0x4  }
0x198: {  	[tilespmem:v53+s17+$0x0] =	vst.idx.msk $0xffff, v2  }
0x199: {  	v2 =	vld [tilespmem:s24+$0xC420];
	_ =	sdelay $0x4  }
0x19a: {  	v2 =	vmul.u32 $0x5, v2;
	_ =	sdelay $0x5  }
0x19b: {  	v3 =	vld.idx.msk [tilespmem:v2+s4+$0x0], $0xffff  }
0x19c: {  	v4 =	vadd.s32 $0x1, v2;
	_ =	sdelay $0x3  }
0x19d: {  	[tilespmem:v54+s17+$0x0] =	vst.idx.msk $0xffff, v3  }
0x19e: {  	v3 =	vld.idx.msk [tilespmem:v4+s4+$0x0], $0xffff  }
0x19f: {  	v4 =	vadd.s32 $0x2, v2;
	_ =	sdelay $0x3  }
0x1a0: {  	[tilespmem:v55+s17+$0x0] =	vst.idx.msk $0xffff, v3  }
0x1a1: {  	v3 =	vld.idx.msk [tilespmem:v4+s4+$0x0], $0xffff  }
0x1a2: {  	v4 =	vadd.s32 $0x3, v2;
	_ =	sdelay $0x3  }
0x1a3: {  	[tilespmem:v56+s17+$0x0] =	vst.idx.msk $0xffff, v3  }
0x1a4: {  	v3 =	vld.idx.msk [tilespmem:v4+s4+$0x0], $0xffff  }
0x1a5: {  	v2 =	vadd.s32 $0x4, v2;
	_ =	sdelay $0x3  }
0x1a6: {  	[tilespmem:v57+s17+$0x0] =	vst.idx.msk $0xffff, v3  }
0x1a7: {  	v2 =	vld.idx.msk [tilespmem:v2+s4+$0x0], $0xffff;
	_ =	sdelay $0x4  }
0x1a8: {  	[tilespmem:v58+s17+$0x0] =	vst.idx.msk $0xffff, v2  }
0x1a9: {  	v2 =	vld [tilespmem:s24+$0xC430];
	_ =	sdelay $0x4  }
0x1aa: {  	v2 =	vmul.u32 $0x5, v2;
	_ =	sdelay $0x5  }
0x1ab: {  	v3 =	vld.idx.msk [tilespmem:v2+s4+$0x0], $0xffff  }
0x1ac: {  	v4 =	vadd.s32 $0x1, v2;
	_ =	sdelay $0x3  }
0x1ad: {  	[tilespmem:v59+s17+$0x0] =	vst.idx.msk $0xffff, v3  }
0x1ae: {  	v3 =	vld.idx.msk [tilespmem:v4+s4+$0x0], $0xffff  }
0x1af: {  	v4 =	vadd.s32 $0x2, v2;
	_ =	sdelay $0x3  }
0x1b0: {  	[tilespmem:v60+s17+$0x0] =	vst.idx.msk $0xffff, v3  }
0x1b1: {  	v3 =	vld.idx.msk [tilespmem:v4+s4+$0x0], $0xffff  }
0x1b2: {  	v4 =	vadd.s32 $0x3, v2;
	_ =	sdelay $0x3  }
0x1b3: {  	[tilespmem:v61+s17+$0x0] =	vst.idx.msk $0xffff, v3  }
0x1b4: {  	v3 =	vld.idx.msk [tilespmem:v4+s4+$0x0], $0xffff  }
0x1b5: {  	v2 =	vadd.s32 $0x4, v2;
	_ =	sdelay $0x3  }
0x1b6: {  	[tilespmem:v62+s17+$0x0] =	vst.idx.msk $0xffff, v3  }
0x1b7: {  	v2 =	vld.idx.msk [tilespmem:v2+s4+$0x0], $0xffff;
	_ =	sdelay $0x4  }
0x1b8: {  	[tilespmem:v63+s17+$0x0] =	vst.idx.msk $0xffff, v2  }
0x1b9: {  	v2 =	vld [tilespmem:s24+$0xC440];
	_ =	sdelay $0x4  }
0x1ba: {  	v2 =	vmul.u32 $0x5, v2;
	_ =	sdelay $0x2  }
0x1bb: {  	v1 =	vld [tilespmem:$0x1FFD0];
	_ =	sdelay $0x2  }
0x1bc: {  	v3 =	vld.idx.msk [tilespmem:v2+s4+$0x0], $0xffff;
	_ =	sdelay $0x2  }
0x1bd: {  	v4 =	vadd.s32 $0x1, v2;
	_ =	sdelay $0x1  }
0x1be: {  	[tilespmem:v1+s17+$0x0] =	vst.idx.msk $0xffff, v3;
	v1 =	vld [tilespmem:$0x1FFE0];
	_ =	sdelay $0x2  }
0x1bf: {  	v3 =	vld.idx.msk [tilespmem:v4+s4+$0x0], $0xffff;
	_ =	sdelay $0x2  }
0x1c0: {  	v4 =	vadd.s32 $0x2, v2;
	_ =	sdelay $0x1  }
0x1c1: {  	[tilespmem:v1+s17+$0x0] =	vst.idx.msk $0xffff, v3;
	v1 =	vld [tilespmem:$0x1FFF0];
	_ =	sdelay $0x2  }
0x1c2: {  	v3 =	vld.idx.msk [tilespmem:v4+s4+$0x0], $0xffff  }
0x1c3: {  	v4 =	vadd.s32 $0x3, v2;
	_ =	sdelay $0x3  }
0x1c4: {  	[tilespmem:v1+s17+$0x0] =	vst.idx.msk $0xffff, v3  }
0x1c5: {  	v3 =	vld.idx.msk [tilespmem:v4+s4+$0x0], $0xffff;
	v4 =	vor.u32 $0x603, v0  }
0x1c6: {  	v2 =	vadd.s32 $0x4, v2;
	_ =	sdelay $0x3  }
0x1c7: {  	[tilespmem:v4+s17+$0x0] =	vst.idx.msk $0xffff, v3  }
0x1c8: {  	v3 =	vor.u32 $0x604, v0;
	v2 =	vld.idx.msk [tilespmem:v2+s4+$0x0], $0xffff;
	_ =	sdelay $0x4  }
0x1c9: {  	[tilespmem:v3+s17+$0x0] =	vst.idx.msk $0xffff, v2  }
0x1ca: {  	v1 =	vmov v63;
	v63 =	vmov v62;
	v2 =	vld [tilespmem:s24+$0xC450]  }
0x1cb: {  	v62 =	vmovc v61;
	v61 =	vmovc v60;
	v60 =	vmov v59;
	v59 =	vmov v58;
	v58 =	vmov v57  }
0x1cc: {  	v57 =	vmovc v56;
	v56 =	vmovc v55;
	v55 =	vmov v54;
	v54 =	vmov v53;
	v53 =	vmov v52  }
0x1cd: {  	v52 =	vmovc v51;
	v51 =	vmovc v50;
	v50 =	vmov v49;
	v49 =	vmov v48;
	v48 =	vmov v47  }
0x1ce: {  	v47 =	vmovc v46;
	v46 =	vmovc v45;
	v45 =	vmov v44;
	v44 =	vmov v43;
	v43 =	vmov v42  }
0x1cf: {  	v42 =	vmovc v41;
	v41 =	vmovc v40;
	v40 =	vmov v39;
	v39 =	vmov v38;
	v2 =	vmul.u32 $0x5, v2  }
0x1d0: {  	v38 =	vmovc v37;
	v37 =	vmovc v36;
	v36 =	vmov v35;
	v35 =	vmov v34;
	v34 =	vmov v33  }
0x1d1: {  	v33 =	vmovc v32;
	v32 =	vmovc v31;
	v31 =	vmov v30;
	v30 =	vmov v29;
	v29 =	vmov v28  }
0x1d2: {  	v28 =	vmovc v27;
	v27 =	vmovc v26;
	v26 =	vmov v25;
	v25 =	vmov v24;
	v24 =	vmov v23  }
0x1d3: {  	v23 =	vmovc v22;
	v22 =	vmovc v21;
	v21 =	vmov v20;
	v20 =	vmov v19;
	v19 =	vmov v18  }
0x1d4: {  	v18 =	vmovc v17;
	v17 =	vmovc v16;
	v16 =	vmov v15;
	v15 =	vmov v14;
	v14 =	vmov v13  }
0x1d5: {  	v13 =	vmovc v12;
	v12 =	vmovc v11;
	v11 =	vmov v10;
	v10 =	vmov v9;
	v4 =	vor.u32 $0x680, v0;
	v3 =	vld.idx.msk [tilespmem:v2+s4+$0x0], $0xffff  }
0x1d6: {  	v9 =	vmovc v8;
	v8 =	vmovc v7;
	v7 =	vmov v6;
	v6 =	vmov v5;
	v5 =	vadd.s32 $0x1, v2;
	_ =	sdelay $0x3  }
0x1d7: {  	[tilespmem:v4+s17+$0x0] =	vst.idx.msk $0xffff, v3  }
0x1d8: {  	v4 =	vor.u32 $0x681, v0;
	v3 =	vld.idx.msk [tilespmem:v5+s4+$0x0], $0xffff  }
0x1d9: {  	v5 =	vadd.s32 $0x2, v2;
	_ =	sdelay $0x3  }
0x1da: {  	[tilespmem:v4+s17+$0x0] =	vst.idx.msk $0xffff, v3  }
0x1db: {  	v4 =	vor.u32 $0x682, v0;
	v3 =	vld.idx.msk [tilespmem:v5+s4+$0x0], $0xffff  }
0x1dc: {  	v5 =	vadd.s32 $0x3, v2;
	_ =	sdelay $0x3  }
0x1dd: {  	[tilespmem:v4+s17+$0x0] =	vst.idx.msk $0xffff, v3  }
0x1de: {  	v4 =	vor.u32 $0x683, v0;
	v3 =	vld.idx.msk [tilespmem:v5+s4+$0x0], $0xffff  }
0x1df: {  	v2 =	vadd.s32 $0x4, v2;
	_ =	sdelay $0x3  }
0x1e0: {  	[tilespmem:v4+s17+$0x0] =	vst.idx.msk $0xffff, v3  }
0x1e1: {  	v3 =	vor.u32 $0x684, v0;
	v2 =	vld.idx.msk [tilespmem:v2+s4+$0x0], $0xffff;
	_ =	sdelay $0x4  }
0x1e2: {  	[tilespmem:v3+s17+$0x0] =	vst.idx.msk $0xffff, v2  }
0x1e3: {  	v2 =	vld [tilespmem:s24+$0xC460];
	_ =	sdelay $0x4  }
0x1e4: {  	v2 =	vmul.u32 $0x5, v2;
	_ =	sdelay $0x5  }
0x1e5: {  	v4 =	vor.u32 $0x700, v0;
	v3 =	vld.idx.msk [tilespmem:v2+s4+$0x0], $0xffff  }
0x1e6: {  	v5 =	vadd.s32 $0x1, v2;
	_ =	sdelay $0x3  }
0x1e7: {  	[tilespmem:v4+s17+$0x0] =	vst.idx.msk $0xffff, v3  }
0x1e8: {  	v4 =	vor.u32 $0x701, v0;
	v3 =	vld.idx.msk [tilespmem:v5+s4+$0x0], $0xffff  }
0x1e9: {  	v5 =	vadd.s32 $0x2, v2;
	_ =	sdelay $0x3  }
0x1ea: {  	[tilespmem:v4+s17+$0x0] =	vst.idx.msk $0xffff, v3  }
0x1eb: {  	v4 =	vor.u32 $0x702, v0;
	v3 =	vld.idx.msk [tilespmem:v5+s4+$0x0], $0xffff  }
0x1ec: {  	v5 =	vadd.s32 $0x3, v2;
	_ =	sdelay $0x3  }
0x1ed: {  	[tilespmem:v4+s17+$0x0] =	vst.idx.msk $0xffff, v3  }
0x1ee: {  	v4 =	vor.u32 $0x703, v0;
	v3 =	vld.idx.msk [tilespmem:v5+s4+$0x0], $0xffff  }
0x1ef: {  	v2 =	vadd.s32 $0x4, v2;
	_ =	sdelay $0x3  }
0x1f0: {  	[tilespmem:v4+s17+$0x0] =	vst.idx.msk $0xffff, v3  }
0x1f1: {  	v3 =	vor.u32 $0x704, v0;
	v2 =	vld.idx.msk [tilespmem:v2+s4+$0x0], $0xffff;
	_ =	sdelay $0x4  }
0x1f2: {  	[tilespmem:v3+s17+$0x0] =	vst.idx.msk $0xffff, v2  }
0x1f3: {  	v2 =	vld [tilespmem:s24+$0xC470];
	_ =	sdelay $0x4  }
0x1f4: {  	v2 =	vmul.u32 $0x5, v2;
	_ =	sdelay $0x5  }
0x1f5: {  	v4 =	vor.u32 $0x780, v0;
	v3 =	vld.idx.msk [tilespmem:v2+s4+$0x0], $0xffff  }
0x1f6: {  	v5 =	vadd.s32 $0x1, v2;
	_ =	sdelay $0x3  }
0x1f7: {  	[tilespmem:v4+s17+$0x0] =	vst.idx.msk $0xffff, v3  }
0x1f8: {  	v4 =	vor.u32 $0x781, v0;
	v3 =	vld.idx.msk [tilespmem:v5+s4+$0x0], $0xffff  }
0x1f9: {  	v5 =	vadd.s32 $0x2, v2;
	_ =	sdelay $0x3  }
0x1fa: {  	[tilespmem:v4+s17+$0x0] =	vst.idx.msk $0xffff, v3  }
0x1fb: {  	v4 =	vor.u32 $0x782, v0;
	v3 =	vld.idx.msk [tilespmem:v5+s4+$0x0], $0xffff  }
0x1fc: {  	v5 =	vadd.s32 $0x3, v2;
	_ =	sdelay $0x3  }
0x1fd: {  	[tilespmem:v4+s17+$0x0] =	vst.idx.msk $0xffff, v3  }
0x1fe: {  	v4 =	vor.u32 $0x783, v0;
	v3 =	vld.idx.msk [tilespmem:v5+s4+$0x0], $0xffff  }
0x1ff: {  	v2 =	vadd.s32 $0x4, v2;
	_ =	sdelay $0x3  }
0x200: {  	[tilespmem:v4+s17+$0x0] =	vst.idx.msk $0xffff, v3  }
0x201: {  	v3 =	vor.u32 $0x784, v0;
	v2 =	vld.idx.msk [tilespmem:v2+s4+$0x0], $0xffff;
	_ =	sdelay $0x4  }
0x202: {  	[tilespmem:v3+s17+$0x0] =	vst.idx.msk $0xffff, v2  }
0x203: {  	v2 =	vld [tilespmem:s30+$0xC480];
	_ =	sdelay $0x4  }
0x204: {  	v2 =	vmul.u32 $0x5, v2;
	_ =	sdelay $0x5  }
0x205: {  	v4 =	vor.u32 $0x800, v0;
	v3 =	vld.idx.msk [tilespmem:v2+s4+$0x0], $0xffff  }
0x206: {  	v5 =	vadd.s32 $0x1, v2;
	_ =	sdelay $0x3  }
0x207: {  	[tilespmem:v4+s17+$0x0] =	vst.idx.msk $0xffff, v3  }
0x208: {  	v4 =	vor.u32 $0x801, v0;
	v3 =	vld.idx.msk [tilespmem:v5+s4+$0x0], $0xffff  }
0x209: {  	v5 =	vadd.s32 $0x2, v2;
	_ =	sdelay $0x3  }
0x20a: {  	[tilespmem:v4+s17+$0x0] =	vst.idx.msk $0xffff, v3  }
0x20b: {  	v4 =	vor.u32 $0x802, v0;
	v3 =	vld.idx.msk [tilespmem:v5+s4+$0x0], $0xffff  }
0x20c: {  	v5 =	vadd.s32 $0x3, v2;
	_ =	sdelay $0x3  }
0x20d: {  	[tilespmem:v4+s17+$0x0] =	vst.idx.msk $0xffff, v3  }
0x20e: {  	v4 =	vor.u32 $0x803, v0;
	v3 =	vld.idx.msk [tilespmem:v5+s4+$0x0], $0xffff  }
0x20f: {  	v2 =	vadd.s32 $0x4, v2;
	_ =	sdelay $0x3  }
0x210: {  	[tilespmem:v4+s17+$0x0] =	vst.idx.msk $0xffff, v3  }
0x211: {  	v3 =	vor.u32 $0x804, v0;
	v2 =	vld.idx.msk [tilespmem:v2+s4+$0x0], $0xffff;
	_ =	sdelay $0x4  }
0x212: {  	[tilespmem:v3+s17+$0x0] =	vst.idx.msk $0xffff, v2  }
0x213: {  	v2 =	vld [tilespmem:s24+$0xC490];
	_ =	sdelay $0x4  }
0x214: {  	v2 =	vmul.u32 $0x5, v2;
	_ =	sdelay $0x5  }
0x215: {  	v4 =	vor.u32 $0x880, v0;
	v3 =	vld.idx.msk [tilespmem:v2+s4+$0x0], $0xffff  }
0x216: {  	v5 =	vadd.s32 $0x1, v2;
	_ =	sdelay $0x3  }
0x217: {  	[tilespmem:v4+s17+$0x0] =	vst.idx.msk $0xffff, v3  }
0x218: {  	v4 =	vor.u32 $0x881, v0;
	v3 =	vld.idx.msk [tilespmem:v5+s4+$0x0], $0xffff  }
0x219: {  	v5 =	vadd.s32 $0x2, v2;
	_ =	sdelay $0x3  }
0x21a: {  	[tilespmem:v4+s17+$0x0] =	vst.idx.msk $0xffff, v3  }
0x21b: {  	v4 =	vor.u32 $0x882, v0;
	v3 =	vld.idx.msk [tilespmem:v5+s4+$0x0], $0xffff  }
0x21c: {  	v5 =	vadd.s32 $0x3, v2;
	_ =	sdelay $0x3  }
0x21d: {  	[tilespmem:v4+s17+$0x0] =	vst.idx.msk $0xffff, v3  }
0x21e: {  	v4 =	vor.u32 $0x883, v0;
	v3 =	vld.idx.msk [tilespmem:v5+s4+$0x0], $0xffff  }
0x21f: {  	v2 =	vadd.s32 $0x4, v2;
	_ =	sdelay $0x3  }
0x220: {  	[tilespmem:v4+s17+$0x0] =	vst.idx.msk $0xffff, v3  }
0x221: {  	v3 =	vor.u32 $0x884, v0;
	v2 =	vld.idx.msk [tilespmem:v2+s4+$0x0], $0xffff;
	_ =	sdelay $0x4  }
0x222: {  	[tilespmem:v3+s17+$0x0] =	vst.idx.msk $0xffff, v2  }
0x223: {  	v2 =	vld [tilespmem:s24+$0xC4A0];
	_ =	sdelay $0x4  }
0x224: {  	v2 =	vmul.u32 $0x5, v2;
	_ =	sdelay $0x5  }
0x225: {  	v4 =	vor.u32 $0x900, v0;
	v3 =	vld.idx.msk [tilespmem:v2+s4+$0x0], $0xffff  }
0x226: {  	v5 =	vadd.s32 $0x1, v2;
	_ =	sdelay $0x3  }
0x227: {  	[tilespmem:v4+s17+$0x0] =	vst.idx.msk $0xffff, v3  }
0x228: {  	v4 =	vor.u32 $0x901, v0;
	v3 =	vld.idx.msk [tilespmem:v5+s4+$0x0], $0xffff  }
0x229: {  	v5 =	vadd.s32 $0x2, v2;
	_ =	sdelay $0x3  }
0x22a: {  	[tilespmem:v4+s17+$0x0] =	vst.idx.msk $0xffff, v3  }
0x22b: {  	v4 =	vor.u32 $0x902, v0;
	v3 =	vld.idx.msk [tilespmem:v5+s4+$0x0], $0xffff  }
0x22c: {  	v5 =	vadd.s32 $0x3, v2;
	_ =	sdelay $0x3  }
0x22d: {  	[tilespmem:v4+s17+$0x0] =	vst.idx.msk $0xffff, v3  }
0x22e: {  	v4 =	vor.u32 $0x903, v0;
	v3 =	vld.idx.msk [tilespmem:v5+s4+$0x0], $0xffff  }
0x22f: {  	v2 =	vadd.s32 $0x4, v2;
	_ =	sdelay $0x3  }
0x230: {  	[tilespmem:v4+s17+$0x0] =	vst.idx.msk $0xffff, v3  }
0x231: {  	v3 =	vor.u32 $0x904, v0;
	v2 =	vld.idx.msk [tilespmem:v2+s4+$0x0], $0xffff;
	_ =	sdelay $0x4  }
0x232: {  	[tilespmem:v3+s17+$0x0] =	vst.idx.msk $0xffff, v2  }
0x233: {  	v2 =	vld [tilespmem:s24+$0xC4B0];
	_ =	sdelay $0x4  }
0x234: {  	v2 =	vmul.u32 $0x5, v2;
	_ =	sdelay $0x5  }
0x235: {  	v4 =	vor.u32 $0x980, v0;
	v3 =	vld.idx.msk [tilespmem:v2+s4+$0x0], $0xffff  }
0x236: {  	v5 =	vadd.s32 $0x1, v2;
	_ =	sdelay $0x3  }
0x237: {  	[tilespmem:v4+s17+$0x0] =	vst.idx.msk $0xffff, v3  }
0x238: {  	v4 =	vor.u32 $0x981, v0;
	v3 =	vld.idx.msk [tilespmem:v5+s4+$0x0], $0xffff  }
0x239: {  	v5 =	vadd.s32 $0x2, v2;
	_ =	sdelay $0x3  }
0x23a: {  	[tilespmem:v4+s17+$0x0] =	vst.idx.msk $0xffff, v3  }
0x23b: {  	v4 =	vor.u32 $0x982, v0;
	v3 =	vld.idx.msk [tilespmem:v5+s4+$0x0], $0xffff  }
0x23c: {  	v5 =	vadd.s32 $0x3, v2;
	_ =	sdelay $0x3  }
0x23d: {  	[tilespmem:v4+s17+$0x0] =	vst.idx.msk $0xffff, v3  }
0x23e: {  	v4 =	vor.u32 $0x983, v0;
	v3 =	vld.idx.msk [tilespmem:v5+s4+$0x0], $0xffff  }
0x23f: {  	v2 =	vadd.s32 $0x4, v2;
	_ =	sdelay $0x3  }
0x240: {  	[tilespmem:v4+s17+$0x0] =	vst.idx.msk $0xffff, v3  }
0x241: {  	v3 =	vor.u32 $0x984, v0;
	v2 =	vld.idx.msk [tilespmem:v2+s4+$0x0], $0xffff;
	_ =	sdelay $0x4  }
0x242: {  	[tilespmem:v3+s17+$0x0] =	vst.idx.msk $0xffff, v2  }
0x243: {  	v2 =	vld [tilespmem:s24+$0xC4C0];
	_ =	sdelay $0x4  }
0x244: {  	v2 =	vmul.u32 $0x5, v2;
	_ =	sdelay $0x5  }
0x245: {  	v4 =	vor.u32 $0xA00, v0;
	v3 =	vld.idx.msk [tilespmem:v2+s4+$0x0], $0xffff  }
0x246: {  	v5 =	vadd.s32 $0x1, v2;
	_ =	sdelay $0x3  }
0x247: {  	[tilespmem:v4+s17+$0x0] =	vst.idx.msk $0xffff, v3  }
0x248: {  	v4 =	vor.u32 $0xA01, v0;
	v3 =	vld.idx.msk [tilespmem:v5+s4+$0x0], $0xffff  }
0x249: {  	v5 =	vadd.s32 $0x2, v2;
	_ =	sdelay $0x3  }
0x24a: {  	[tilespmem:v4+s17+$0x0] =	vst.idx.msk $0xffff, v3  }
0x24b: {  	v4 =	vor.u32 $0xA02, v0;
	v3 =	vld.idx.msk [tilespmem:v5+s4+$0x0], $0xffff  }
0x24c: {  	v5 =	vadd.s32 $0x3, v2;
	_ =	sdelay $0x3  }
0x24d: {  	[tilespmem:v4+s17+$0x0] =	vst.idx.msk $0xffff, v3  }
0x24e: {  	v4 =	vor.u32 $0xA03, v0;
	v3 =	vld.idx.msk [tilespmem:v5+s4+$0x0], $0xffff  }
0x24f: {  	v2 =	vadd.s32 $0x4, v2;
	_ =	sdelay $0x3  }
0x250: {  	[tilespmem:v4+s17+$0x0] =	vst.idx.msk $0xffff, v3  }
0x251: {  	v3 =	vor.u32 $0xA04, v0;
	v2 =	vld.idx.msk [tilespmem:v2+s4+$0x0], $0xffff;
	_ =	sdelay $0x4  }
0x252: {  	[tilespmem:v3+s17+$0x0] =	vst.idx.msk $0xffff, v2  }
0x253: {  	v2 =	vld [tilespmem:s24+$0xC4D0];
	_ =	sdelay $0x4  }
0x254: {  	v2 =	vmul.u32 $0x5, v2;
	_ =	sdelay $0x5  }
0x255: {  	v4 =	vor.u32 $0xA80, v0;
	v3 =	vld.idx.msk [tilespmem:v2+s4+$0x0], $0xffff  }
0x256: {  	v5 =	vadd.s32 $0x1, v2;
	_ =	sdelay $0x3  }
0x257: {  	[tilespmem:v4+s17+$0x0] =	vst.idx.msk $0xffff, v3  }
0x258: {  	v4 =	vor.u32 $0xA81, v0;
	v3 =	vld.idx.msk [tilespmem:v5+s4+$0x0], $0xffff  }
0x259: {  	v5 =	vadd.s32 $0x2, v2;
	_ =	sdelay $0x3  }
0x25a: {  	[tilespmem:v4+s17+$0x0] =	vst.idx.msk $0xffff, v3  }
0x25b: {  	v4 =	vor.u32 $0xA82, v0;
	v3 =	vld.idx.msk [tilespmem:v5+s4+$0x0], $0xffff  }
0x25c: {  	v5 =	vadd.s32 $0x3, v2;
	_ =	sdelay $0x3  }
0x25d: {  	[tilespmem:v4+s17+$0x0] =	vst.idx.msk $0xffff, v3  }
0x25e: {  	v4 =	vor.u32 $0xA83, v0;
	v3 =	vld.idx.msk [tilespmem:v5+s4+$0x0], $0xffff  }
0x25f: {  	v2 =	vadd.s32 $0x4, v2;
	_ =	sdelay $0x3  }
0x260: {  	[tilespmem:v4+s17+$0x0] =	vst.idx.msk $0xffff, v3  }
0x261: {  	v3 =	vor.u32 $0xA84, v0;
	v2 =	vld.idx.msk [tilespmem:v2+s4+$0x0], $0xffff;
	_ =	sdelay $0x4  }
0x262: {  	[tilespmem:v3+s17+$0x0] =	vst.idx.msk $0xffff, v2  }
0x263: {  	v2 =	vld [tilespmem:s24+$0xC4E0];
	_ =	sdelay $0x4  }
0x264: {  	v2 =	vmul.u32 $0x5, v2;
	_ =	sdelay $0x5  }
0x265: {  	v4 =	vor.u32 $0xB00, v0;
	v3 =	vld.idx.msk [tilespmem:v2+s4+$0x0], $0xffff  }
0x266: {  	v5 =	vadd.s32 $0x1, v2;
	_ =	sdelay $0x3  }
0x267: {  	[tilespmem:v4+s17+$0x0] =	vst.idx.msk $0xffff, v3  }
0x268: {  	v4 =	vor.u32 $0xB01, v0;
	v3 =	vld.idx.msk [tilespmem:v5+s4+$0x0], $0xffff  }
0x269: {  	v5 =	vadd.s32 $0x2, v2;
	_ =	sdelay $0x3  }
0x26a: {  	[tilespmem:v4+s17+$0x0] =	vst.idx.msk $0xffff, v3  }
0x26b: {  	v4 =	vor.u32 $0xB02, v0;
	v3 =	vld.idx.msk [tilespmem:v5+s4+$0x0], $0xffff  }
0x26c: {  	v5 =	vadd.s32 $0x3, v2;
	_ =	sdelay $0x3  }
0x26d: {  	[tilespmem:v4+s17+$0x0] =	vst.idx.msk $0xffff, v3  }
0x26e: {  	v4 =	vor.u32 $0xB03, v0;
	v3 =	vld.idx.msk [tilespmem:v5+s4+$0x0], $0xffff  }
0x26f: {  	v2 =	vadd.s32 $0x4, v2;
	_ =	sdelay $0x3  }
0x270: {  	[tilespmem:v4+s17+$0x0] =	vst.idx.msk $0xffff, v3  }
0x271: {  	v3 =	vor.u32 $0xB04, v0;
	v2 =	vld.idx.msk [tilespmem:v2+s4+$0x0], $0xffff;
	_ =	sdelay $0x4  }
0x272: {  	[tilespmem:v3+s17+$0x0] =	vst.idx.msk $0xffff, v2  }
0x273: {  	v2 =	vld [tilespmem:s24+$0xC4F0];
	_ =	sdelay $0x4  }
0x274: {  	v2 =	vmul.u32 $0x5, v2;
	_ =	sdelay $0x5  }
0x275: {  	v4 =	vor.u32 $0xB80, v0;
	v3 =	vld.idx.msk [tilespmem:v2+s4+$0x0], $0xffff  }
0x276: {  	v5 =	vadd.s32 $0x1, v2;
	_ =	sdelay $0x3  }
0x277: {  	[tilespmem:v4+s17+$0x0] =	vst.idx.msk $0xffff, v3  }
0x278: {  	v4 =	vor.u32 $0xB81, v0;
	v3 =	vld.idx.msk [tilespmem:v5+s4+$0x0], $0xffff  }
0x279: {  	v5 =	vadd.s32 $0x2, v2;
	_ =	sdelay $0x3  }
0x27a: {  	[tilespmem:v4+s17+$0x0] =	vst.idx.msk $0xffff, v3  }
0x27b: {  	v4 =	vor.u32 $0xB82, v0;
	v3 =	vld.idx.msk [tilespmem:v5+s4+$0x0], $0xffff  }
0x27c: {  	v5 =	vadd.s32 $0x3, v2;
	_ =	sdelay $0x3  }
0x27d: {  	[tilespmem:v4+s17+$0x0] =	vst.idx.msk $0xffff, v3  }
0x27e: {  	v4 =	vor.u32 $0xB83, v0;
	v3 =	vld.idx.msk [tilespmem:v5+s4+$0x0], $0xffff  }
0x27f: {  	v2 =	vadd.s32 $0x4, v2;
	_ =	sdelay $0x3  }
0x280: {  	[tilespmem:v4+s17+$0x0] =	vst.idx.msk $0xffff, v3  }
0x281: {  	v3 =	vor.u32 $0xB84, v0;
	v2 =	vld.idx.msk [tilespmem:v2+s4+$0x0], $0xffff;
	_ =	sdelay $0x4  }
0x282: {  	[tilespmem:v3+s17+$0x0] =	vst.idx.msk $0xffff, v2  }
0x283: {  	v2 =	vld [tilespmem:s30+$0xC500];
	_ =	sdelay $0x4  }
0x284: {  	v2 =	vmul.u32 $0x5, v2;
	_ =	sdelay $0x5  }
0x285: {  	v4 =	vor.u32 $0xC00, v0;
	v3 =	vld.idx.msk [tilespmem:v2+s4+$0x0], $0xffff  }
0x286: {  	v5 =	vadd.s32 $0x1, v2;
	_ =	sdelay $0x3  }
0x287: {  	[tilespmem:v4+s17+$0x0] =	vst.idx.msk $0xffff, v3  }
0x288: {  	v4 =	vor.u32 $0xC01, v0;
	v3 =	vld.idx.msk [tilespmem:v5+s4+$0x0], $0xffff  }
0x289: {  	v5 =	vadd.s32 $0x2, v2;
	_ =	sdelay $0x3  }
0x28a: {  	[tilespmem:v4+s17+$0x0] =	vst.idx.msk $0xffff, v3  }
0x28b: {  	v4 =	vor.u32 $0xC02, v0;
	v3 =	vld.idx.msk [tilespmem:v5+s4+$0x0], $0xffff  }
0x28c: {  	v5 =	vadd.s32 $0x3, v2;
	_ =	sdelay $0x3  }
0x28d: {  	[tilespmem:v4+s17+$0x0] =	vst.idx.msk $0xffff, v3  }
0x28e: {  	v4 =	vor.u32 $0xC03, v0;
	v3 =	vld.idx.msk [tilespmem:v5+s4+$0x0], $0xffff  }
0x28f: {  	v2 =	vadd.s32 $0x4, v2;
	_ =	sdelay $0x3  }
0x290: {  	[tilespmem:v4+s17+$0x0] =	vst.idx.msk $0xffff, v3  }
0x291: {  	v3 =	vor.u32 $0xC04, v0;
	v2 =	vld.idx.msk [tilespmem:v2+s4+$0x0], $0xffff;
	_ =	sdelay $0x4  }
0x292: {  	[tilespmem:v3+s17+$0x0] =	vst.idx.msk $0xffff, v2  }
0x293: {  	_ =	swait.ge [sflag:s18], $0x2800  }
0x294: {  	[sflag:s18] =	ssyncset.done $0x0  }
0x295: {  	[sflag:s18] =	ssyncadd.s32 $0xFFFFD800  }
0x296: {  	_ =	swait.ge [sflag:s18], $0x2800  }
0x297: {  	[sflag:s18] =	ssyncset.done $0x0  }
0x298: {  	[sflag:s18] =	ssyncadd.s32 $0xFFFFD800  }
0x299: {  	v5 =	vmovc v6;
	v6 =	vmov v7;
	v7 =	vmov v8;
	v8 =	vmov v9;
	_ =	swait.ge [sflag:s18], $0x2800  }
0x29a: {  	v9 =	vmovc v10;
	v10 =	vmovc v11;
	v11 =	vmov v12;
	v12 =	vmov v13;
	v13 =	vmov v14;
	[sflag:s18] =	ssyncset.done $0x0  }
0x29b: {  	v14 =	vmovc v15;
	v15 =	vmovc v16;
	v16 =	vmov v17;
	v17 =	vmov v18;
	v18 =	vmov v19;
	[sflag:s18] =	ssyncadd.s32 $0xFFFFD800  }
0x29c: {  	v19 =	vmovc v20;
	v20 =	vmovc v21;
	v21 =	vmov v22;
	v22 =	vmov v23;
	v23 =	vmov v24;
	_ =	swait.ge [sflag:s18], $0x2800  }
0x29d: {  	v24 =	vmovc v25;
	v25 =	vmovc v26;
	v26 =	vmov v27;
	v27 =	vmov v28;
	v28 =	vmov v29;
	[sflag:s18] =	ssyncset.done $0x0  }
0x29e: {  	s23 =	sadd.s32 $0x640, s23;
	v29 =	vmovc v30;
	v30 =	vmovc v31;
	v31 =	vmov v32;
	v32 =	vmov v33;
	v33 =	vmov v34;
	[sflag:s18] =	ssyncadd.s32 $0xFFFFD800  }
0x29f: {  	p0 =	sne.s32 s23, $0x9C40;
	v34 =	vmovc v35;
	v35 =	vmovc v36;
	v36 =	vmov v37;
	v37 =	vmov v38;
	v38 =	vmov v39;
	_ =	swait.ge [sflag:s18], $0x2800  }
.Ltmp0:
0x2a0: {  	v39 =	vmovc v40;
	v40 =	vmovc v41;
	v41 =	vmov v42;
	v42 =	vmov v43;
	v43 =	vmov v44;
	[sflag:s18] =	ssyncset.done $0x0;
	(pc) =	sbr.rel @p0 .LBB2_2-.Ltmp0, $4  }
0x2a1: {  	v44 =	vmovc v45;
	v45 =	vmovc v46;
	v46 =	vmov v47;
	v47 =	vmov v48;
	v48 =	vmov v49;
	[sflag:s18] =	ssyncadd.s32 $0xFFFFD800  }
0x2a2: {  	v49 =	vmovc v50;
	v50 =	vmovc v51;
	v51 =	vmov v52;
	v52 =	vmov v53;
	v53 =	vmov v54;
	[hbm4b:s21+s4] =	stream.linear.scatter [tilespmem:s12], [sflag:$0x2], $0xC800, $0x38;
	[tilespmem:$0x1BF80] =	vst v63  }
0x2a3: {  	s31 =	sadd.s32 s22, s7;
	s22 =	sadd.s32 $0x190, s22;
	v54 =	vmovc v55;
	v55 =	vmovc v56;
	v56 =	vmov v57;
	v57 =	vmov v58;
	v58 =	vmov v59;
	s21 =	sadd.s32 $0x1900, s21  }
0x2a4: {  	v59 =	vmovc v60;
	v60 =	vmovc v61;
	v61 =	vmov v62;
	v62 =	vmov v63;
	v63 =	vmov v1;
	[hbm4b:s31+s4] =	stream.linear.scatter [tilespmem:s17], [sflag:$0x2], $0xC80, $0x38;
	[tilespmem:$0x1BF80] =	vst v63  }
0x2a5: {  	s20 =	sadd.s32 $0x1, s20  }
0x2a6: {  	_ =	swait.ge [sflag:s19], $0xC800;
	p0 =	sne.s32 s20, s6  }
.Ltmp1:
0x2a7: {  	[sflag:s19] =	ssyncset.done $0x0;
	(pc) =	sbr.rel @p0 .LBB2_1-.Ltmp1, $4  }
0x2a8: {  	[sflag:s19] =	ssyncadd.s32 $0xFFFF3800  }
0x2a9: {  	_ =	swait.ge [sflag:s19], $0xC80  }
0x2aa: {  	[sflag:s19] =	ssyncset.done $0x0  }
0x2ab: {  	[sflag:s19] =	ssyncadd.s32 $0xFFFFF380  }
0x2ac: {  	_ =	sfence.sel $0x180000  }
0x2ad: {  	[bflag:$0x0] =	sbarrier.arrive $0xFFFF  }
0x2ae: {  	p0 =	sne.s32 s3, $0x0;
	_ =	strace $0x90000047  }
0x2af: {  	s0 =	sadd.s32 @!p0 $0x100000, s2;
	[bflag:$0x2] =	sbarrier.arrive $0xFFFF  }
0x2b0: {  	[sflag:s0] =	ssyncadd.tile.s32 @!p0 $0x1;
	_ =	shalt  }
.Lfunc_end2:
_tile_overlayer_lowered:
.L_overlay_start_2:
0x2b1: {  	(tag) =	ssettag $0x2  }
0x2b2: {  	s0 =	rddreg [dreg:$0x0];
	s2 =	stileid.u32  }
0x2b3: {  	s1 =	rddreg [dreg:$0x1];
	p0 =	sne.s32 s2, $0x0  }
0x2b4: {  	s3 =	rddreg [dreg:$0x2];
	[bflag:$0x3] =	sbarrier.arrive $0xFFFF;
	s2 =	simm.s32 @!p0 $0x1C03  }
0x2b5: {  	[timem:s3], [sflag:s2] =	dma.local @!p0 [hbm:s0], s1  }
0x2b6: {  	s0 =	simm.s32 @!p0 $0x3  }
0x2b7: {  	_ =	swait.ge @!p0 [sflag:s0], s1  }
0x2b8: {  	s1 =	ssub.s32 @!p0 $0x0, s1;
	[sflag:s0] =	ssyncset.done @!p0 $0x0  }
0x2b9: {  	[sflag:s0] =	ssyncadd.s32 @!p0 s1  }
0x2ba: {  	[bflag:$0x3] =	sbarrier.arrive $0xFFFF  }
0x2bb: {  	_ =	shalt  }

</sc_bundles>
